<compile_context>
chip_gen: v7x
topology: tpu7x:2x2x1
jax: 0.10.2.dev20260603
libtpu: 0.0.44.dev20260713+nightly
codegen_flags: <defaults>
</compile_context>

<pallas_src>
import functools

import jax
import jax.numpy as jnp
from jax import lax
from jax.experimental import pallas as pl
from jax.experimental.pallas import tpu as pltpu
from jax.experimental.pallas import tpu_sc as plsc

N = 10000
D = 128
E = 320000

NC = 2
NS = 16
NW = NC * NS
EPT = E // NW
B = 80
NCHUNK = EPT // B
RPT = N // NS
RB = 5000
GRID = N // RB

_mesh = plsc.VectorSubcoreMesh(core_axis_name="c", subcore_axis_name="s")



NP = 10240
STRIPE = NP // NS
KB2 = 8
B2 = 125
NG2 = EPT // (KB2 * B2)


@functools.partial(
    pl.kernel,
    out_type=jax.ShapeDtypeStruct((NC, NP), jnp.float32),
    mesh=_mesh,
    scratch_types=[
        pltpu.VMEM((KB2, B2), jnp.int32),
        pltpu.VMEM((128,), jnp.float32),
        pltpu.VMEM((STRIPE,), jnp.float32),
        pltpu.VMEM_SHARED((NP,), jnp.float32),
        pltpu.SemaphoreType.DMA,
    ],
)
def _deg_kernel(dst3_hbm, out_hbm, didx_v, ones_v, zbuf_v, deg_sh, dsem):
    cid = lax.axis_index("c")
    sid = lax.axis_index("s")
    wid = sid * NC + cid

    for k in range(STRIPE // 16):
        zbuf_v[pl.ds(k * 16, 16)] = jnp.zeros((16,), jnp.float32)
    for k in range(128 // 16):
        ones_v[pl.ds(k * 16, 16)] = jnp.ones((16,), jnp.float32)

    pltpu.sync_copy(zbuf_v, deg_sh.at[pl.ds(sid * STRIPE, STRIPE)])
    plsc.subcore_barrier()

    def group(f, carry):
        pltpu.sync_copy(dst3_hbm.at[wid, pl.ds(f * KB2, KB2)], didx_v)
        for j in range(KB2):
            pltpu.async_copy(ones_v.at[pl.ds(0, B2)],
                             deg_sh.at[didx_v.at[j]], dsem, add=True)
        for j in range(KB2):
            pltpu.make_async_copy(ones_v.at[pl.ds(0, B2)],
                                  deg_sh.at[didx_v.at[0]], dsem).wait()
        return carry

    lax.fori_loop(0, NG2, group, 0)
    plsc.subcore_barrier()
    pltpu.sync_copy(deg_sh.at[pl.ds(sid * STRIPE, STRIPE)],
                    out_hbm.at[cid, pl.ds(sid * STRIPE, STRIPE)])



NBUF = 4


@functools.partial(
    pl.kernel,
    out_type=jax.ShapeDtypeStruct((NC, N, D), jnp.float32),
    mesh=_mesh,
    scratch_types=[
        pltpu.VMEM((16, B), jnp.int32),
        pltpu.VMEM((16, B), jnp.int32),
        pltpu.VMEM((NBUF, B, D), jnp.float32),
        pltpu.VMEM_SHARED((N, D), jnp.float32),
        pltpu.SemaphoreType.DMA,
        pltpu.SemaphoreType.DMA,
    ],
)
def _msg_kernel(g_hbm, src3_hbm, dst3_hbm, zeros_hbm, out_hbm,
                sidx_g, didx_g, rows_v, acc_sh, gsem, ssem0):
    cid = lax.axis_index("c")
    sid = lax.axis_index("s")
    wid = sid * NC + cid

    def fetch_group(f):
        p = lax.rem(f, 2)

        @pl.when(f < NCHUNK // 8)
        def _():
            pltpu.sync_copy(src3_hbm.at[wid, pl.ds(f * 8, 8)],
                            sidx_g.at[pl.ds(8 * p, 8)])
            pltpu.sync_copy(dst3_hbm.at[wid, pl.ds(f * 8, 8)],
                            didx_g.at[pl.ds(8 * p, 8)])

        @pl.when(f == NCHUNK // 8)
        def _():
            pltpu.sync_copy(src3_hbm.at[wid, pl.ds(120, NCHUNK - 120)],
                            sidx_g.at[pl.ds(8 * p, NCHUNK - 120)])
            pltpu.sync_copy(dst3_hbm.at[wid, pl.ds(120, NCHUNK - 120)],
                            didx_g.at[pl.ds(8 * p, NCHUNK - 120)])

    def idx_row(c):
        return 8 * lax.rem(lax.div(c, 8), 2) + lax.rem(c, 8)

    def gather(c):
        pltpu.async_copy(g_hbm.at[sidx_g.at[idx_row(c)]],
                         rows_v.at[lax.rem(c, NBUF)], gsem)

    def wait_gather(c):
        pltpu.make_async_copy(g_hbm.at[sidx_g.at[0]],
                              rows_v.at[lax.rem(c, NBUF)], gsem).wait()

    def scatter(c, sem):
        pltpu.async_copy(rows_v.at[lax.rem(c, NBUF)],
                         acc_sh.at[didx_g.at[idx_row(c)]], sem, add=True)

    def drain_scatter(sem):
        pltpu.make_async_copy(rows_v.at[0], acc_sh.at[didx_g.at[0]],
                              sem).wait()

    fetch_group(0)
    gather(0)
    gather(1)
    gather(2)

    @pl.when(sid < 15)
    def _():
        pltpu.sync_copy(zeros_hbm.at[pl.ds(sid * STRIPE, STRIPE)],
                        acc_sh.at[pl.ds(sid * STRIPE, STRIPE)])

    @pl.when(sid == 15)
    def _():
        pltpu.sync_copy(zeros_hbm.at[pl.ds(15 * STRIPE, N - 15 * STRIPE)],
                        acc_sh.at[pl.ds(15 * STRIPE, N - 15 * STRIPE)])

    plsc.subcore_barrier()

    def step(c, carry):
        wait_gather(c)

        @pl.when(c >= 1)
        def _():
            drain_scatter(ssem0)

        scatter(c, ssem0)

        @pl.when(c + 3 < NCHUNK)
        def _():
            @pl.when(lax.rem(c + 3, 8) == 0)
            def _():
                fetch_group(lax.div(c + 3, 8))

            gather(c + 3)

        return carry

    lax.fori_loop(0, NCHUNK, step, 0)
    drain_scatter(ssem0)
    plsc.subcore_barrier()

    @pl.when(sid < 15)
    def _():
        pltpu.sync_copy(acc_sh.at[pl.ds(sid * STRIPE, STRIPE)],
                        out_hbm.at[cid, pl.ds(sid * STRIPE, STRIPE)])

    @pl.when(sid == 15)
    def _():
        pltpu.sync_copy(acc_sh.at[pl.ds(15 * STRIPE, N - 15 * STRIPE)],
                        out_hbm.at[cid, pl.ds(15 * STRIPE, N - 15 * STRIPE)])



def _dinv_block(degp):
    deg = jnp.sum(degp, axis=1) + 1.0
    return lax.rsqrt(deg)


def _tc_pre_body(x_ref, w_ref, degp_ref, g_ref):
    dinv = _dinv_block(degp_ref[...])
    h = jnp.dot(x_ref[...], w_ref[...], preferred_element_type=jnp.float32)
    g_ref[...] = h * dinv[:, None]


def _tc_mid_body(p_ref, g1_ref, degp_ref, b_ref, w_ref, g2_ref):
    dinv = _dinv_block(degp_ref[...])
    s = p_ref[0] + p_ref[1] + g1_ref[...]
    z = jnp.maximum(s * dinv[:, None] + b_ref[...], 0.0)
    h2 = jnp.dot(z, w_ref[...], preferred_element_type=jnp.float32)
    g2_ref[...] = h2 * dinv[:, None]


def _tc_post_body(p_ref, g2_ref, degp_ref, b_ref, out_ref):
    dinv = _dinv_block(degp_ref[...])
    s = p_ref[0] + p_ref[1] + g2_ref[...]
    out_ref[...] = s * dinv[:, None] + b_ref[...]


_x_spec = pl.BlockSpec((RB, D), lambda i: (i, 0))
_w_spec = pl.BlockSpec((D, D), lambda i: (0, 0))
_degp_spec = pl.BlockSpec((RB, NC), lambda i: (i, 0))
_p_spec = pl.BlockSpec((NC, RB, D), lambda i: (0, i, 0))
_b_spec = pl.BlockSpec((1, D), lambda i: (0, 0))
_out_spec = pl.BlockSpec((RB, D), lambda i: (i, 0))
_out_shape = jax.ShapeDtypeStruct((N, D), jnp.float32)

_tc_pre = pl.pallas_call(
    _tc_pre_body, grid=(GRID,),
    in_specs=[_x_spec, _w_spec, _degp_spec],
    out_specs=_out_spec, out_shape=_out_shape)

_tc_mid = pl.pallas_call(
    _tc_mid_body, grid=(GRID,),
    in_specs=[_p_spec, _x_spec, _degp_spec, _b_spec, _w_spec],
    out_specs=_out_spec, out_shape=_out_shape)

_tc_post = pl.pallas_call(
    _tc_post_body, grid=(GRID,),
    in_specs=[_p_spec, _x_spec, _degp_spec, _b_spec],
    out_specs=_out_spec, out_shape=_out_shape)


@jax.jit
def kernel(x, edge_index, batch, W1, b1, W2, b2):
    src = edge_index[0]
    dst = edge_index[1]
    src3 = src.reshape(NW, NCHUNK, B)
    dst3 = dst.reshape(NW, NCHUNK, B)
    zeros = jnp.zeros((N, D), jnp.float32)
    b1r = b1.reshape(1, D)
    b2r = b2.reshape(1, D)

    degp = _deg_kernel(dst.reshape(NW, EPT // B2, B2)).T[:N]
    g1 = _tc_pre(x, W1, degp)
    p1 = _msg_kernel(g1, src3, dst3, zeros)
    g2 = _tc_mid(p1, g1, degp, b1r, W2)
    p2 = _msg_kernel(g2, src3, dst3, zeros)
    out = _tc_post(p2, g2, degp, b2r)
    return out

# --- scband reference (transcript-rebuilt; emitter-appended) ---
"""Pipeline reference for scband-gnn-10746008174936 (READ-ONLY COPY).

The authoritative reference and input builder live on the scoring server;
editing this copy changes nothing except your own understanding.
"""

import jax, jax.numpy as jnp
import numpy as np

N = 10000
D_IN = 128
D_HID = 128
E = 320000


def setup_inputs(seed: int = 0) -> dict:
    key = jax.random.key(seed)
    ks = jax.random.split(key, 6)
    x = jax.random.normal(ks[0], (N, D_IN), dtype=jnp.float32)
    edge_index = jax.random.randint(ks[1], (2, E), 0, N)
    batch = jnp.zeros((N,), dtype=jnp.int32)
    W1 = jax.random.normal(ks[2], (D_IN, D_HID), dtype=jnp.float32) * (1.0 / np.sqrt(D_IN))
    b1 = jnp.zeros((D_HID,), dtype=jnp.float32)
    W2 = jax.random.normal(ks[3], (D_HID, D_HID), dtype=jnp.float32) * (1.0 / np.sqrt(D_HID))
    b2 = jnp.zeros((D_HID,), dtype=jnp.float32)
    return {"x": x, "edge_index": edge_index, "batch": batch, "W1": W1, "b1": b1, "W2": W2, "b2": b2}


def _gcn_conv(x, edge_index, W, b):
    # Faithful PyG GCNConv: add self-loops, symmetric normalization, linear transform, scatter-add aggregation, bias.
    n = x.shape[0]
    loop = jnp.arange(n, dtype=edge_index.dtype)
    src = jnp.concatenate([edge_index[0], loop])
    dst = jnp.concatenate([edge_index[1], loop])
    deg = jnp.zeros((n,), dtype=x.dtype).at[dst].add(1.0)
    dinv = jnp.where(deg > 0, jax.lax.rsqrt(jnp.maximum(deg, 1e-12)), 0.0)
    norm = dinv[src] * dinv[dst]
    h = x @ W
    msg = h[src] * norm[:, None]
    out = jnp.zeros((n, h.shape[1]), dtype=x.dtype).at[dst].add(msg)
    return out + b


def reference(x, edge_index, batch, W1, b1, W2, b2):
    h = jax.nn.relu(_gcn_conv(x, edge_index, W1, b1))
    out = _gcn_conv(h, edge_index, W2, b2)
    return out

if __name__ == "__main__":
    import jax
    _d = setup_inputs()
    print(jax.jit(kernel)(*tuple(_d.values())))

</pallas_src>

<mosaic_0001>
#map = affine_map<(d0, d1) -> (0, 0)>
#map1 = affine_map<(d0, d1) -> (0, 0, 0)>
module attributes {stable_mosaic.version = 14 : i64} {
  func.func @_msg_kernel(%arg0: i32, %arg1: i32, %arg2: memref<10000x128xf32, #tpu.memory_space<hbm>>, %arg3: memref<32x125x80xi32, #tpu.memory_space<hbm>>, %arg4: memref<32x125x80xi32, #tpu.memory_space<hbm>>, %arg5: memref<10000x128xf32, #tpu.memory_space<hbm>>, %arg6: memref<2x10000x128xf32, #tpu.memory_space<hbm>>, %arg7: memref<16x80xi32, #tpu.memory_space<vmem>>, %arg8: memref<16x80xi32, #tpu.memory_space<vmem>>, %arg9: memref<4x80x128xf32, #tpu.memory_space<vmem>>, %arg10: memref<10000x128xf32, #tpu.memory_space<vmem_shared>>, %arg11: memref<!tpu.dma_semaphore, #tpu.memory_space<semaphore_mem>>, %arg12: memref<!tpu.dma_semaphore, #tpu.memory_space<semaphore_mem>>) attributes {dimension_semantics = [#tpu.dimension_semantics<core_parallel>, #tpu.dimension_semantics<subcore_parallel>], iteration_bounds = array<i64: 2, 16>, scalar_prefetch = 0 : i64, scratch_operands = 6 : i64, tpu.core_type = #tpu.core_type<sc_vector_subcore>, window_params = [{transform_indices = #map}, {transform_indices = #map1}, {transform_indices = #map1}, {transform_indices = #map}, {transform_indices = #map1}]} {
    %mul3A = arith.constant 2 : i32
    %mul3A_0 = arith.muli %arg1, %mul3A : i32
    %add3A = arith.addi %mul3A_0, %arg0 : i32
    %rem3A = arith.constant 0 : i32
    %rem3A_1 = arith.constant 2 : i32
    %rem3A_2 = arith.remsi %rem3A, %rem3A_1 : i32
    %mul3A_3 = arith.constant 8 : i32
    %mul3A_4 = arith.muli %mul3A_3, %rem3A_2 : i32
    "tpu.region"() ({
      %run_scoped3A = tpu.sem_alloc : memref<!tpu.dma_semaphore, #tpu.memory_space<semaphore_mem>>
      %dma_start3A_110 = arith.constant 0 : i32
      %dma_start3A_111 = tpu.memref_slice %arg7[%mul3A_4, %dma_start3A_110] : memref<16x80xi32, #tpu.memory_space<vmem>> -> memref<8x80xi32, #tpu.memory_space<vmem>>
      %dma_start3A_112 = arith.constant 0 : i32
      %dma_start3A_113 = arith.constant 0 : i32
      %dma_start3A_114 = tpu.memref_slice %arg3[%add3A, %dma_start3A_112, %dma_start3A_113] : memref<32x125x80xi32, #tpu.memory_space<hbm>> -> memref<1x8x80xi32, #tpu.memory_space<hbm>>
      %dma_start3A_115 = tpu.memref_squeeze %dma_start3A_114 : memref<1x8x80xi32, #tpu.memory_space<hbm>> -> memref<8x80xi32, #tpu.memory_space<hbm>>
      %dma_start3A_116 = arith.constant 0 : i32
      %dma_start3A_117 = tpu.memref_slice %arg7[%mul3A_4, %dma_start3A_116] : memref<16x80xi32, #tpu.memory_space<vmem>> -> memref<8x80xi32, #tpu.memory_space<vmem>>
      %dma_start3A_118 = arith.constant 0 : i32
      %dma_start3A_119 = arith.constant 0 : i32
      %dma_start3A_120 = tpu.memref_slice %arg3[%add3A, %dma_start3A_118, %dma_start3A_119] : memref<32x125x80xi32, #tpu.memory_space<hbm>> -> memref<1x8x80xi32, #tpu.memory_space<hbm>>
      %dma_start3A_121 = tpu.memref_squeeze %dma_start3A_120 : memref<1x8x80xi32, #tpu.memory_space<hbm>> -> memref<8x80xi32, #tpu.memory_space<hbm>>
      tpu.enqueue_dma source(%dma_start3A_121 : memref<8x80xi32, #tpu.memory_space<hbm>>) target(%dma_start3A_117 : memref<8x80xi32, #tpu.memory_space<vmem>>) target_semaphore(%run_scoped3A : memref<!tpu.dma_semaphore, #tpu.memory_space<semaphore_mem>>)
      %dma_wait3A_122 = arith.constant 0 : i32
      %dma_wait3A_123 = tpu.memref_slice %arg7[%mul3A_4, %dma_wait3A_122] : memref<16x80xi32, #tpu.memory_space<vmem>> -> memref<8x80xi32, #tpu.memory_space<vmem>>
      %dma_wait3A_124 = arith.constant 0 : i32
      %dma_wait3A_125 = arith.constant 0 : i32
      %dma_wait3A_126 = tpu.memref_slice %arg3[%add3A, %dma_wait3A_124, %dma_wait3A_125] : memref<32x125x80xi32, #tpu.memory_space<hbm>> -> memref<1x8x80xi32, #tpu.memory_space<hbm>>
      %dma_wait3A_127 = tpu.memref_squeeze %dma_wait3A_126 : memref<1x8x80xi32, #tpu.memory_space<hbm>> -> memref<8x80xi32, #tpu.memory_space<hbm>>
      %dma_wait3A_128 = arith.constant 0 : i32
      %dma_wait3A_129 = tpu.memref_slice %arg7[%mul3A_4, %dma_wait3A_128] : memref<16x80xi32, #tpu.memory_space<vmem>> -> memref<8x80xi32, #tpu.memory_space<vmem>>
      %dma_wait3A_130 = arith.constant 0 : i32
      %dma_wait3A_131 = arith.constant 0 : i32
      %dma_wait3A_132 = tpu.memref_slice %arg3[%add3A, %dma_wait3A_130, %dma_wait3A_131] : memref<32x125x80xi32, #tpu.memory_space<hbm>> -> memref<1x8x80xi32, #tpu.memory_space<hbm>>
      %dma_wait3A_133 = tpu.memref_squeeze %dma_wait3A_132 : memref<1x8x80xi32, #tpu.memory_space<hbm>> -> memref<8x80xi32, #tpu.memory_space<hbm>>
      tpu.wait_dma2 semaphore(%run_scoped3A : memref<!tpu.dma_semaphore, #tpu.memory_space<semaphore_mem>>) src(%dma_wait3A_133 : memref<8x80xi32, #tpu.memory_space<hbm>>) dst(%dma_wait3A_129 : memref<8x80xi32, #tpu.memory_space<vmem>>)
      tpu.yield
    }) : () -> ()
    %mul3A_5 = arith.constant 8 : i32
    %mul3A_6 = arith.muli %mul3A_5, %rem3A_2 : i32
    "tpu.region"() ({
      %run_scoped3A = tpu.sem_alloc : memref<!tpu.dma_semaphore, #tpu.memory_space<semaphore_mem>>
      %dma_start3A_110 = arith.constant 0 : i32
      %dma_start3A_111 = tpu.memref_slice %arg8[%mul3A_6, %dma_start3A_110] : memref<16x80xi32, #tpu.memory_space<vmem>> -> memref<8x80xi32, #tpu.memory_space<vmem>>
      %dma_start3A_112 = arith.constant 0 : i32
      %dma_start3A_113 = arith.constant 0 : i32
      %dma_start3A_114 = tpu.memref_slice %arg4[%add3A, %dma_start3A_112, %dma_start3A_113] : memref<32x125x80xi32, #tpu.memory_space<hbm>> -> memref<1x8x80xi32, #tpu.memory_space<hbm>>
      %dma_start3A_115 = tpu.memref_squeeze %dma_start3A_114 : memref<1x8x80xi32, #tpu.memory_space<hbm>> -> memref<8x80xi32, #tpu.memory_space<hbm>>
      %dma_start3A_116 = arith.constant 0 : i32
      %dma_start3A_117 = tpu.memref_slice %arg8[%mul3A_6, %dma_start3A_116] : memref<16x80xi32, #tpu.memory_space<vmem>> -> memref<8x80xi32, #tpu.memory_space<vmem>>
      %dma_start3A_118 = arith.constant 0 : i32
      %dma_start3A_119 = arith.constant 0 : i32
      %dma_start3A_120 = tpu.memref_slice %arg4[%add3A, %dma_start3A_118, %dma_start3A_119] : memref<32x125x80xi32, #tpu.memory_space<hbm>> -> memref<1x8x80xi32, #tpu.memory_space<hbm>>
      %dma_start3A_121 = tpu.memref_squeeze %dma_start3A_120 : memref<1x8x80xi32, #tpu.memory_space<hbm>> -> memref<8x80xi32, #tpu.memory_space<hbm>>
      tpu.enqueue_dma source(%dma_start3A_121 : memref<8x80xi32, #tpu.memory_space<hbm>>) target(%dma_start3A_117 : memref<8x80xi32, #tpu.memory_space<vmem>>) target_semaphore(%run_scoped3A : memref<!tpu.dma_semaphore, #tpu.memory_space<semaphore_mem>>)
      %dma_wait3A_122 = arith.constant 0 : i32
      %dma_wait3A_123 = tpu.memref_slice %arg8[%mul3A_6, %dma_wait3A_122] : memref<16x80xi32, #tpu.memory_space<vmem>> -> memref<8x80xi32, #tpu.memory_space<vmem>>
      %dma_wait3A_124 = arith.constant 0 : i32
      %dma_wait3A_125 = arith.constant 0 : i32
      %dma_wait3A_126 = tpu.memref_slice %arg4[%add3A, %dma_wait3A_124, %dma_wait3A_125] : memref<32x125x80xi32, #tpu.memory_space<hbm>> -> memref<1x8x80xi32, #tpu.memory_space<hbm>>
      %dma_wait3A_127 = tpu.memref_squeeze %dma_wait3A_126 : memref<1x8x80xi32, #tpu.memory_space<hbm>> -> memref<8x80xi32, #tpu.memory_space<hbm>>
      %dma_wait3A_128 = arith.constant 0 : i32
      %dma_wait3A_129 = tpu.memref_slice %arg8[%mul3A_6, %dma_wait3A_128] : memref<16x80xi32, #tpu.memory_space<vmem>> -> memref<8x80xi32, #tpu.memory_space<vmem>>
      %dma_wait3A_130 = arith.constant 0 : i32
      %dma_wait3A_131 = arith.constant 0 : i32
      %dma_wait3A_132 = tpu.memref_slice %arg4[%add3A, %dma_wait3A_130, %dma_wait3A_131] : memref<32x125x80xi32, #tpu.memory_space<hbm>> -> memref<1x8x80xi32, #tpu.memory_space<hbm>>
      %dma_wait3A_133 = tpu.memref_squeeze %dma_wait3A_132 : memref<1x8x80xi32, #tpu.memory_space<hbm>> -> memref<8x80xi32, #tpu.memory_space<hbm>>
      tpu.wait_dma2 semaphore(%run_scoped3A : memref<!tpu.dma_semaphore, #tpu.memory_space<semaphore_mem>>) src(%dma_wait3A_133 : memref<8x80xi32, #tpu.memory_space<hbm>>) dst(%dma_wait3A_129 : memref<8x80xi32, #tpu.memory_space<vmem>>)
      tpu.yield
    }) : () -> ()
    %div3A = arith.constant 0 : i32
    %div3A_7 = arith.constant 8 : i32
    %div3A_8 = arith.divsi %div3A, %div3A_7 : i32
    %rem3A_9 = arith.constant 2 : i32
    %rem3A_10 = arith.remsi %div3A_8, %rem3A_9 : i32
    %mul3A_11 = arith.constant 8 : i32
    %mul3A_12 = arith.muli %mul3A_11, %rem3A_10 : i32
    %rem3A_13 = arith.constant 0 : i32
    %rem3A_14 = arith.constant 8 : i32
    %rem3A_15 = arith.remsi %rem3A_13, %rem3A_14 : i32
    %add3A_16 = arith.addi %mul3A_12, %rem3A_15 : i32
    %rem3A_17 = arith.constant 0 : i32
    %rem3A_18 = arith.constant 4 : i32
    %rem3A_19 = arith.remsi %rem3A_17, %rem3A_18 : i32
    %dma_start3A = arith.constant 0 : i32
    %dma_start3A_20 = arith.constant 0 : i32
    %dma_start3A_21 = tpu.memref_slice %arg9[%rem3A_19, %dma_start3A, %dma_start3A_20] : memref<4x80x128xf32, #tpu.memory_space<vmem>> -> memref<1x80x128xf32, #tpu.memory_space<vmem>>
    %dma_start3A_22 = tpu.memref_squeeze %dma_start3A_21 : memref<1x80x128xf32, #tpu.memory_space<vmem>> -> memref<80x128xf32, #tpu.memory_space<vmem>>
    %dma_start3A_23 = arith.constant 0 : i32
    %dma_start3A_24 = tpu.memref_slice %arg7[%add3A_16, %dma_start3A_23] : memref<16x80xi32, #tpu.memory_space<vmem>> -> memref<1x80xi32, #tpu.memory_space<vmem>>
    %dma_start3A_25 = tpu.memref_squeeze %dma_start3A_24 : memref<1x80xi32, #tpu.memory_space<vmem>> -> memref<80xi32, #tpu.memory_space<vmem>>
    %dma_start3A_26 = arith.constant 0 : i32
    %dma_start3A_27 = arith.constant 0 : i32
    %dma_start3A_28 = tpu.memref_slice %arg2[%dma_start3A_26, %dma_start3A_27] : memref<10000x128xf32, #tpu.memory_space<hbm>> -> memref<10000x128xf32, #tpu.memory_space<hbm>>
    tpu.enqueue_indirect_dma source(%dma_start3A_28 : memref<10000x128xf32, #tpu.memory_space<hbm>>) target(%dma_start3A_22 : memref<80x128xf32, #tpu.memory_space<vmem>>) offsets(%dma_start3A_25 : memref<80xi32, #tpu.memory_space<vmem>>) semaphore(%arg11 : memref<!tpu.dma_semaphore, #tpu.memory_space<semaphore_mem>>)
    %div3A_29 = arith.constant 1 : i32
    %div3A_30 = arith.constant 8 : i32
    %div3A_31 = arith.divsi %div3A_29, %div3A_30 : i32
    %rem3A_32 = arith.constant 2 : i32
    %rem3A_33 = arith.remsi %div3A_31, %rem3A_32 : i32
    %mul3A_34 = arith.constant 8 : i32
    %mul3A_35 = arith.muli %mul3A_34, %rem3A_33 : i32
    %rem3A_36 = arith.constant 1 : i32
    %rem3A_37 = arith.constant 8 : i32
    %rem3A_38 = arith.remsi %rem3A_36, %rem3A_37 : i32
    %add3A_39 = arith.addi %mul3A_35, %rem3A_38 : i32
    %rem3A_40 = arith.constant 1 : i32
    %rem3A_41 = arith.constant 4 : i32
    %rem3A_42 = arith.remsi %rem3A_40, %rem3A_41 : i32
    %dma_start3A_43 = arith.constant 0 : i32
    %dma_start3A_44 = arith.constant 0 : i32
    %dma_start3A_45 = tpu.memref_slice %arg9[%rem3A_42, %dma_start3A_43, %dma_start3A_44] : memref<4x80x128xf32, #tpu.memory_space<vmem>> -> memref<1x80x128xf32, #tpu.memory_space<vmem>>
    %dma_start3A_46 = tpu.memref_squeeze %dma_start3A_45 : memref<1x80x128xf32, #tpu.memory_space<vmem>> -> memref<80x128xf32, #tpu.memory_space<vmem>>
    %dma_start3A_47 = arith.constant 0 : i32
    %dma_start3A_48 = tpu.memref_slice %arg7[%add3A_39, %dma_start3A_47] : memref<16x80xi32, #tpu.memory_space<vmem>> -> memref<1x80xi32, #tpu.memory_space<vmem>>
    %dma_start3A_49 = tpu.memref_squeeze %dma_start3A_48 : memref<1x80xi32, #tpu.memory_space<vmem>> -> memref<80xi32, #tpu.memory_space<vmem>>
    %dma_start3A_50 = arith.constant 0 : i32
    %dma_start3A_51 = arith.constant 0 : i32
    %dma_start3A_52 = tpu.memref_slice %arg2[%dma_start3A_50, %dma_start3A_51] : memref<10000x128xf32, #tpu.memory_space<hbm>> -> memref<10000x128xf32, #tpu.memory_space<hbm>>
    tpu.enqueue_indirect_dma source(%dma_start3A_52 : memref<10000x128xf32, #tpu.memory_space<hbm>>) target(%dma_start3A_46 : memref<80x128xf32, #tpu.memory_space<vmem>>) offsets(%dma_start3A_49 : memref<80xi32, #tpu.memory_space<vmem>>) semaphore(%arg11 : memref<!tpu.dma_semaphore, #tpu.memory_space<semaphore_mem>>)
    %div3A_53 = arith.constant 2 : i32
    %div3A_54 = arith.constant 8 : i32
    %div3A_55 = arith.divsi %div3A_53, %div3A_54 : i32
    %rem3A_56 = arith.constant 2 : i32
    %rem3A_57 = arith.remsi %div3A_55, %rem3A_56 : i32
    %mul3A_58 = arith.constant 8 : i32
    %mul3A_59 = arith.muli %mul3A_58, %rem3A_57 : i32
    %rem3A_60 = arith.constant 2 : i32
    %rem3A_61 = arith.constant 8 : i32
    %rem3A_62 = arith.remsi %rem3A_60, %rem3A_61 : i32
    %add3A_63 = arith.addi %mul3A_59, %rem3A_62 : i32
    %rem3A_64 = arith.constant 2 : i32
    %rem3A_65 = arith.constant 4 : i32
    %rem3A_66 = arith.remsi %rem3A_64, %rem3A_65 : i32
    %dma_start3A_67 = arith.constant 0 : i32
    %dma_start3A_68 = arith.constant 0 : i32
    %dma_start3A_69 = tpu.memref_slice %arg9[%rem3A_66, %dma_start3A_67, %dma_start3A_68] : memref<4x80x128xf32, #tpu.memory_space<vmem>> -> memref<1x80x128xf32, #tpu.memory_space<vmem>>
    %dma_start3A_70 = tpu.memref_squeeze %dma_start3A_69 : memref<1x80x128xf32, #tpu.memory_space<vmem>> -> memref<80x128xf32, #tpu.memory_space<vmem>>
    %dma_start3A_71 = arith.constant 0 : i32
    %dma_start3A_72 = tpu.memref_slice %arg7[%add3A_63, %dma_start3A_71] : memref<16x80xi32, #tpu.memory_space<vmem>> -> memref<1x80xi32, #tpu.memory_space<vmem>>
    %dma_start3A_73 = tpu.memref_squeeze %dma_start3A_72 : memref<1x80xi32, #tpu.memory_space<vmem>> -> memref<80xi32, #tpu.memory_space<vmem>>
    %dma_start3A_74 = arith.constant 0 : i32
    %dma_start3A_75 = arith.constant 0 : i32
    %dma_start3A_76 = tpu.memref_slice %arg2[%dma_start3A_74, %dma_start3A_75] : memref<10000x128xf32, #tpu.memory_space<hbm>> -> memref<10000x128xf32, #tpu.memory_space<hbm>>
    tpu.enqueue_indirect_dma source(%dma_start3A_76 : memref<10000x128xf32, #tpu.memory_space<hbm>>) target(%dma_start3A_70 : memref<80x128xf32, #tpu.memory_space<vmem>>) offsets(%dma_start3A_73 : memref<80xi32, #tpu.memory_space<vmem>>) semaphore(%arg11 : memref<!tpu.dma_semaphore, #tpu.memory_space<semaphore_mem>>)
    %lt3A = arith.constant 15 : i32
    %lt3A_77 = arith.cmpi slt, %arg1, %lt3A : i32
    %convert_element_type3A = arith.extui %lt3A_77 : i1 to i32
    %cond3A = arith.constant 0 : i32
    %cond3A_78 = arith.cmpi ne, %convert_element_type3A, %cond3A : i32
    scf.if %cond3A_78 {
      %mul3A_110 = arith.constant 640 : i32
      %mul3A_111 = arith.muli %arg1, %mul3A_110 : i32
      %mul3A_112 = arith.constant 640 : i32
      %mul3A_113 = arith.muli %arg1, %mul3A_112 : i32
      "tpu.region"() ({
        %run_scoped3A = tpu.sem_alloc : memref<!tpu.dma_semaphore, #tpu.memory_space<semaphore_mem>>
        %dma_start3A_114 = arith.constant 0 : i32
        %dma_start3A_115 = tpu.memref_slice %arg10[%mul3A_113, %dma_start3A_114] : memref<10000x128xf32, #tpu.memory_space<vmem_shared>> -> memref<640x128xf32, #tpu.memory_space<vmem_shared>>
        %dma_start3A_116 = arith.constant 0 : i32
        %dma_start3A_117 = tpu.memref_slice %arg5[%mul3A_111, %dma_start3A_116] : memref<10000x128xf32, #tpu.memory_space<hbm>> -> memref<640x128xf32, #tpu.memory_space<hbm>>
        tpu.enqueue_dma source(%dma_start3A_117 : memref<640x128xf32, #tpu.memory_space<hbm>>) target(%dma_start3A_115 : memref<640x128xf32, #tpu.memory_space<vmem_shared>>) target_semaphore(%run_scoped3A : memref<!tpu.dma_semaphore, #tpu.memory_space<semaphore_mem>>)
        %dma_wait3A_118 = arith.constant 0 : i32
        %dma_wait3A_119 = tpu.memref_slice %arg10[%mul3A_113, %dma_wait3A_118] : memref<10000x128xf32, #tpu.memory_space<vmem_shared>> -> memref<640x128xf32, #tpu.memory_space<vmem_shared>>
        %dma_wait3A_120 = arith.constant 0 : i32
        %dma_wait3A_121 = tpu.memref_slice %arg5[%mul3A_111, %dma_wait3A_120] : memref<10000x128xf32, #tpu.memory_space<hbm>> -> memref<640x128xf32, #tpu.memory_space<hbm>>
        tpu.wait_dma2 semaphore(%run_scoped3A : memref<!tpu.dma_semaphore, #tpu.memory_space<semaphore_mem>>) src(%dma_wait3A_121 : memref<640x128xf32, #tpu.memory_space<hbm>>) dst(%dma_wait3A_119 : memref<640x128xf32, #tpu.memory_space<vmem_shared>>)
        tpu.yield
      }) : () -> ()
    } else {
    }
    %eq3A = arith.constant 15 : i32
    %eq3A_79 = arith.cmpi eq, %arg1, %eq3A : i32
    %convert_element_type3A_80 = arith.extui %eq3A_79 : i1 to i32
    %cond3A_81 = arith.constant 0 : i32
    %cond3A_82 = arith.cmpi ne, %convert_element_type3A_80, %cond3A_81 : i32
    scf.if %cond3A_82 {
      "tpu.region"() ({
        %run_scoped3A = tpu.sem_alloc : memref<!tpu.dma_semaphore, #tpu.memory_space<semaphore_mem>>
        %dma_start3A_110 = arith.constant 9600 : i32
        %dma_start3A_111 = arith.constant 0 : i32
        %dma_start3A_112 = tpu.memref_slice %arg10[%dma_start3A_110, %dma_start3A_111] : memref<10000x128xf32, #tpu.memory_space<vmem_shared>> -> memref<400x128xf32, #tpu.memory_space<vmem_shared>>
        %dma_start3A_113 = arith.constant 9600 : i32
        %dma_start3A_114 = arith.constant 0 : i32
        %dma_start3A_115 = tpu.memref_slice %arg5[%dma_start3A_113, %dma_start3A_114] : memref<10000x128xf32, #tpu.memory_space<hbm>> -> memref<400x128xf32, #tpu.memory_space<hbm>>
        tpu.enqueue_dma source(%dma_start3A_115 : memref<400x128xf32, #tpu.memory_space<hbm>>) target(%dma_start3A_112 : memref<400x128xf32, #tpu.memory_space<vmem_shared>>) target_semaphore(%run_scoped3A : memref<!tpu.dma_semaphore, #tpu.memory_space<semaphore_mem>>)
        %dma_wait3A_116 = arith.constant 9600 : i32
        %dma_wait3A_117 = arith.constant 0 : i32
        %dma_wait3A_118 = tpu.memref_slice %arg10[%dma_wait3A_116, %dma_wait3A_117] : memref<10000x128xf32, #tpu.memory_space<vmem_shared>> -> memref<400x128xf32, #tpu.memory_space<vmem_shared>>
        %dma_wait3A_119 = arith.constant 9600 : i32
        %dma_wait3A_120 = arith.constant 0 : i32
        %dma_wait3A_121 = tpu.memref_slice %arg5[%dma_wait3A_119, %dma_wait3A_120] : memref<10000x128xf32, #tpu.memory_space<hbm>> -> memref<400x128xf32, #tpu.memory_space<hbm>>
        tpu.wait_dma2 semaphore(%run_scoped3A : memref<!tpu.dma_semaphore, #tpu.memory_space<semaphore_mem>>) src(%dma_wait3A_121 : memref<400x128xf32, #tpu.memory_space<hbm>>) dst(%dma_wait3A_118 : memref<400x128xf32, #tpu.memory_space<vmem_shared>>)
        tpu.yield
      }) : () -> ()
    } else {
    }
    %barrier3A = arith.constant 0 : index
    tpu.barrier barrier_id(%barrier3A)
    %scan3A = arith.constant 0 : i32
    %scan3A_83 = arith.constant 0 : i32
    %scan3A_84 = arith.constant 125 : i32
    %scan3A_85 = arith.addi %scan3A_83, %scan3A_84 : i32
    %scan3A_86 = arith.constant 1 : i32
    scf.for %scan3A_110 = %scan3A_83 to %scan3A_85 step %scan3A_86  : i32 {
      %rem3A_111 = arith.constant 4 : i32
      %rem3A_112 = arith.remsi %scan3A_110, %rem3A_111 : i32
      %dma_wait3A_113 = arith.constant 0 : i32
      %dma_wait3A_114 = arith.constant 0 : i32
      %dma_wait3A_115 = arith.constant 0 : i32
      %dma_wait3A_116 = tpu.memref_slice %arg9[%rem3A_112, %dma_wait3A_114, %dma_wait3A_115] : memref<4x80x128xf32, #tpu.memory_space<vmem>> -> memref<1x80x128xf32, #tpu.memory_space<vmem>>
      %dma_wait3A_117 = tpu.memref_squeeze %dma_wait3A_116 : memref<1x80x128xf32, #tpu.memory_space<vmem>> -> memref<80x128xf32, #tpu.memory_space<vmem>>
      %dma_wait3A_118 = arith.constant 0 : i32
      %dma_wait3A_119 = tpu.memref_slice %arg7[%dma_wait3A_113, %dma_wait3A_118] : memref<16x80xi32, #tpu.memory_space<vmem>> -> memref<1x80xi32, #tpu.memory_space<vmem>>
      %dma_wait3A_120 = tpu.memref_squeeze %dma_wait3A_119 : memref<1x80xi32, #tpu.memory_space<vmem>> -> memref<80xi32, #tpu.memory_space<vmem>>
      %dma_wait3A_121 = arith.constant 0 : i32
      %dma_wait3A_122 = arith.constant 0 : i32
      %dma_wait3A_123 = tpu.memref_slice %arg2[%dma_wait3A_121, %dma_wait3A_122] : memref<10000x128xf32, #tpu.memory_space<hbm>> -> memref<10000x128xf32, #tpu.memory_space<hbm>>
      tpu.wait_indirect_dma semaphore(%arg11 : memref<!tpu.dma_semaphore, #tpu.memory_space<semaphore_mem>>) src(%dma_wait3A_123 : memref<10000x128xf32, #tpu.memory_space<hbm>>) dst(%dma_wait3A_117 : memref<80x128xf32, #tpu.memory_space<vmem>>)
      %ge3A = arith.constant 1 : i32
      %ge3A_124 = arith.cmpi sge, %scan3A_110, %ge3A : i32
      %convert_element_type3A_125 = arith.extui %ge3A_124 : i1 to i32
      %cond3A_126 = arith.constant 0 : i32
      %cond3A_127 = arith.cmpi ne, %convert_element_type3A_125, %cond3A_126 : i32
      scf.if %cond3A_127 {
        %dma_wait3A_156 = arith.constant 0 : i32
        %dma_wait3A_157 = arith.constant 0 : i32
        %dma_wait3A_158 = arith.constant 0 : i32
        %dma_wait3A_159 = arith.constant 0 : i32
        %dma_wait3A_160 = tpu.memref_slice %arg9[%dma_wait3A_156, %dma_wait3A_158, %dma_wait3A_159] : memref<4x80x128xf32, #tpu.memory_space<vmem>> -> memref<1x80x128xf32, #tpu.memory_space<vmem>>
        %dma_wait3A_161 = tpu.memref_squeeze %dma_wait3A_160 : memref<1x80x128xf32, #tpu.memory_space<vmem>> -> memref<80x128xf32, #tpu.memory_space<vmem>>
        %dma_wait3A_162 = arith.constant 0 : i32
        %dma_wait3A_163 = tpu.memref_slice %arg8[%dma_wait3A_157, %dma_wait3A_162] : memref<16x80xi32, #tpu.memory_space<vmem>> -> memref<1x80xi32, #tpu.memory_space<vmem>>
        %dma_wait3A_164 = tpu.memref_squeeze %dma_wait3A_163 : memref<1x80xi32, #tpu.memory_space<vmem>> -> memref<80xi32, #tpu.memory_space<vmem>>
        %dma_wait3A_165 = arith.constant 0 : i32
        %dma_wait3A_166 = arith.constant 0 : i32
        %dma_wait3A_167 = tpu.memref_slice %arg10[%dma_wait3A_165, %dma_wait3A_166] : memref<10000x128xf32, #tpu.memory_space<vmem_shared>> -> memref<10000x128xf32, #tpu.memory_space<vmem_shared>>
        tpu.wait_indirect_dma semaphore(%arg12 : memref<!tpu.dma_semaphore, #tpu.memory_space<semaphore_mem>>) src(%dma_wait3A_161 : memref<80x128xf32, #tpu.memory_space<vmem>>) dst(%dma_wait3A_167 : memref<10000x128xf32, #tpu.memory_space<vmem_shared>>)
      } else {
      }
      %rem3A_128 = arith.constant 4 : i32
      %rem3A_129 = arith.remsi %scan3A_110, %rem3A_128 : i32
      %div3A_130 = arith.constant 8 : i32
      %div3A_131 = arith.divsi %scan3A_110, %div3A_130 : i32
      %rem3A_132 = arith.constant 2 : i32
      %rem3A_133 = arith.remsi %div3A_131, %rem3A_132 : i32
      %mul3A_134 = arith.constant 8 : i32
      %mul3A_135 = arith.muli %mul3A_134, %rem3A_133 : i32
      %rem3A_136 = arith.constant 8 : i32
      %rem3A_137 = arith.remsi %scan3A_110, %rem3A_136 : i32
      %add3A_138 = arith.addi %mul3A_135, %rem3A_137 : i32
      %dma_start3A_139 = arith.constant 0 : i32
      %dma_start3A_140 = arith.constant 0 : i32
      %dma_start3A_141 = tpu.memref_slice %arg9[%rem3A_129, %dma_start3A_139, %dma_start3A_140] : memref<4x80x128xf32, #tpu.memory_space<vmem>> -> memref<1x80x128xf32, #tpu.memory_space<vmem>>
      %dma_start3A_142 = tpu.memref_squeeze %dma_start3A_141 : memref<1x80x128xf32, #tpu.memory_space<vmem>> -> memref<80x128xf32, #tpu.memory_space<vmem>>
      %dma_start3A_143 = arith.constant 0 : i32
      %dma_start3A_144 = tpu.memref_slice %arg8[%add3A_138, %dma_start3A_143] : memref<16x80xi32, #tpu.memory_space<vmem>> -> memref<1x80xi32, #tpu.memory_space<vmem>>
      %dma_start3A_145 = tpu.memref_squeeze %dma_start3A_144 : memref<1x80xi32, #tpu.memory_space<vmem>> -> memref<80xi32, #tpu.memory_space<vmem>>
      %dma_start3A_146 = arith.constant 0 : i32
      %dma_start3A_147 = arith.constant 0 : i32
      %dma_start3A_148 = tpu.memref_slice %arg10[%dma_start3A_146, %dma_start3A_147] : memref<10000x128xf32, #tpu.memory_space<vmem_shared>> -> memref<10000x128xf32, #tpu.memory_space<vmem_shared>>
      tpu.enqueue_indirect_dma source(%dma_start3A_142 : memref<80x128xf32, #tpu.memory_space<vmem>>) target(%dma_start3A_148 : memref<10000x128xf32, #tpu.memory_space<vmem_shared>>) offsets(%dma_start3A_145 : memref<80xi32, #tpu.memory_space<vmem>>) semaphore(%arg12 : memref<!tpu.dma_semaphore, #tpu.memory_space<semaphore_mem>>) {add = true}
      %add3A_149 = arith.constant 3 : i32
      %add3A_150 = arith.addi %scan3A_110, %add3A_149 : i32
      %lt3A_151 = arith.constant 125 : i32
      %lt3A_152 = arith.cmpi slt, %add3A_150, %lt3A_151 : i32
      %convert_element_type3A_153 = arith.extui %lt3A_152 : i1 to i32
      %cond3A_154 = arith.constant 0 : i32
      %cond3A_155 = arith.cmpi ne, %convert_element_type3A_153, %cond3A_154 : i32
      scf.if %cond3A_155 {
        %add3A_156 = arith.constant 3 : i32
        %add3A_157 = arith.addi %scan3A_110, %add3A_156 : i32
        %rem3A_158 = arith.constant 8 : i32
        %rem3A_159 = arith.remsi %add3A_157, %rem3A_158 : i32
        %eq3A_160 = arith.constant 0 : i32
        %eq3A_161 = arith.cmpi eq, %rem3A_159, %eq3A_160 : i32
        %convert_element_type3A_162 = arith.extui %eq3A_161 : i1 to i32
        %cond3A_163 = arith.constant 0 : i32
        %cond3A_164 = arith.cmpi ne, %convert_element_type3A_162, %cond3A_163 : i32
        scf.if %cond3A_164 {
          %add3A_188 = arith.constant 3 : i32
          %add3A_189 = arith.addi %scan3A_110, %add3A_188 : i32
          %div3A_190 = arith.constant 8 : i32
          %div3A_191 = arith.divsi %add3A_189, %div3A_190 : i32
          %rem3A_192 = arith.constant 2 : i32
          %rem3A_193 = arith.remsi %div3A_191, %rem3A_192 : i32
          %lt3A_194 = arith.constant 15 : i32
          %lt3A_195 = arith.cmpi slt, %div3A_191, %lt3A_194 : i32
          %convert_element_type3A_196 = arith.extui %lt3A_195 : i1 to i32
          %cond3A_197 = arith.constant 0 : i32
          %cond3A_198 = arith.cmpi ne, %convert_element_type3A_196, %cond3A_197 : i32
          scf.if %cond3A_198 {
            %mul3A_204 = arith.constant 8 : i32
            %mul3A_205 = arith.muli %div3A_191, %mul3A_204 : i32
            %mul3A_206 = arith.constant 8 : i32
            %mul3A_207 = arith.muli %mul3A_206, %rem3A_193 : i32
            "tpu.region"() ({
              %run_scoped3A = tpu.sem_alloc : memref<!tpu.dma_semaphore, #tpu.memory_space<semaphore_mem>>
              %dma_start3A_212 = arith.constant 0 : i32
              %dma_start3A_213 = tpu.memref_slice %arg7[%mul3A_207, %dma_start3A_212] : memref<16x80xi32, #tpu.memory_space<vmem>> -> memref<8x80xi32, #tpu.memory_space<vmem>>
              %dma_start3A_214 = arith.constant 0 : i32
              %dma_start3A_215 = tpu.memref_slice %arg3[%add3A, %mul3A_205, %dma_start3A_214] : memref<32x125x80xi32, #tpu.memory_space<hbm>> -> memref<1x8x80xi32, #tpu.memory_space<hbm>>
              %dma_start3A_216 = tpu.memref_squeeze %dma_start3A_215 : memref<1x8x80xi32, #tpu.memory_space<hbm>> -> memref<8x80xi32, #tpu.memory_space<hbm>>
              %dma_start3A_217 = arith.constant 0 : i32
              %dma_start3A_218 = tpu.memref_slice %arg7[%mul3A_207, %dma_start3A_217] : memref<16x80xi32, #tpu.memory_space<vmem>> -> memref<8x80xi32, #tpu.memory_space<vmem>>
              %dma_start3A_219 = arith.constant 0 : i32
              %dma_start3A_220 = tpu.memref_slice %arg3[%add3A, %mul3A_205, %dma_start3A_219] : memref<32x125x80xi32, #tpu.memory_space<hbm>> -> memref<1x8x80xi32, #tpu.memory_space<hbm>>
              %dma_start3A_221 = tpu.memref_squeeze %dma_start3A_220 : memref<1x8x80xi32, #tpu.memory_space<hbm>> -> memref<8x80xi32, #tpu.memory_space<hbm>>
              tpu.enqueue_dma source(%dma_start3A_221 : memref<8x80xi32, #tpu.memory_space<hbm>>) target(%dma_start3A_218 : memref<8x80xi32, #tpu.memory_space<vmem>>) target_semaphore(%run_scoped3A : memref<!tpu.dma_semaphore, #tpu.memory_space<semaphore_mem>>)
              %dma_wait3A_222 = arith.constant 0 : i32
              %dma_wait3A_223 = tpu.memref_slice %arg7[%mul3A_207, %dma_wait3A_222] : memref<16x80xi32, #tpu.memory_space<vmem>> -> memref<8x80xi32, #tpu.memory_space<vmem>>
              %dma_wait3A_224 = arith.constant 0 : i32
              %dma_wait3A_225 = tpu.memref_slice %arg3[%add3A, %mul3A_205, %dma_wait3A_224] : memref<32x125x80xi32, #tpu.memory_space<hbm>> -> memref<1x8x80xi32, #tpu.memory_space<hbm>>
              %dma_wait3A_226 = tpu.memref_squeeze %dma_wait3A_225 : memref<1x8x80xi32, #tpu.memory_space<hbm>> -> memref<8x80xi32, #tpu.memory_space<hbm>>
              %dma_wait3A_227 = arith.constant 0 : i32
              %dma_wait3A_228 = tpu.memref_slice %arg7[%mul3A_207, %dma_wait3A_227] : memref<16x80xi32, #tpu.memory_space<vmem>> -> memref<8x80xi32, #tpu.memory_space<vmem>>
              %dma_wait3A_229 = arith.constant 0 : i32
              %dma_wait3A_230 = tpu.memref_slice %arg3[%add3A, %mul3A_205, %dma_wait3A_229] : memref<32x125x80xi32, #tpu.memory_space<hbm>> -> memref<1x8x80xi32, #tpu.memory_space<hbm>>
              %dma_wait3A_231 = tpu.memref_squeeze %dma_wait3A_230 : memref<1x8x80xi32, #tpu.memory_space<hbm>> -> memref<8x80xi32, #tpu.memory_space<hbm>>
              tpu.wait_dma2 semaphore(%run_scoped3A : memref<!tpu.dma_semaphore, #tpu.memory_space<semaphore_mem>>) src(%dma_wait3A_231 : memref<8x80xi32, #tpu.memory_space<hbm>>) dst(%dma_wait3A_228 : memref<8x80xi32, #tpu.memory_space<vmem>>)
              tpu.yield
            }) : () -> ()
            %mul3A_208 = arith.constant 8 : i32
            %mul3A_209 = arith.muli %div3A_191, %mul3A_208 : i32
            %mul3A_210 = arith.constant 8 : i32
            %mul3A_211 = arith.muli %mul3A_210, %rem3A_193 : i32
            "tpu.region"() ({
              %run_scoped3A = tpu.sem_alloc : memref<!tpu.dma_semaphore, #tpu.memory_space<semaphore_mem>>
              %dma_start3A_212 = arith.constant 0 : i32
              %dma_start3A_213 = tpu.memref_slice %arg8[%mul3A_211, %dma_start3A_212] : memref<16x80xi32, #tpu.memory_space<vmem>> -> memref<8x80xi32, #tpu.memory_space<vmem>>
              %dma_start3A_214 = arith.constant 0 : i32
              %dma_start3A_215 = tpu.memref_slice %arg4[%add3A, %mul3A_209, %dma_start3A_214] : memref<32x125x80xi32, #tpu.memory_space<hbm>> -> memref<1x8x80xi32, #tpu.memory_space<hbm>>
              %dma_start3A_216 = tpu.memref_squeeze %dma_start3A_215 : memref<1x8x80xi32, #tpu.memory_space<hbm>> -> memref<8x80xi32, #tpu.memory_space<hbm>>
              %dma_start3A_217 = arith.constant 0 : i32
              %dma_start3A_218 = tpu.memref_slice %arg8[%mul3A_211, %dma_start3A_217] : memref<16x80xi32, #tpu.memory_space<vmem>> -> memref<8x80xi32, #tpu.memory_space<vmem>>
              %dma_start3A_219 = arith.constant 0 : i32
              %dma_start3A_220 = tpu.memref_slice %arg4[%add3A, %mul3A_209, %dma_start3A_219] : memref<32x125x80xi32, #tpu.memory_space<hbm>> -> memref<1x8x80xi32, #tpu.memory_space<hbm>>
              %dma_start3A_221 = tpu.memref_squeeze %dma_start3A_220 : memref<1x8x80xi32, #tpu.memory_space<hbm>> -> memref<8x80xi32, #tpu.memory_space<hbm>>
              tpu.enqueue_dma source(%dma_start3A_221 : memref<8x80xi32, #tpu.memory_space<hbm>>) target(%dma_start3A_218 : memref<8x80xi32, #tpu.memory_space<vmem>>) target_semaphore(%run_scoped3A : memref<!tpu.dma_semaphore, #tpu.memory_space<semaphore_mem>>)
              %dma_wait3A_222 = arith.constant 0 : i32
              %dma_wait3A_223 = tpu.memref_slice %arg8[%mul3A_211, %dma_wait3A_222] : memref<16x80xi32, #tpu.memory_space<vmem>> -> memref<8x80xi32, #tpu.memory_space<vmem>>
              %dma_wait3A_224 = arith.constant 0 : i32
              %dma_wait3A_225 = tpu.memref_slice %arg4[%add3A, %mul3A_209, %dma_wait3A_224] : memref<32x125x80xi32, #tpu.memory_space<hbm>> -> memref<1x8x80xi32, #tpu.memory_space<hbm>>
              %dma_wait3A_226 = tpu.memref_squeeze %dma_wait3A_225 : memref<1x8x80xi32, #tpu.memory_space<hbm>> -> memref<8x80xi32, #tpu.memory_space<hbm>>
              %dma_wait3A_227 = arith.constant 0 : i32
              %dma_wait3A_228 = tpu.memref_slice %arg8[%mul3A_211, %dma_wait3A_227] : memref<16x80xi32, #tpu.memory_space<vmem>> -> memref<8x80xi32, #tpu.memory_space<vmem>>
              %dma_wait3A_229 = arith.constant 0 : i32
              %dma_wait3A_230 = tpu.memref_slice %arg4[%add3A, %mul3A_209, %dma_wait3A_229] : memref<32x125x80xi32, #tpu.memory_space<hbm>> -> memref<1x8x80xi32, #tpu.memory_space<hbm>>
              %dma_wait3A_231 = tpu.memref_squeeze %dma_wait3A_230 : memref<1x8x80xi32, #tpu.memory_space<hbm>> -> memref<8x80xi32, #tpu.memory_space<hbm>>
              tpu.wait_dma2 semaphore(%run_scoped3A : memref<!tpu.dma_semaphore, #tpu.memory_space<semaphore_mem>>) src(%dma_wait3A_231 : memref<8x80xi32, #tpu.memory_space<hbm>>) dst(%dma_wait3A_228 : memref<8x80xi32, #tpu.memory_space<vmem>>)
              tpu.yield
            }) : () -> ()
          } else {
          }
          %eq3A_199 = arith.constant 15 : i32
          %eq3A_200 = arith.cmpi eq, %div3A_191, %eq3A_199 : i32
          %convert_element_type3A_201 = arith.extui %eq3A_200 : i1 to i32
          %cond3A_202 = arith.constant 0 : i32
          %cond3A_203 = arith.cmpi ne, %convert_element_type3A_201, %cond3A_202 : i32
          scf.if %cond3A_203 {
            %mul3A_204 = arith.constant 8 : i32
            %mul3A_205 = arith.muli %mul3A_204, %rem3A_193 : i32
            "tpu.region"() ({
              %run_scoped3A = tpu.sem_alloc : memref<!tpu.dma_semaphore, #tpu.memory_space<semaphore_mem>>
              %dma_start3A_208 = arith.constant 0 : i32
              %dma_start3A_209 = tpu.memref_slice %arg7[%mul3A_205, %dma_start3A_208] : memref<16x80xi32, #tpu.memory_space<vmem>> -> memref<5x80xi32, #tpu.memory_space<vmem>>
              %dma_start3A_210 = arith.constant 120 : i32
              %dma_start3A_211 = arith.constant 0 : i32
              %dma_start3A_212 = tpu.memref_slice %arg3[%add3A, %dma_start3A_210, %dma_start3A_211] : memref<32x125x80xi32, #tpu.memory_space<hbm>> -> memref<1x5x80xi32, #tpu.memory_space<hbm>>
              %dma_start3A_213 = tpu.memref_squeeze %dma_start3A_212 : memref<1x5x80xi32, #tpu.memory_space<hbm>> -> memref<5x80xi32, #tpu.memory_space<hbm>>
              %dma_start3A_214 = arith.constant 0 : i32
              %dma_start3A_215 = tpu.memref_slice %arg7[%mul3A_205, %dma_start3A_214] : memref<16x80xi32, #tpu.memory_space<vmem>> -> memref<5x80xi32, #tpu.memory_space<vmem>>
              %dma_start3A_216 = arith.constant 120 : i32
              %dma_start3A_217 = arith.constant 0 : i32
              %dma_start3A_218 = tpu.memref_slice %arg3[%add3A, %dma_start3A_216, %dma_start3A_217] : memref<32x125x80xi32, #tpu.memory_space<hbm>> -> memref<1x5x80xi32, #tpu.memory_space<hbm>>
              %dma_start3A_219 = tpu.memref_squeeze %dma_start3A_218 : memref<1x5x80xi32, #tpu.memory_space<hbm>> -> memref<5x80xi32, #tpu.memory_space<hbm>>
              tpu.enqueue_dma source(%dma_start3A_219 : memref<5x80xi32, #tpu.memory_space<hbm>>) target(%dma_start3A_215 : memref<5x80xi32, #tpu.memory_space<vmem>>) target_semaphore(%run_scoped3A : memref<!tpu.dma_semaphore, #tpu.memory_space<semaphore_mem>>)
              %dma_wait3A_220 = arith.constant 0 : i32
              %dma_wait3A_221 = tpu.memref_slice %arg7[%mul3A_205, %dma_wait3A_220] : memref<16x80xi32, #tpu.memory_space<vmem>> -> memref<5x80xi32, #tpu.memory_space<vmem>>
              %dma_wait3A_222 = arith.constant 120 : i32
              %dma_wait3A_223 = arith.constant 0 : i32
              %dma_wait3A_224 = tpu.memref_slice %arg3[%add3A, %dma_wait3A_222, %dma_wait3A_223] : memref<32x125x80xi32, #tpu.memory_space<hbm>> -> memref<1x5x80xi32, #tpu.memory_space<hbm>>
              %dma_wait3A_225 = tpu.memref_squeeze %dma_wait3A_224 : memref<1x5x80xi32, #tpu.memory_space<hbm>> -> memref<5x80xi32, #tpu.memory_space<hbm>>
              %dma_wait3A_226 = arith.constant 0 : i32
              %dma_wait3A_227 = tpu.memref_slice %arg7[%mul3A_205, %dma_wait3A_226] : memref<16x80xi32, #tpu.memory_space<vmem>> -> memref<5x80xi32, #tpu.memory_space<vmem>>
              %dma_wait3A_228 = arith.constant 120 : i32
              %dma_wait3A_229 = arith.constant 0 : i32
              %dma_wait3A_230 = tpu.memref_slice %arg3[%add3A, %dma_wait3A_228, %dma_wait3A_229] : memref<32x125x80xi32, #tpu.memory_space<hbm>> -> memref<1x5x80xi32, #tpu.memory_space<hbm>>
              %dma_wait3A_231 = tpu.memref_squeeze %dma_wait3A_230 : memref<1x5x80xi32, #tpu.memory_space<hbm>> -> memref<5x80xi32, #tpu.memory_space<hbm>>
              tpu.wait_dma2 semaphore(%run_scoped3A : memref<!tpu.dma_semaphore, #tpu.memory_space<semaphore_mem>>) src(%dma_wait3A_231 : memref<5x80xi32, #tpu.memory_space<hbm>>) dst(%dma_wait3A_227 : memref<5x80xi32, #tpu.memory_space<vmem>>)
              tpu.yield
            }) : () -> ()
            %mul3A_206 = arith.constant 8 : i32
            %mul3A_207 = arith.muli %mul3A_206, %rem3A_193 : i32
            "tpu.region"() ({
              %run_scoped3A = tpu.sem_alloc : memref<!tpu.dma_semaphore, #tpu.memory_space<semaphore_mem>>
              %dma_start3A_208 = arith.constant 0 : i32
              %dma_start3A_209 = tpu.memref_slice %arg8[%mul3A_207, %dma_start3A_208] : memref<16x80xi32, #tpu.memory_space<vmem>> -> memref<5x80xi32, #tpu.memory_space<vmem>>
              %dma_start3A_210 = arith.constant 120 : i32
              %dma_start3A_211 = arith.constant 0 : i32
              %dma_start3A_212 = tpu.memref_slice %arg4[%add3A, %dma_start3A_210, %dma_start3A_211] : memref<32x125x80xi32, #tpu.memory_space<hbm>> -> memref<1x5x80xi32, #tpu.memory_space<hbm>>
              %dma_start3A_213 = tpu.memref_squeeze %dma_start3A_212 : memref<1x5x80xi32, #tpu.memory_space<hbm>> -> memref<5x80xi32, #tpu.memory_space<hbm>>
              %dma_start3A_214 = arith.constant 0 : i32
              %dma_start3A_215 = tpu.memref_slice %arg8[%mul3A_207, %dma_start3A_214] : memref<16x80xi32, #tpu.memory_space<vmem>> -> memref<5x80xi32, #tpu.memory_space<vmem>>
              %dma_start3A_216 = arith.constant 120 : i32
              %dma_start3A_217 = arith.constant 0 : i32
              %dma_start3A_218 = tpu.memref_slice %arg4[%add3A, %dma_start3A_216, %dma_start3A_217] : memref<32x125x80xi32, #tpu.memory_space<hbm>> -> memref<1x5x80xi32, #tpu.memory_space<hbm>>
              %dma_start3A_219 = tpu.memref_squeeze %dma_start3A_218 : memref<1x5x80xi32, #tpu.memory_space<hbm>> -> memref<5x80xi32, #tpu.memory_space<hbm>>
              tpu.enqueue_dma source(%dma_start3A_219 : memref<5x80xi32, #tpu.memory_space<hbm>>) target(%dma_start3A_215 : memref<5x80xi32, #tpu.memory_space<vmem>>) target_semaphore(%run_scoped3A : memref<!tpu.dma_semaphore, #tpu.memory_space<semaphore_mem>>)
              %dma_wait3A_220 = arith.constant 0 : i32
              %dma_wait3A_221 = tpu.memref_slice %arg8[%mul3A_207, %dma_wait3A_220] : memref<16x80xi32, #tpu.memory_space<vmem>> -> memref<5x80xi32, #tpu.memory_space<vmem>>
              %dma_wait3A_222 = arith.constant 120 : i32
              %dma_wait3A_223 = arith.constant 0 : i32
              %dma_wait3A_224 = tpu.memref_slice %arg4[%add3A, %dma_wait3A_222, %dma_wait3A_223] : memref<32x125x80xi32, #tpu.memory_space<hbm>> -> memref<1x5x80xi32, #tpu.memory_space<hbm>>
              %dma_wait3A_225 = tpu.memref_squeeze %dma_wait3A_224 : memref<1x5x80xi32, #tpu.memory_space<hbm>> -> memref<5x80xi32, #tpu.memory_space<hbm>>
              %dma_wait3A_226 = arith.constant 0 : i32
              %dma_wait3A_227 = tpu.memref_slice %arg8[%mul3A_207, %dma_wait3A_226] : memref<16x80xi32, #tpu.memory_space<vmem>> -> memref<5x80xi32, #tpu.memory_space<vmem>>
              %dma_wait3A_228 = arith.constant 120 : i32
              %dma_wait3A_229 = arith.constant 0 : i32
              %dma_wait3A_230 = tpu.memref_slice %arg4[%add3A, %dma_wait3A_228, %dma_wait3A_229] : memref<32x125x80xi32, #tpu.memory_space<hbm>> -> memref<1x5x80xi32, #tpu.memory_space<hbm>>
              %dma_wait3A_231 = tpu.memref_squeeze %dma_wait3A_230 : memref<1x5x80xi32, #tpu.memory_space<hbm>> -> memref<5x80xi32, #tpu.memory_space<hbm>>
              tpu.wait_dma2 semaphore(%run_scoped3A : memref<!tpu.dma_semaphore, #tpu.memory_space<semaphore_mem>>) src(%dma_wait3A_231 : memref<5x80xi32, #tpu.memory_space<hbm>>) dst(%dma_wait3A_227 : memref<5x80xi32, #tpu.memory_space<vmem>>)
              tpu.yield
            }) : () -> ()
          } else {
          }
        } else {
        }
        %add3A_165 = arith.constant 3 : i32
        %add3A_166 = arith.addi %scan3A_110, %add3A_165 : i32
        %div3A_167 = arith.constant 8 : i32
        %div3A_168 = arith.divsi %add3A_166, %div3A_167 : i32
        %rem3A_169 = arith.constant 2 : i32
        %rem3A_170 = arith.remsi %div3A_168, %rem3A_169 : i32
        %mul3A_171 = arith.constant 8 : i32
        %mul3A_172 = arith.muli %mul3A_171, %rem3A_170 : i32
        %rem3A_173 = arith.constant 8 : i32
        %rem3A_174 = arith.remsi %add3A_166, %rem3A_173 : i32
        %add3A_175 = arith.addi %mul3A_172, %rem3A_174 : i32
        %rem3A_176 = arith.constant 4 : i32
        %rem3A_177 = arith.remsi %add3A_166, %rem3A_176 : i32
        %dma_start3A_178 = arith.constant 0 : i32
        %dma_start3A_179 = arith.constant 0 : i32
        %dma_start3A_180 = tpu.memref_slice %arg9[%rem3A_177, %dma_start3A_178, %dma_start3A_179] : memref<4x80x128xf32, #tpu.memory_space<vmem>> -> memref<1x80x128xf32, #tpu.memory_space<vmem>>
        %dma_start3A_181 = tpu.memref_squeeze %dma_start3A_180 : memref<1x80x128xf32, #tpu.memory_space<vmem>> -> memref<80x128xf32, #tpu.memory_space<vmem>>
        %dma_start3A_182 = arith.constant 0 : i32
        %dma_start3A_183 = tpu.memref_slice %arg7[%add3A_175, %dma_start3A_182] : memref<16x80xi32, #tpu.memory_space<vmem>> -> memref<1x80xi32, #tpu.memory_space<vmem>>
        %dma_start3A_184 = tpu.memref_squeeze %dma_start3A_183 : memref<1x80xi32, #tpu.memory_space<vmem>> -> memref<80xi32, #tpu.memory_space<vmem>>
        %dma_start3A_185 = arith.constant 0 : i32
        %dma_start3A_186 = arith.constant 0 : i32
        %dma_start3A_187 = tpu.memref_slice %arg2[%dma_start3A_185, %dma_start3A_186] : memref<10000x128xf32, #tpu.memory_space<hbm>> -> memref<10000x128xf32, #tpu.memory_space<hbm>>
        tpu.enqueue_indirect_dma source(%dma_start3A_187 : memref<10000x128xf32, #tpu.memory_space<hbm>>) target(%dma_start3A_181 : memref<80x128xf32, #tpu.memory_space<vmem>>) offsets(%dma_start3A_184 : memref<80xi32, #tpu.memory_space<vmem>>) semaphore(%arg11 : memref<!tpu.dma_semaphore, #tpu.memory_space<semaphore_mem>>)
      } else {
      }
    }
    %scan3A_87 = arith.constant 125 : i32
    %dma_wait3A = arith.constant 0 : i32
    %dma_wait3A_88 = arith.constant 0 : i32
    %dma_wait3A_89 = arith.constant 0 : i32
    %dma_wait3A_90 = arith.constant 0 : i32
    %dma_wait3A_91 = tpu.memref_slice %arg9[%dma_wait3A, %dma_wait3A_89, %dma_wait3A_90] : memref<4x80x128xf32, #tpu.memory_space<vmem>> -> memref<1x80x128xf32, #tpu.memory_space<vmem>>
    %dma_wait3A_92 = tpu.memref_squeeze %dma_wait3A_91 : memref<1x80x128xf32, #tpu.memory_space<vmem>> -> memref<80x128xf32, #tpu.memory_space<vmem>>
    %dma_wait3A_93 = arith.constant 0 : i32
    %dma_wait3A_94 = tpu.memref_slice %arg8[%dma_wait3A_88, %dma_wait3A_93] : memref<16x80xi32, #tpu.memory_space<vmem>> -> memref<1x80xi32, #tpu.memory_space<vmem>>
    %dma_wait3A_95 = tpu.memref_squeeze %dma_wait3A_94 : memref<1x80xi32, #tpu.memory_space<vmem>> -> memref<80xi32, #tpu.memory_space<vmem>>
    %dma_wait3A_96 = arith.constant 0 : i32
    %dma_wait3A_97 = arith.constant 0 : i32
    %dma_wait3A_98 = tpu.memref_slice %arg10[%dma_wait3A_96, %dma_wait3A_97] : memref<10000x128xf32, #tpu.memory_space<vmem_shared>> -> memref<10000x128xf32, #tpu.memory_space<vmem_shared>>
    tpu.wait_indirect_dma semaphore(%arg12 : memref<!tpu.dma_semaphore, #tpu.memory_space<semaphore_mem>>) src(%dma_wait3A_92 : memref<80x128xf32, #tpu.memory_space<vmem>>) dst(%dma_wait3A_98 : memref<10000x128xf32, #tpu.memory_space<vmem_shared>>)
    %barrier3A_99 = arith.constant 0 : index
    tpu.barrier barrier_id(%barrier3A_99)
    %lt3A_100 = arith.constant 15 : i32
    %lt3A_101 = arith.cmpi slt, %arg1, %lt3A_100 : i32
    %convert_element_type3A_102 = arith.extui %lt3A_101 : i1 to i32
    %cond3A_103 = arith.constant 0 : i32
    %cond3A_104 = arith.cmpi ne, %convert_element_type3A_102, %cond3A_103 : i32
    scf.if %cond3A_104 {
      %mul3A_110 = arith.constant 640 : i32
      %mul3A_111 = arith.muli %arg1, %mul3A_110 : i32
      %mul3A_112 = arith.constant 640 : i32
      %mul3A_113 = arith.muli %arg1, %mul3A_112 : i32
      "tpu.region"() ({
        %run_scoped3A = tpu.sem_alloc : memref<!tpu.dma_semaphore, #tpu.memory_space<semaphore_mem>>
        %dma_start3A_114 = arith.constant 0 : i32
        %dma_start3A_115 = tpu.memref_slice %arg6[%arg0, %mul3A_113, %dma_start3A_114] : memref<2x10000x128xf32, #tpu.memory_space<hbm>> -> memref<1x640x128xf32, #tpu.memory_space<hbm>>
        %dma_start3A_116 = tpu.memref_squeeze %dma_start3A_115 : memref<1x640x128xf32, #tpu.memory_space<hbm>> -> memref<640x128xf32, #tpu.memory_space<hbm>>
        %dma_start3A_117 = arith.constant 0 : i32
        %dma_start3A_118 = tpu.memref_slice %arg10[%mul3A_111, %dma_start3A_117] : memref<10000x128xf32, #tpu.memory_space<vmem_shared>> -> memref<640x128xf32, #tpu.memory_space<vmem_shared>>
        tpu.enqueue_dma source(%dma_start3A_118 : memref<640x128xf32, #tpu.memory_space<vmem_shared>>) target(%dma_start3A_116 : memref<640x128xf32, #tpu.memory_space<hbm>>) target_semaphore(%run_scoped3A : memref<!tpu.dma_semaphore, #tpu.memory_space<semaphore_mem>>)
        %dma_wait3A_119 = arith.constant 0 : i32
        %dma_wait3A_120 = tpu.memref_slice %arg6[%arg0, %mul3A_113, %dma_wait3A_119] : memref<2x10000x128xf32, #tpu.memory_space<hbm>> -> memref<1x640x128xf32, #tpu.memory_space<hbm>>
        %dma_wait3A_121 = tpu.memref_squeeze %dma_wait3A_120 : memref<1x640x128xf32, #tpu.memory_space<hbm>> -> memref<640x128xf32, #tpu.memory_space<hbm>>
        %dma_wait3A_122 = arith.constant 0 : i32
        %dma_wait3A_123 = tpu.memref_slice %arg10[%mul3A_111, %dma_wait3A_122] : memref<10000x128xf32, #tpu.memory_space<vmem_shared>> -> memref<640x128xf32, #tpu.memory_space<vmem_shared>>
        tpu.wait_dma2 semaphore(%run_scoped3A : memref<!tpu.dma_semaphore, #tpu.memory_space<semaphore_mem>>) src(%dma_wait3A_123 : memref<640x128xf32, #tpu.memory_space<vmem_shared>>) dst(%dma_wait3A_121 : memref<640x128xf32, #tpu.memory_space<hbm>>)
        tpu.yield
      }) : () -> ()
    } else {
    }
    %eq3A_105 = arith.constant 15 : i32
    %eq3A_106 = arith.cmpi eq, %arg1, %eq3A_105 : i32
    %convert_element_type3A_107 = arith.extui %eq3A_106 : i1 to i32
    %cond3A_108 = arith.constant 0 : i32
    %cond3A_109 = arith.cmpi ne, %convert_element_type3A_107, %cond3A_108 : i32
    scf.if %cond3A_109 {
      "tpu.region"() ({
        %run_scoped3A = tpu.sem_alloc : memref<!tpu.dma_semaphore, #tpu.memory_space<semaphore_mem>>
        %dma_start3A_110 = arith.constant 9600 : i32
        %dma_start3A_111 = arith.constant 0 : i32
        %dma_start3A_112 = tpu.memref_slice %arg6[%arg0, %dma_start3A_110, %dma_start3A_111] : memref<2x10000x128xf32, #tpu.memory_space<hbm>> -> memref<1x400x128xf32, #tpu.memory_space<hbm>>
        %dma_start3A_113 = tpu.memref_squeeze %dma_start3A_112 : memref<1x400x128xf32, #tpu.memory_space<hbm>> -> memref<400x128xf32, #tpu.memory_space<hbm>>
        %dma_start3A_114 = arith.constant 9600 : i32
        %dma_start3A_115 = arith.constant 0 : i32
        %dma_start3A_116 = tpu.memref_slice %arg10[%dma_start3A_114, %dma_start3A_115] : memref<10000x128xf32, #tpu.memory_space<vmem_shared>> -> memref<400x128xf32, #tpu.memory_space<vmem_shared>>
        tpu.enqueue_dma source(%dma_start3A_116 : memref<400x128xf32, #tpu.memory_space<vmem_shared>>) target(%dma_start3A_113 : memref<400x128xf32, #tpu.memory_space<hbm>>) target_semaphore(%run_scoped3A : memref<!tpu.dma_semaphore, #tpu.memory_space<semaphore_mem>>)
        %dma_wait3A_117 = arith.constant 9600 : i32
        %dma_wait3A_118 = arith.constant 0 : i32
        %dma_wait3A_119 = tpu.memref_slice %arg6[%arg0, %dma_wait3A_117, %dma_wait3A_118] : memref<2x10000x128xf32, #tpu.memory_space<hbm>> -> memref<1x400x128xf32, #tpu.memory_space<hbm>>
        %dma_wait3A_120 = tpu.memref_squeeze %dma_wait3A_119 : memref<1x400x128xf32, #tpu.memory_space<hbm>> -> memref<400x128xf32, #tpu.memory_space<hbm>>
        %dma_wait3A_121 = arith.constant 9600 : i32
        %dma_wait3A_122 = arith.constant 0 : i32
        %dma_wait3A_123 = tpu.memref_slice %arg10[%dma_wait3A_121, %dma_wait3A_122] : memref<10000x128xf32, #tpu.memory_space<vmem_shared>> -> memref<400x128xf32, #tpu.memory_space<vmem_shared>>
        tpu.wait_dma2 semaphore(%run_scoped3A : memref<!tpu.dma_semaphore, #tpu.memory_space<semaphore_mem>>) src(%dma_wait3A_123 : memref<400x128xf32, #tpu.memory_space<vmem_shared>>) dst(%dma_wait3A_120 : memref<400x128xf32, #tpu.memory_space<hbm>>)
        tpu.yield
      }) : () -> ()
    } else {
    }
    return
  }
}

#map = affine_map<(d0, d1) -> (0, 0)>
#map1 = affine_map<(d0, d1) -> (0, 0, 0)>
module attributes {stable_mosaic.version = 14 : i64} {
  func.func @_msg_kernel(%arg0: i32, %arg1: i32, %arg2: memref<10000x128xf32, #tpu.memory_space<hbm>>, %arg3: memref<32x125x80xi32, #tpu.memory_space<hbm>>, %arg4: memref<32x125x80xi32, #tpu.memory_space<hbm>>, %arg5: memref<10000x128xf32, #tpu.memory_space<hbm>>, %arg6: memref<2x10000x128xf32, #tpu.memory_space<hbm>>, %arg7: memref<16x80xi32, #tpu.memory_space<vmem>>, %arg8: memref<16x80xi32, #tpu.memory_space<vmem>>, %arg9: memref<4x80x128xf32, #tpu.memory_space<vmem>>, %arg10: memref<10000x128xf32, #tpu.memory_space<vmem_shared>>, %arg11: memref<!tpu.dma_semaphore, #tpu.memory_space<semaphore_mem>>, %arg12: memref<!tpu.dma_semaphore, #tpu.memory_space<semaphore_mem>>) attributes {dimension_semantics = [#tpu.dimension_semantics<core_parallel>, #tpu.dimension_semantics<subcore_parallel>], iteration_bounds = array<i64: 2, 16>, scalar_prefetch = 0 : i64, scratch_operands = 6 : i64, tpu.core_type = #tpu.core_type<sc_vector_subcore>, window_params = [{transform_indices = #map}, {transform_indices = #map1}, {transform_indices = #map1}, {transform_indices = #map}, {transform_indices = #map1}]} {
    %mul3A = arith.constant 2 : i32
    %mul3A_0 = arith.muli %arg1, %mul3A : i32
    %add3A = arith.addi %mul3A_0, %arg0 : i32
    %rem3A = arith.constant 0 : i32
    %rem3A_1 = arith.constant 2 : i32
    %rem3A_2 = arith.remsi %rem3A, %rem3A_1 : i32
    %mul3A_3 = arith.constant 8 : i32
    %mul3A_4 = arith.muli %mul3A_3, %rem3A_2 : i32
    "tpu.region"() ({
      %run_scoped3A = tpu.sem_alloc : memref<!tpu.dma_semaphore, #tpu.memory_space<semaphore_mem>>
      %dma_start3A_110 = arith.constant 0 : i32
      %dma_start3A_111 = tpu.memref_slice %arg7[%mul3A_4, %dma_start3A_110] : memref<16x80xi32, #tpu.memory_space<vmem>> -> memref<8x80xi32, #tpu.memory_space<vmem>>
      %dma_start3A_112 = arith.constant 0 : i32
      %dma_start3A_113 = arith.constant 0 : i32
      %dma_start3A_114 = tpu.memref_slice %arg3[%add3A, %dma_start3A_112, %dma_start3A_113] : memref<32x125x80xi32, #tpu.memory_space<hbm>> -> memref<1x8x80xi32, #tpu.memory_space<hbm>>
      %dma_start3A_115 = tpu.memref_squeeze %dma_start3A_114 : memref<1x8x80xi32, #tpu.memory_space<hbm>> -> memref<8x80xi32, #tpu.memory_space<hbm>>
      %dma_start3A_116 = arith.constant 0 : i32
      %dma_start3A_117 = tpu.memref_slice %arg7[%mul3A_4, %dma_start3A_116] : memref<16x80xi32, #tpu.memory_space<vmem>> -> memref<8x80xi32, #tpu.memory_space<vmem>>
      %dma_start3A_118 = arith.constant 0 : i32
      %dma_start3A_119 = arith.constant 0 : i32
      %dma_start3A_120 = tpu.memref_slice %arg3[%add3A, %dma_start3A_118, %dma_start3A_119] : memref<32x125x80xi32, #tpu.memory_space<hbm>> -> memref<1x8x80xi32, #tpu.memory_space<hbm>>
      %dma_start3A_121 = tpu.memref_squeeze %dma_start3A_120 : memref<1x8x80xi32, #tpu.memory_space<hbm>> -> memref<8x80xi32, #tpu.memory_space<hbm>>
      tpu.enqueue_dma source(%dma_start3A_121 : memref<8x80xi32, #tpu.memory_space<hbm>>) target(%dma_start3A_117 : memref<8x80xi32, #tpu.memory_space<vmem>>) target_semaphore(%run_scoped3A : memref<!tpu.dma_semaphore, #tpu.memory_space<semaphore_mem>>)
      %dma_wait3A_122 = arith.constant 0 : i32
      %dma_wait3A_123 = tpu.memref_slice %arg7[%mul3A_4, %dma_wait3A_122] : memref<16x80xi32, #tpu.memory_space<vmem>> -> memref<8x80xi32, #tpu.memory_space<vmem>>
      %dma_wait3A_124 = arith.constant 0 : i32
      %dma_wait3A_125 = arith.constant 0 : i32
      %dma_wait3A_126 = tpu.memref_slice %arg3[%add3A, %dma_wait3A_124, %dma_wait3A_125] : memref<32x125x80xi32, #tpu.memory_space<hbm>> -> memref<1x8x80xi32, #tpu.memory_space<hbm>>
      %dma_wait3A_127 = tpu.memref_squeeze %dma_wait3A_126 : memref<1x8x80xi32, #tpu.memory_space<hbm>> -> memref<8x80xi32, #tpu.memory_space<hbm>>
      %dma_wait3A_128 = arith.constant 0 : i32
      %dma_wait3A_129 = tpu.memref_slice %arg7[%mul3A_4, %dma_wait3A_128] : memref<16x80xi32, #tpu.memory_space<vmem>> -> memref<8x80xi32, #tpu.memory_space<vmem>>
      %dma_wait3A_130 = arith.constant 0 : i32
      %dma_wait3A_131 = arith.constant 0 : i32
      %dma_wait3A_132 = tpu.memref_slice %arg3[%add3A, %dma_wait3A_130, %dma_wait3A_131] : memref<32x125x80xi32, #tpu.memory_space<hbm>> -> memref<1x8x80xi32, #tpu.memory_space<hbm>>
      %dma_wait3A_133 = tpu.memref_squeeze %dma_wait3A_132 : memref<1x8x80xi32, #tpu.memory_space<hbm>> -> memref<8x80xi32, #tpu.memory_space<hbm>>
      tpu.wait_dma2 semaphore(%run_scoped3A : memref<!tpu.dma_semaphore, #tpu.memory_space<semaphore_mem>>) src(%dma_wait3A_133 : memref<8x80xi32, #tpu.memory_space<hbm>>) dst(%dma_wait3A_129 : memref<8x80xi32, #tpu.memory_space<vmem>>)
      tpu.yield
    }) : () -> ()
    %mul3A_5 = arith.constant 8 : i32
    %mul3A_6 = arith.muli %mul3A_5, %rem3A_2 : i32
    "tpu.region"() ({
      %run_scoped3A = tpu.sem_alloc : memref<!tpu.dma_semaphore, #tpu.memory_space<semaphore_mem>>
      %dma_start3A_110 = arith.constant 0 : i32
      %dma_start3A_111 = tpu.memref_slice %arg8[%mul3A_6, %dma_start3A_110] : memref<16x80xi32, #tpu.memory_space<vmem>> -> memref<8x80xi32, #tpu.memory_space<vmem>>
      %dma_start3A_112 = arith.constant 0 : i32
      %dma_start3A_113 = arith.constant 0 : i32
      %dma_start3A_114 = tpu.memref_slice %arg4[%add3A, %dma_start3A_112, %dma_start3A_113] : memref<32x125x80xi32, #tpu.memory_space<hbm>> -> memref<1x8x80xi32, #tpu.memory_space<hbm>>
      %dma_start3A_115 = tpu.memref_squeeze %dma_start3A_114 : memref<1x8x80xi32, #tpu.memory_space<hbm>> -> memref<8x80xi32, #tpu.memory_space<hbm>>
      %dma_start3A_116 = arith.constant 0 : i32
      %dma_start3A_117 = tpu.memref_slice %arg8[%mul3A_6, %dma_start3A_116] : memref<16x80xi32, #tpu.memory_space<vmem>> -> memref<8x80xi32, #tpu.memory_space<vmem>>
      %dma_start3A_118 = arith.constant 0 : i32
      %dma_start3A_119 = arith.constant 0 : i32
      %dma_start3A_120 = tpu.memref_slice %arg4[%add3A, %dma_start3A_118, %dma_start3A_119] : memref<32x125x80xi32, #tpu.memory_space<hbm>> -> memref<1x8x80xi32, #tpu.memory_space<hbm>>
      %dma_start3A_121 = tpu.memref_squeeze %dma_start3A_120 : memref<1x8x80xi32, #tpu.memory_space<hbm>> -> memref<8x80xi32, #tpu.memory_space<hbm>>
      tpu.enqueue_dma source(%dma_start3A_121 : memref<8x80xi32, #tpu.memory_space<hbm>>) target(%dma_start3A_117 : memref<8x80xi32, #tpu.memory_space<vmem>>) target_semaphore(%run_scoped3A : memref<!tpu.dma_semaphore, #tpu.memory_space<semaphore_mem>>)
      %dma_wait3A_122 = arith.constant 0 : i32
      %dma_wait3A_123 = tpu.memref_slice %arg8[%mul3A_6, %dma_wait3A_122] : memref<16x80xi32, #tpu.memory_space<vmem>> -> memref<8x80xi32, #tpu.memory_space<vmem>>
      %dma_wait3A_124 = arith.constant 0 : i32
      %dma_wait3A_125 = arith.constant 0 : i32
      %dma_wait3A_126 = tpu.memref_slice %arg4[%add3A, %dma_wait3A_124, %dma_wait3A_125] : memref<32x125x80xi32, #tpu.memory_space<hbm>> -> memref<1x8x80xi32, #tpu.memory_space<hbm>>
      %dma_wait3A_127 = tpu.memref_squeeze %dma_wait3A_126 : memref<1x8x80xi32, #tpu.memory_space<hbm>> -> memref<8x80xi32, #tpu.memory_space<hbm>>
      %dma_wait3A_128 = arith.constant 0 : i32
      %dma_wait3A_129 = tpu.memref_slice %arg8[%mul3A_6, %dma_wait3A_128] : memref<16x80xi32, #tpu.memory_space<vmem>> -> memref<8x80xi32, #tpu.memory_space<vmem>>
      %dma_wait3A_130 = arith.constant 0 : i32
      %dma_wait3A_131 = arith.constant 0 : i32
      %dma_wait3A_132 = tpu.memref_slice %arg4[%add3A, %dma_wait3A_130, %dma_wait3A_131] : memref<32x125x80xi32, #tpu.memory_space<hbm>> -> memref<1x8x80xi32, #tpu.memory_space<hbm>>
      %dma_wait3A_133 = tpu.memref_squeeze %dma_wait3A_132 : memref<1x8x80xi32, #tpu.memory_space<hbm>> -> memref<8x80xi32, #tpu.memory_space<hbm>>
      tpu.wait_dma2 semaphore(%run_scoped3A : memref<!tpu.dma_semaphore, #tpu.memory_space<semaphore_mem>>) src(%dma_wait3A_133 : memref<8x80xi32, #tpu.memory_space<hbm>>) dst(%dma_wait3A_129 : memref<8x80xi32, #tpu.memory_space<vmem>>)
      tpu.yield
    }) : () -> ()
    %div3A = arith.constant 0 : i32
    %div3A_7 = arith.constant 8 : i32
    %div3A_8 = arith.divsi %div3A, %div3A_7 : i32
    %rem3A_9 = arith.constant 2 : i32
    %rem3A_10 = arith.remsi %div3A_8, %rem3A_9 : i32
    %mul3A_11 = arith.constant 8 : i32
    %mul3A_12 = arith.muli %mul3A_11, %rem3A_10 : i32
    %rem3A_13 = arith.constant 0 : i32
    %rem3A_14 = arith.constant 8 : i32
    %rem3A_15 = arith.remsi %rem3A_13, %rem3A_14 : i32
    %add3A_16 = arith.addi %mul3A_12, %rem3A_15 : i32
    %rem3A_17 = arith.constant 0 : i32
    %rem3A_18 = arith.constant 4 : i32
    %rem3A_19 = arith.remsi %rem3A_17, %rem3A_18 : i32
    %dma_start3A = arith.constant 0 : i32
    %dma_start3A_20 = arith.constant 0 : i32
    %dma_start3A_21 = tpu.memref_slice %arg9[%rem3A_19, %dma_start3A, %dma_start3A_20] : memref<4x80x128xf32, #tpu.memory_space<vmem>> -> memref<1x80x128xf32, #tpu.memory_space<vmem>>
    %dma_start3A_22 = tpu.memref_squeeze %dma_start3A_21 : memref<1x80x128xf32, #tpu.memory_space<vmem>> -> memref<80x128xf32, #tpu.memory_space<vmem>>
    %dma_start3A_23 = arith.constant 0 : i32
    %dma_start3A_24 = tpu.memref_slice %arg7[%add3A_16, %dma_start3A_23] : memref<16x80xi32, #tpu.memory_space<vmem>> -> memref<1x80xi32, #tpu.memory_space<vmem>>
    %dma_start3A_25 = tpu.memref_squeeze %dma_start3A_24 : memref<1x80xi32, #tpu.memory_space<vmem>> -> memref<80xi32, #tpu.memory_space<vmem>>
    %dma_start3A_26 = arith.constant 0 : i32
    %dma_start3A_27 = arith.constant 0 : i32
    %dma_start3A_28 = tpu.memref_slice %arg2[%dma_start3A_26, %dma_start3A_27] : memref<10000x128xf32, #tpu.memory_space<hbm>> -> memref<10000x128xf32, #tpu.memory_space<hbm>>
    tpu.enqueue_indirect_dma source(%dma_start3A_28 : memref<10000x128xf32, #tpu.memory_space<hbm>>) target(%dma_start3A_22 : memref<80x128xf32, #tpu.memory_space<vmem>>) offsets(%dma_start3A_25 : memref<80xi32, #tpu.memory_space<vmem>>) semaphore(%arg11 : memref<!tpu.dma_semaphore, #tpu.memory_space<semaphore_mem>>)
    %div3A_29 = arith.constant 1 : i32
    %div3A_30 = arith.constant 8 : i32
    %div3A_31 = arith.divsi %div3A_29, %div3A_30 : i32
    %rem3A_32 = arith.constant 2 : i32
    %rem3A_33 = arith.remsi %div3A_31, %rem3A_32 : i32
    %mul3A_34 = arith.constant 8 : i32
    %mul3A_35 = arith.muli %mul3A_34, %rem3A_33 : i32
    %rem3A_36 = arith.constant 1 : i32
    %rem3A_37 = arith.constant 8 : i32
    %rem3A_38 = arith.remsi %rem3A_36, %rem3A_37 : i32
    %add3A_39 = arith.addi %mul3A_35, %rem3A_38 : i32
    %rem3A_40 = arith.constant 1 : i32
    %rem3A_41 = arith.constant 4 : i32
    %rem3A_42 = arith.remsi %rem3A_40, %rem3A_41 : i32
    %dma_start3A_43 = arith.constant 0 : i32
    %dma_start3A_44 = arith.constant 0 : i32
    %dma_start3A_45 = tpu.memref_slice %arg9[%rem3A_42, %dma_start3A_43, %dma_start3A_44] : memref<4x80x128xf32, #tpu.memory_space<vmem>> -> memref<1x80x128xf32, #tpu.memory_space<vmem>>
    %dma_start3A_46 = tpu.memref_squeeze %dma_start3A_45 : memref<1x80x128xf32, #tpu.memory_space<vmem>> -> memref<80x128xf32, #tpu.memory_space<vmem>>
    %dma_start3A_47 = arith.constant 0 : i32
    %dma_start3A_48 = tpu.memref_slice %arg7[%add3A_39, %dma_start3A_47] : memref<16x80xi32, #tpu.memory_space<vmem>> -> memref<1x80xi32, #tpu.memory_space<vmem>>
    %dma_start3A_49 = tpu.memref_squeeze %dma_start3A_48 : memref<1x80xi32, #tpu.memory_space<vmem>> -> memref<80xi32, #tpu.memory_space<vmem>>
    %dma_start3A_50 = arith.constant 0 : i32
    %dma_start3A_51 = arith.constant 0 : i32
    %dma_start3A_52 = tpu.memref_slice %arg2[%dma_start3A_50, %dma_start3A_51] : memref<10000x128xf32, #tpu.memory_space<hbm>> -> memref<10000x128xf32, #tpu.memory_space<hbm>>
    tpu.enqueue_indirect_dma source(%dma_start3A_52 : memref<10000x128xf32, #tpu.memory_space<hbm>>) target(%dma_start3A_46 : memref<80x128xf32, #tpu.memory_space<vmem>>) offsets(%dma_start3A_49 : memref<80xi32, #tpu.memory_space<vmem>>) semaphore(%arg11 : memref<!tpu.dma_semaphore, #tpu.memory_space<semaphore_mem>>)
    %div3A_53 = arith.constant 2 : i32
    %div3A_54 = arith.constant 8 : i32
    %div3A_55 = arith.divsi %div3A_53, %div3A_54 : i32
    %rem3A_56 = arith.constant 2 : i32
    %rem3A_57 = arith.remsi %div3A_55, %rem3A_56 : i32
    %mul3A_58 = arith.constant 8 : i32
    %mul3A_59 = arith.muli %mul3A_58, %rem3A_57 : i32
    %rem3A_60 = arith.constant 2 : i32
    %rem3A_61 = arith.constant 8 : i32
    %rem3A_62 = arith.remsi %rem3A_60, %rem3A_61 : i32
    %add3A_63 = arith.addi %mul3A_59, %rem3A_62 : i32
    %rem3A_64 = arith.constant 2 : i32
    %rem3A_65 = arith.constant 4 : i32
    %rem3A_66 = arith.remsi %rem3A_64, %rem3A_65 : i32
    %dma_start3A_67 = arith.constant 0 : i32
    %dma_start3A_68 = arith.constant 0 : i32
    %dma_start3A_69 = tpu.memref_slice %arg9[%rem3A_66, %dma_start3A_67, %dma_start3A_68] : memref<4x80x128xf32, #tpu.memory_space<vmem>> -> memref<1x80x128xf32, #tpu.memory_space<vmem>>
    %dma_start3A_70 = tpu.memref_squeeze %dma_start3A_69 : memref<1x80x128xf32, #tpu.memory_space<vmem>> -> memref<80x128xf32, #tpu.memory_space<vmem>>
    %dma_start3A_71 = arith.constant 0 : i32
    %dma_start3A_72 = tpu.memref_slice %arg7[%add3A_63, %dma_start3A_71] : memref<16x80xi32, #tpu.memory_space<vmem>> -> memref<1x80xi32, #tpu.memory_space<vmem>>
    %dma_start3A_73 = tpu.memref_squeeze %dma_start3A_72 : memref<1x80xi32, #tpu.memory_space<vmem>> -> memref<80xi32, #tpu.memory_space<vmem>>
    %dma_start3A_74 = arith.constant 0 : i32
    %dma_start3A_75 = arith.constant 0 : i32
    %dma_start3A_76 = tpu.memref_slice %arg2[%dma_start3A_74, %dma_start3A_75] : memref<10000x128xf32, #tpu.memory_space<hbm>> -> memref<10000x128xf32, #tpu.memory_space<hbm>>
    tpu.enqueue_indirect_dma source(%dma_start3A_76 : memref<10000x128xf32, #tpu.memory_space<hbm>>) target(%dma_start3A_70 : memref<80x128xf32, #tpu.memory_space<vmem>>) offsets(%dma_start3A_73 : memref<80xi32, #tpu.memory_space<vmem>>) semaphore(%arg11 : memref<!tpu.dma_semaphore, #tpu.memory_space<semaphore_mem>>)
    %lt3A = arith.constant 15 : i32
    %lt3A_77 = arith.cmpi slt, %arg1, %lt3A : i32
    %convert_element_type3A = arith.extui %lt3A_77 : i1 to i32
    %cond3A = arith.constant 0 : i32
    %cond3A_78 = arith.cmpi ne, %convert_element_type3A, %cond3A : i32
    scf.if %cond3A_78 {
      %mul3A_110 = arith.constant 640 : i32
      %mul3A_111 = arith.muli %arg1, %mul3A_110 : i32
      %mul3A_112 = arith.constant 640 : i32
      %mul3A_113 = arith.muli %arg1, %mul3A_112 : i32
      "tpu.region"() ({
        %run_scoped3A = tpu.sem_alloc : memref<!tpu.dma_semaphore, #tpu.memory_space<semaphore_mem>>
        %dma_start3A_114 = arith.constant 0 : i32
        %dma_start3A_115 = tpu.memref_slice %arg10[%mul3A_113, %dma_start3A_114] : memref<10000x128xf32, #tpu.memory_space<vmem_shared>> -> memref<640x128xf32, #tpu.memory_space<vmem_shared>>
        %dma_start3A_116 = arith.constant 0 : i32
        %dma_start3A_117 = tpu.memref_slice %arg5[%mul3A_111, %dma_start3A_116] : memref<10000x128xf32, #tpu.memory_space<hbm>> -> memref<640x128xf32, #tpu.memory_space<hbm>>
        tpu.enqueue_dma source(%dma_start3A_117 : memref<640x128xf32, #tpu.memory_space<hbm>>) target(%dma_start3A_115 : memref<640x128xf32, #tpu.memory_space<vmem_shared>>) target_semaphore(%run_scoped3A : memref<!tpu.dma_semaphore, #tpu.memory_space<semaphore_mem>>)
        %dma_wait3A_118 = arith.constant 0 : i32
        %dma_wait3A_119 = tpu.memref_slice %arg10[%mul3A_113, %dma_wait3A_118] : memref<10000x128xf32, #tpu.memory_space<vmem_shared>> -> memref<640x128xf32, #tpu.memory_space<vmem_shared>>
        %dma_wait3A_120 = arith.constant 0 : i32
        %dma_wait3A_121 = tpu.memref_slice %arg5[%mul3A_111, %dma_wait3A_120] : memref<10000x128xf32, #tpu.memory_space<hbm>> -> memref<640x128xf32, #tpu.memory_space<hbm>>
        tpu.wait_dma2 semaphore(%run_scoped3A : memref<!tpu.dma_semaphore, #tpu.memory_space<semaphore_mem>>) src(%dma_wait3A_121 : memref<640x128xf32, #tpu.memory_space<hbm>>) dst(%dma_wait3A_119 : memref<640x128xf32, #tpu.memory_space<vmem_shared>>)
        tpu.yield
      }) : () -> ()
    } else {
    }
    %eq3A = arith.constant 15 : i32
    %eq3A_79 = arith.cmpi eq, %arg1, %eq3A : i32
    %convert_element_type3A_80 = arith.extui %eq3A_79 : i1 to i32
    %cond3A_81 = arith.constant 0 : i32
    %cond3A_82 = arith.cmpi ne, %convert_element_type3A_80, %cond3A_81 : i32
    scf.if %cond3A_82 {
      "tpu.region"() ({
        %run_scoped3A = tpu.sem_alloc : memref<!tpu.dma_semaphore, #tpu.memory_space<semaphore_mem>>
        %dma_start3A_110 = arith.constant 9600 : i32
        %dma_start3A_111 = arith.constant 0 : i32
        %dma_start3A_112 = tpu.memref_slice %arg10[%dma_start3A_110, %dma_start3A_111] : memref<10000x128xf32, #tpu.memory_space<vmem_shared>> -> memref<400x128xf32, #tpu.memory_space<vmem_shared>>
        %dma_start3A_113 = arith.constant 9600 : i32
        %dma_start3A_114 = arith.constant 0 : i32
        %dma_start3A_115 = tpu.memref_slice %arg5[%dma_start3A_113, %dma_start3A_114] : memref<10000x128xf32, #tpu.memory_space<hbm>> -> memref<400x128xf32, #tpu.memory_space<hbm>>
        tpu.enqueue_dma source(%dma_start3A_115 : memref<400x128xf32, #tpu.memory_space<hbm>>) target(%dma_start3A_112 : memref<400x128xf32, #tpu.memory_space<vmem_shared>>) target_semaphore(%run_scoped3A : memref<!tpu.dma_semaphore, #tpu.memory_space<semaphore_mem>>)
        %dma_wait3A_116 = arith.constant 9600 : i32
        %dma_wait3A_117 = arith.constant 0 : i32
        %dma_wait3A_118 = tpu.memref_slice %arg10[%dma_wait3A_116, %dma_wait3A_117] : memref<10000x128xf32, #tpu.memory_space<vmem_shared>> -> memref<400x128xf32, #tpu.memory_space<vmem_shared>>
        %dma_wait3A_119 = arith.constant 9600 : i32
        %dma_wait3A_120 = arith.constant 0 : i32
        %dma_wait3A_121 = tpu.memref_slice %arg5[%dma_wait3A_119, %dma_wait3A_120] : memref<10000x128xf32, #tpu.memory_space<hbm>> -> memref<400x128xf32, #tpu.memory_space<hbm>>
        tpu.wait_dma2 semaphore(%run_scoped3A : memref<!tpu.dma_semaphore, #tpu.memory_space<semaphore_mem>>) src(%dma_wait3A_121 : memref<400x128xf32, #tpu.memory_space<hbm>>) dst(%dma_wait3A_118 : memref<400x128xf32, #tpu.memory_space<vmem_shared>>)
        tpu.yield
      }) : () -> ()
    } else {
    }
    %barrier3A = arith.constant 0 : index
    tpu.barrier barrier_id(%barrier3A)
    %scan3A = arith.constant 0 : i32
    %scan3A_83 = arith.constant 0 : i32
    %scan3A_84 = arith.constant 125 : i32
    %scan3A_85 = arith.addi %scan3A_83, %scan3A_84 : i32
    %scan3A_86 = arith.constant 1 : i32
    scf.for %scan3A_110 = %scan3A_83 to %scan3A_85 step %scan3A_86  : i32 {
      %rem3A_111 = arith.constant 4 : i32
      %rem3A_112 = arith.remsi %scan3A_110, %rem3A_111 : i32
      %dma_wait3A_113 = arith.constant 0 : i32
      %dma_wait3A_114 = arith.constant 0 : i32
      %dma_wait3A_115 = arith.constant 0 : i32
      %dma_wait3A_116 = tpu.memref_slice %arg9[%rem3A_112, %dma_wait3A_114, %dma_wait3A_115] : memref<4x80x128xf32, #tpu.memory_space<vmem>> -> memref<1x80x128xf32, #tpu.memory_space<vmem>>
      %dma_wait3A_117 = tpu.memref_squeeze %dma_wait3A_116 : memref<1x80x128xf32, #tpu.memory_space<vmem>> -> memref<80x128xf32, #tpu.memory_space<vmem>>
      %dma_wait3A_118 = arith.constant 0 : i32
      %dma_wait3A_119 = tpu.memref_slice %arg7[%dma_wait3A_113, %dma_wait3A_118] : memref<16x80xi32, #tpu.memory_space<vmem>> -> memref<1x80xi32, #tpu.memory_space<vmem>>
      %dma_wait3A_120 = tpu.memref_squeeze %dma_wait3A_119 : memref<1x80xi32, #tpu.memory_space<vmem>> -> memref<80xi32, #tpu.memory_space<vmem>>
      %dma_wait3A_121 = arith.constant 0 : i32
      %dma_wait3A_122 = arith.constant 0 : i32
      %dma_wait3A_123 = tpu.memref_slice %arg2[%dma_wait3A_121, %dma_wait3A_122] : memref<10000x128xf32, #tpu.memory_space<hbm>> -> memref<10000x128xf32, #tpu.memory_space<hbm>>
      tpu.wait_indirect_dma semaphore(%arg11 : memref<!tpu.dma_semaphore, #tpu.memory_space<semaphore_mem>>) src(%dma_wait3A_123 : memref<10000x128xf32, #tpu.memory_space<hbm>>) dst(%dma_wait3A_117 : memref<80x128xf32, #tpu.memory_space<vmem>>)
      %ge3A = arith.constant 1 : i32
      %ge3A_124 = arith.cmpi sge, %scan3A_110, %ge3A : i32
      %convert_element_type3A_125 = arith.extui %ge3A_124 : i1 to i32
      %cond3A_126 = arith.constant 0 : i32
      %cond3A_127 = arith.cmpi ne, %convert_element_type3A_125, %cond3A_126 : i32
      scf.if %cond3A_127 {
        %dma_wait3A_156 = arith.constant 0 : i32
        %dma_wait3A_157 = arith.constant 0 : i32
        %dma_wait3A_158 = arith.constant 0 : i32
        %dma_wait3A_159 = arith.constant 0 : i32
        %dma_wait3A_160 = tpu.memref_slice %arg9[%dma_wait3A_156, %dma_wait3A_158, %dma_wait3A_159] : memref<4x80x128xf32, #tpu.memory_space<vmem>> -> memref<1x80x128xf32, #tpu.memory_space<vmem>>
        %dma_wait3A_161 = tpu.memref_squeeze %dma_wait3A_160 : memref<1x80x128xf32, #tpu.memory_space<vmem>> -> memref<80x128xf32, #tpu.memory_space<vmem>>
        %dma_wait3A_162 = arith.constant 0 : i32
        %dma_wait3A_163 = tpu.memref_slice %arg8[%dma_wait3A_157, %dma_wait3A_162] : memref<16x80xi32, #tpu.memory_space<vmem>> -> memref<1x80xi32, #tpu.memory_space<vmem>>
        %dma_wait3A_164 = tpu.memref_squeeze %dma_wait3A_163 : memref<1x80xi32, #tpu.memory_space<vmem>> -> memref<80xi32, #tpu.memory_space<vmem>>
        %dma_wait3A_165 = arith.constant 0 : i32
        %dma_wait3A_166 = arith.constant 0 : i32
        %dma_wait3A_167 = tpu.memref_slice %arg10[%dma_wait3A_165, %dma_wait3A_166] : memref<10000x128xf32, #tpu.memory_space<vmem_shared>> -> memref<10000x128xf32, #tpu.memory_space<vmem_shared>>
        tpu.wait_indirect_dma semaphore(%arg12 : memref<!tpu.dma_semaphore, #tpu.memory_space<semaphore_mem>>) src(%dma_wait3A_161 : memref<80x128xf32, #tpu.memory_space<vmem>>) dst(%dma_wait3A_167 : memref<10000x128xf32, #tpu.memory_space<vmem_shared>>)
      } else {
      }
      %rem3A_128 = arith.constant 4 : i32
      %rem3A_129 = arith.remsi %scan3A_110, %rem3A_128 : i32
      %div3A_130 = arith.constant 8 : i32
      %div3A_131 = arith.divsi %scan3A_110, %div3A_130 : i32
      %rem3A_132 = arith.constant 2 : i32
      %rem3A_133 = arith.remsi %div3A_131, %rem3A_132 : i32
      %mul3A_134 = arith.constant 8 : i32
      %mul3A_135 = arith.muli %mul3A_134, %rem3A_133 : i32
      %rem3A_136 = arith.constant 8 : i32
      %rem3A_137 = arith.remsi %scan3A_110, %rem3A_136 : i32
      %add3A_138 = arith.addi %mul3A_135, %rem3A_137 : i32
      %dma_start3A_139 = arith.constant 0 : i32
      %dma_start3A_140 = arith.constant 0 : i32
      %dma_start3A_141 = tpu.memref_slice %arg9[%rem3A_129, %dma_start3A_139, %dma_start3A_140] : memref<4x80x128xf32, #tpu.memory_space<vmem>> -> memref<1x80x128xf32, #tpu.memory_space<vmem>>
      %dma_start3A_142 = tpu.memref_squeeze %dma_start3A_141 : memref<1x80x128xf32, #tpu.memory_space<vmem>> -> memref<80x128xf32, #tpu.memory_space<vmem>>
      %dma_start3A_143 = arith.constant 0 : i32
      %dma_start3A_144 = tpu.memref_slice %arg8[%add3A_138, %dma_start3A_143] : memref<16x80xi32, #tpu.memory_space<vmem>> -> memref<1x80xi32, #tpu.memory_space<vmem>>
      %dma_start3A_145 = tpu.memref_squeeze %dma_start3A_144 : memref<1x80xi32, #tpu.memory_space<vmem>> -> memref<80xi32, #tpu.memory_space<vmem>>
      %dma_start3A_146 = arith.constant 0 : i32
      %dma_start3A_147 = arith.constant 0 : i32
      %dma_start3A_148 = tpu.memref_slice %arg10[%dma_start3A_146, %dma_start3A_147] : memref<10000x128xf32, #tpu.memory_space<vmem_shared>> -> memref<10000x128xf32, #tpu.memory_space<vmem_shared>>
      tpu.enqueue_indirect_dma source(%dma_start3A_142 : memref<80x128xf32, #tpu.memory_space<vmem>>) target(%dma_start3A_148 : memref<10000x128xf32, #tpu.memory_space<vmem_shared>>) offsets(%dma_start3A_145 : memref<80xi32, #tpu.memory_space<vmem>>) semaphore(%arg12 : memref<!tpu.dma_semaphore, #tpu.memory_space<semaphore_mem>>) {add = true}
      %add3A_149 = arith.constant 3 : i32
      %add3A_150 = arith.addi %scan3A_110, %add3A_149 : i32
      %lt3A_151 = arith.constant 125 : i32
      %lt3A_152 = arith.cmpi slt, %add3A_150, %lt3A_151 : i32
      %convert_element_type3A_153 = arith.extui %lt3A_152 : i1 to i32
      %cond3A_154 = arith.constant 0 : i32
      %cond3A_155 = arith.cmpi ne, %convert_element_type3A_153, %cond3A_154 : i32
      scf.if %cond3A_155 {
        %add3A_156 = arith.constant 3 : i32
        %add3A_157 = arith.addi %scan3A_110, %add3A_156 : i32
        %rem3A_158 = arith.constant 8 : i32
        %rem3A_159 = arith.remsi %add3A_157, %rem3A_158 : i32
        %eq3A_160 = arith.constant 0 : i32
        %eq3A_161 = arith.cmpi eq, %rem3A_159, %eq3A_160 : i32
        %convert_element_type3A_162 = arith.extui %eq3A_161 : i1 to i32
        %cond3A_163 = arith.constant 0 : i32
        %cond3A_164 = arith.cmpi ne, %convert_element_type3A_162, %cond3A_163 : i32
        scf.if %cond3A_164 {
          %add3A_188 = arith.constant 3 : i32
          %add3A_189 = arith.addi %scan3A_110, %add3A_188 : i32
          %div3A_190 = arith.constant 8 : i32
          %div3A_191 = arith.divsi %add3A_189, %div3A_190 : i32
          %rem3A_192 = arith.constant 2 : i32
          %rem3A_193 = arith.remsi %div3A_191, %rem3A_192 : i32
          %lt3A_194 = arith.constant 15 : i32
          %lt3A_195 = arith.cmpi slt, %div3A_191, %lt3A_194 : i32
          %convert_element_type3A_196 = arith.extui %lt3A_195 : i1 to i32
          %cond3A_197 = arith.constant 0 : i32
          %cond3A_198 = arith.cmpi ne, %convert_element_type3A_196, %cond3A_197 : i32
          scf.if %cond3A_198 {
            %mul3A_204 = arith.constant 8 : i32
            %mul3A_205 = arith.muli %div3A_191, %mul3A_204 : i32
            %mul3A_206 = arith.constant 8 : i32
            %mul3A_207 = arith.muli %mul3A_206, %rem3A_193 : i32
            "tpu.region"() ({
              %run_scoped3A = tpu.sem_alloc : memref<!tpu.dma_semaphore, #tpu.memory_space<semaphore_mem>>
              %dma_start3A_212 = arith.constant 0 : i32
              %dma_start3A_213 = tpu.memref_slice %arg7[%mul3A_207, %dma_start3A_212] : memref<16x80xi32, #tpu.memory_space<vmem>> -> memref<8x80xi32, #tpu.memory_space<vmem>>
              %dma_start3A_214 = arith.constant 0 : i32
              %dma_start3A_215 = tpu.memref_slice %arg3[%add3A, %mul3A_205, %dma_start3A_214] : memref<32x125x80xi32, #tpu.memory_space<hbm>> -> memref<1x8x80xi32, #tpu.memory_space<hbm>>
              %dma_start3A_216 = tpu.memref_squeeze %dma_start3A_215 : memref<1x8x80xi32, #tpu.memory_space<hbm>> -> memref<8x80xi32, #tpu.memory_space<hbm>>
              %dma_start3A_217 = arith.constant 0 : i32
              %dma_start3A_218 = tpu.memref_slice %arg7[%mul3A_207, %dma_start3A_217] : memref<16x80xi32, #tpu.memory_space<vmem>> -> memref<8x80xi32, #tpu.memory_space<vmem>>
              %dma_start3A_219 = arith.constant 0 : i32
              %dma_start3A_220 = tpu.memref_slice %arg3[%add3A, %mul3A_205, %dma_start3A_219] : memref<32x125x80xi32, #tpu.memory_space<hbm>> -> memref<1x8x80xi32, #tpu.memory_space<hbm>>
              %dma_start3A_221 = tpu.memref_squeeze %dma_start3A_220 : memref<1x8x80xi32, #tpu.memory_space<hbm>> -> memref<8x80xi32, #tpu.memory_space<hbm>>
              tpu.enqueue_dma source(%dma_start3A_221 : memref<8x80xi32, #tpu.memory_space<hbm>>) target(%dma_start3A_218 : memref<8x80xi32, #tpu.memory_space<vmem>>) target_semaphore(%run_scoped3A : memref<!tpu.dma_semaphore, #tpu.memory_space<semaphore_mem>>)
              %dma_wait3A_222 = arith.constant 0 : i32
              %dma_wait3A_223 = tpu.memref_slice %arg7[%mul3A_207, %dma_wait3A_222] : memref<16x80xi32, #tpu.memory_space<vmem>> -> memref<8x80xi32, #tpu.memory_space<vmem>>
              %dma_wait3A_224 = arith.constant 0 : i32
              %dma_wait3A_225 = tpu.memref_slice %arg3[%add3A, %mul3A_205, %dma_wait3A_224] : memref<32x125x80xi32, #tpu.memory_space<hbm>> -> memref<1x8x80xi32, #tpu.memory_space<hbm>>
              %dma_wait3A_226 = tpu.memref_squeeze %dma_wait3A_225 : memref<1x8x80xi32, #tpu.memory_space<hbm>> -> memref<8x80xi32, #tpu.memory_space<hbm>>
              %dma_wait3A_227 = arith.constant 0 : i32
              %dma_wait3A_228 = tpu.memref_slice %arg7[%mul3A_207, %dma_wait3A_227] : memref<16x80xi32, #tpu.memory_space<vmem>> -> memref<8x80xi32, #tpu.memory_space<vmem>>
              %dma_wait3A_229 = arith.constant 0 : i32
              %dma_wait3A_230 = tpu.memref_slice %arg3[%add3A, %mul3A_205, %dma_wait3A_229] : memref<32x125x80xi32, #tpu.memory_space<hbm>> -> memref<1x8x80xi32, #tpu.memory_space<hbm>>
              %dma_wait3A_231 = tpu.memref_squeeze %dma_wait3A_230 : memref<1x8x80xi32, #tpu.memory_space<hbm>> -> memref<8x80xi32, #tpu.memory_space<hbm>>
              tpu.wait_dma2 semaphore(%run_scoped3A : memref<!tpu.dma_semaphore, #tpu.memory_space<semaphore_mem>>) src(%dma_wait3A_231 : memref<8x80xi32, #tpu.memory_space<hbm>>) dst(%dma_wait3A_228 : memref<8x80xi32, #tpu.memory_space<vmem>>)
              tpu.yield
            }) : () -> ()
            %mul3A_208 = arith.constant 8 : i32
            %mul3A_209 = arith.muli %div3A_191, %mul3A_208 : i32
            %mul3A_210 = arith.constant 8 : i32
            %mul3A_211 = arith.muli %mul3A_210, %rem3A_193 : i32
            "tpu.region"() ({
              %run_scoped3A = tpu.sem_alloc : memref<!tpu.dma_semaphore, #tpu.memory_space<semaphore_mem>>
              %dma_start3A_212 = arith.constant 0 : i32
              %dma_start3A_213 = tpu.memref_slice %arg8[%mul3A_211, %dma_start3A_212] : memref<16x80xi32, #tpu.memory_space<vmem>> -> memref<8x80xi32, #tpu.memory_space<vmem>>
              %dma_start3A_214 = arith.constant 0 : i32
              %dma_start3A_215 = tpu.memref_slice %arg4[%add3A, %mul3A_209, %dma_start3A_214] : memref<32x125x80xi32, #tpu.memory_space<hbm>> -> memref<1x8x80xi32, #tpu.memory_space<hbm>>
              %dma_start3A_216 = tpu.memref_squeeze %dma_start3A_215 : memref<1x8x80xi32, #tpu.memory_space<hbm>> -> memref<8x80xi32, #tpu.memory_space<hbm>>
              %dma_start3A_217 = arith.constant 0 : i32
              %dma_start3A_218 = tpu.memref_slice %arg8[%mul3A_211, %dma_start3A_217] : memref<16x80xi32, #tpu.memory_space<vmem>> -> memref<8x80xi32, #tpu.memory_space<vmem>>
              %dma_start3A_219 = arith.constant 0 : i32
              %dma_start3A_220 = tpu.memref_slice %arg4[%add3A, %mul3A_209, %dma_start3A_219] : memref<32x125x80xi32, #tpu.memory_space<hbm>> -> memref<1x8x80xi32, #tpu.memory_space<hbm>>
              %dma_start3A_221 = tpu.memref_squeeze %dma_start3A_220 : memref<1x8x80xi32, #tpu.memory_space<hbm>> -> memref<8x80xi32, #tpu.memory_space<hbm>>
              tpu.enqueue_dma source(%dma_start3A_221 : memref<8x80xi32, #tpu.memory_space<hbm>>) target(%dma_start3A_218 : memref<8x80xi32, #tpu.memory_space<vmem>>) target_semaphore(%run_scoped3A : memref<!tpu.dma_semaphore, #tpu.memory_space<semaphore_mem>>)
              %dma_wait3A_222 = arith.constant 0 : i32
              %dma_wait3A_223 = tpu.memref_slice %arg8[%mul3A_211, %dma_wait3A_222] : memref<16x80xi32, #tpu.memory_space<vmem>> -> memref<8x80xi32, #tpu.memory_space<vmem>>
              %dma_wait3A_224 = arith.constant 0 : i32
              %dma_wait3A_225 = tpu.memref_slice %arg4[%add3A, %mul3A_209, %dma_wait3A_224] : memref<32x125x80xi32, #tpu.memory_space<hbm>> -> memref<1x8x80xi32, #tpu.memory_space<hbm>>
              %dma_wait3A_226 = tpu.memref_squeeze %dma_wait3A_225 : memref<1x8x80xi32, #tpu.memory_space<hbm>> -> memref<8x80xi32, #tpu.memory_space<hbm>>
              %dma_wait3A_227 = arith.constant 0 : i32
              %dma_wait3A_228 = tpu.memref_slice %arg8[%mul3A_211, %dma_wait3A_227] : memref<16x80xi32, #tpu.memory_space<vmem>> -> memref<8x80xi32, #tpu.memory_space<vmem>>
              %dma_wait3A_229 = arith.constant 0 : i32
              %dma_wait3A_230 = tpu.memref_slice %arg4[%add3A, %mul3A_209, %dma_wait3A_229] : memref<32x125x80xi32, #tpu.memory_space<hbm>> -> memref<1x8x80xi32, #tpu.memory_space<hbm>>
              %dma_wait3A_231 = tpu.memref_squeeze %dma_wait3A_230 : memref<1x8x80xi32, #tpu.memory_space<hbm>> -> memref<8x80xi32, #tpu.memory_space<hbm>>
              tpu.wait_dma2 semaphore(%run_scoped3A : memref<!tpu.dma_semaphore, #tpu.memory_space<semaphore_mem>>) src(%dma_wait3A_231 : memref<8x80xi32, #tpu.memory_space<hbm>>) dst(%dma_wait3A_228 : memref<8x80xi32, #tpu.memory_space<vmem>>)
              tpu.yield
            }) : () -> ()
          } else {
          }
          %eq3A_199 = arith.constant 15 : i32
          %eq3A_200 = arith.cmpi eq, %div3A_191, %eq3A_199 : i32
          %convert_element_type3A_201 = arith.extui %eq3A_200 : i1 to i32
          %cond3A_202 = arith.constant 0 : i32
          %cond3A_203 = arith.cmpi ne, %convert_element_type3A_201, %cond3A_202 : i32
          scf.if %cond3A_203 {
            %mul3A_204 = arith.constant 8 : i32
            %mul3A_205 = arith.muli %mul3A_204, %rem3A_193 : i32
            "tpu.region"() ({
              %run_scoped3A = tpu.sem_alloc : memref<!tpu.dma_semaphore, #tpu.memory_space<semaphore_mem>>
              %dma_start3A_208 = arith.constant 0 : i32
              %dma_start3A_209 = tpu.memref_slice %arg7[%mul3A_205, %dma_start3A_208] : memref<16x80xi32, #tpu.memory_space<vmem>> -> memref<5x80xi32, #tpu.memory_space<vmem>>
              %dma_start3A_210 = arith.constant 120 : i32
              %dma_start3A_211 = arith.constant 0 : i32
              %dma_start3A_212 = tpu.memref_slice %arg3[%add3A, %dma_start3A_210, %dma_start3A_211] : memref<32x125x80xi32, #tpu.memory_space<hbm>> -> memref<1x5x80xi32, #tpu.memory_space<hbm>>
              %dma_start3A_213 = tpu.memref_squeeze %dma_start3A_212 : memref<1x5x80xi32, #tpu.memory_space<hbm>> -> memref<5x80xi32, #tpu.memory_space<hbm>>
              %dma_start3A_214 = arith.constant 0 : i32
              %dma_start3A_215 = tpu.memref_slice %arg7[%mul3A_205, %dma_start3A_214] : memref<16x80xi32, #tpu.memory_space<vmem>> -> memref<5x80xi32, #tpu.memory_space<vmem>>
              %dma_start3A_216 = arith.constant 120 : i32
              %dma_start3A_217 = arith.constant 0 : i32
              %dma_start3A_218 = tpu.memref_slice %arg3[%add3A, %dma_start3A_216, %dma_start3A_217] : memref<32x125x80xi32, #tpu.memory_space<hbm>> -> memref<1x5x80xi32, #tpu.memory_space<hbm>>
              %dma_start3A_219 = tpu.memref_squeeze %dma_start3A_218 : memref<1x5x80xi32, #tpu.memory_space<hbm>> -> memref<5x80xi32, #tpu.memory_space<hbm>>
              tpu.enqueue_dma source(%dma_start3A_219 : memref<5x80xi32, #tpu.memory_space<hbm>>) target(%dma_start3A_215 : memref<5x80xi32, #tpu.memory_space<vmem>>) target_semaphore(%run_scoped3A : memref<!tpu.dma_semaphore, #tpu.memory_space<semaphore_mem>>)
              %dma_wait3A_220 = arith.constant 0 : i32
              %dma_wait3A_221 = tpu.memref_slice %arg7[%mul3A_205, %dma_wait3A_220] : memref<16x80xi32, #tpu.memory_space<vmem>> -> memref<5x80xi32, #tpu.memory_space<vmem>>
              %dma_wait3A_222 = arith.constant 120 : i32
              %dma_wait3A_223 = arith.constant 0 : i32
              %dma_wait3A_224 = tpu.memref_slice %arg3[%add3A, %dma_wait3A_222, %dma_wait3A_223] : memref<32x125x80xi32, #tpu.memory_space<hbm>> -> memref<1x5x80xi32, #tpu.memory_space<hbm>>
              %dma_wait3A_225 = tpu.memref_squeeze %dma_wait3A_224 : memref<1x5x80xi32, #tpu.memory_space<hbm>> -> memref<5x80xi32, #tpu.memory_space<hbm>>
              %dma_wait3A_226 = arith.constant 0 : i32
              %dma_wait3A_227 = tpu.memref_slice %arg7[%mul3A_205, %dma_wait3A_226] : memref<16x80xi32, #tpu.memory_space<vmem>> -> memref<5x80xi32, #tpu.memory_space<vmem>>
              %dma_wait3A_228 = arith.constant 120 : i32
              %dma_wait3A_229 = arith.constant 0 : i32
              %dma_wait3A_230 = tpu.memref_slice %arg3[%add3A, %dma_wait3A_228, %dma_wait3A_229] : memref<32x125x80xi32, #tpu.memory_space<hbm>> -> memref<1x5x80xi32, #tpu.memory_space<hbm>>
              %dma_wait3A_231 = tpu.memref_squeeze %dma_wait3A_230 : memref<1x5x80xi32, #tpu.memory_space<hbm>> -> memref<5x80xi32, #tpu.memory_space<hbm>>
              tpu.wait_dma2 semaphore(%run_scoped3A : memref<!tpu.dma_semaphore, #tpu.memory_space<semaphore_mem>>) src(%dma_wait3A_231 : memref<5x80xi32, #tpu.memory_space<hbm>>) dst(%dma_wait3A_227 : memref<5x80xi32, #tpu.memory_space<vmem>>)
              tpu.yield
            }) : () -> ()
            %mul3A_206 = arith.constant 8 : i32
            %mul3A_207 = arith.muli %mul3A_206, %rem3A_193 : i32
            "tpu.region"() ({
              %run_scoped3A = tpu.sem_alloc : memref<!tpu.dma_semaphore, #tpu.memory_space<semaphore_mem>>
              %dma_start3A_208 = arith.constant 0 : i32
              %dma_start3A_209 = tpu.memref_slice %arg8[%mul3A_207, %dma_start3A_208] : memref<16x80xi32, #tpu.memory_space<vmem>> -> memref<5x80xi32, #tpu.memory_space<vmem>>
              %dma_start3A_210 = arith.constant 120 : i32
              %dma_start3A_211 = arith.constant 0 : i32
              %dma_start3A_212 = tpu.memref_slice %arg4[%add3A, %dma_start3A_210, %dma_start3A_211] : memref<32x125x80xi32, #tpu.memory_space<hbm>> -> memref<1x5x80xi32, #tpu.memory_space<hbm>>
              %dma_start3A_213 = tpu.memref_squeeze %dma_start3A_212 : memref<1x5x80xi32, #tpu.memory_space<hbm>> -> memref<5x80xi32, #tpu.memory_space<hbm>>
              %dma_start3A_214 = arith.constant 0 : i32
              %dma_start3A_215 = tpu.memref_slice %arg8[%mul3A_207, %dma_start3A_214] : memref<16x80xi32, #tpu.memory_space<vmem>> -> memref<5x80xi32, #tpu.memory_space<vmem>>
              %dma_start3A_216 = arith.constant 120 : i32
              %dma_start3A_217 = arith.constant 0 : i32
              %dma_start3A_218 = tpu.memref_slice %arg4[%add3A, %dma_start3A_216, %dma_start3A_217] : memref<32x125x80xi32, #tpu.memory_space<hbm>> -> memref<1x5x80xi32, #tpu.memory_space<hbm>>
              %dma_start3A_219 = tpu.memref_squeeze %dma_start3A_218 : memref<1x5x80xi32, #tpu.memory_space<hbm>> -> memref<5x80xi32, #tpu.memory_space<hbm>>
              tpu.enqueue_dma source(%dma_start3A_219 : memref<5x80xi32, #tpu.memory_space<hbm>>) target(%dma_start3A_215 : memref<5x80xi32, #tpu.memory_space<vmem>>) target_semaphore(%run_scoped3A : memref<!tpu.dma_semaphore, #tpu.memory_space<semaphore_mem>>)
              %dma_wait3A_220 = arith.constant 0 : i32
              %dma_wait3A_221 = tpu.memref_slice %arg8[%mul3A_207, %dma_wait3A_220] : memref<16x80xi32, #tpu.memory_space<vmem>> -> memref<5x80xi32, #tpu.memory_space<vmem>>
              %dma_wait3A_222 = arith.constant 120 : i32
              %dma_wait3A_223 = arith.constant 0 : i32
              %dma_wait3A_224 = tpu.memref_slice %arg4[%add3A, %dma_wait3A_222, %dma_wait3A_223] : memref<32x125x80xi32, #tpu.memory_space<hbm>> -> memref<1x5x80xi32, #tpu.memory_space<hbm>>
              %dma_wait3A_225 = tpu.memref_squeeze %dma_wait3A_224 : memref<1x5x80xi32, #tpu.memory_space<hbm>> -> memref<5x80xi32, #tpu.memory_space<hbm>>
              %dma_wait3A_226 = arith.constant 0 : i32
              %dma_wait3A_227 = tpu.memref_slice %arg8[%mul3A_207, %dma_wait3A_226] : memref<16x80xi32, #tpu.memory_space<vmem>> -> memref<5x80xi32, #tpu.memory_space<vmem>>
              %dma_wait3A_228 = arith.constant 120 : i32
              %dma_wait3A_229 = arith.constant 0 : i32
              %dma_wait3A_230 = tpu.memref_slice %arg4[%add3A, %dma_wait3A_228, %dma_wait3A_229] : memref<32x125x80xi32, #tpu.memory_space<hbm>> -> memref<1x5x80xi32, #tpu.memory_space<hbm>>
              %dma_wait3A_231 = tpu.memref_squeeze %dma_wait3A_230 : memref<1x5x80xi32, #tpu.memory_space<hbm>> -> memref<5x80xi32, #tpu.memory_space<hbm>>
              tpu.wait_dma2 semaphore(%run_scoped3A : memref<!tpu.dma_semaphore, #tpu.memory_space<semaphore_mem>>) src(%dma_wait3A_231 : memref<5x80xi32, #tpu.memory_space<hbm>>) dst(%dma_wait3A_227 : memref<5x80xi32, #tpu.memory_space<vmem>>)
              tpu.yield
            }) : () -> ()
          } else {
          }
        } else {
        }
        %add3A_165 = arith.constant 3 : i32
        %add3A_166 = arith.addi %scan3A_110, %add3A_165 : i32
        %div3A_167 = arith.constant 8 : i32
        %div3A_168 = arith.divsi %add3A_166, %div3A_167 : i32
        %rem3A_169 = arith.constant 2 : i32
        %rem3A_170 = arith.remsi %div3A_168, %rem3A_169 : i32
        %mul3A_171 = arith.constant 8 : i32
        %mul3A_172 = arith.muli %mul3A_171, %rem3A_170 : i32
        %rem3A_173 = arith.constant 8 : i32
        %rem3A_174 = arith.remsi %add3A_166, %rem3A_173 : i32
        %add3A_175 = arith.addi %mul3A_172, %rem3A_174 : i32
        %rem3A_176 = arith.constant 4 : i32
        %rem3A_177 = arith.remsi %add3A_166, %rem3A_176 : i32
        %dma_start3A_178 = arith.constant 0 : i32
        %dma_start3A_179 = arith.constant 0 : i32
        %dma_start3A_180 = tpu.memref_slice %arg9[%rem3A_177, %dma_start3A_178, %dma_start3A_179] : memref<4x80x128xf32, #tpu.memory_space<vmem>> -> memref<1x80x128xf32, #tpu.memory_space<vmem>>
        %dma_start3A_181 = tpu.memref_squeeze %dma_start3A_180 : memref<1x80x128xf32, #tpu.memory_space<vmem>> -> memref<80x128xf32, #tpu.memory_space<vmem>>
        %dma_start3A_182 = arith.constant 0 : i32
        %dma_start3A_183 = tpu.memref_slice %arg7[%add3A_175, %dma_start3A_182] : memref<16x80xi32, #tpu.memory_space<vmem>> -> memref<1x80xi32, #tpu.memory_space<vmem>>
        %dma_start3A_184 = tpu.memref_squeeze %dma_start3A_183 : memref<1x80xi32, #tpu.memory_space<vmem>> -> memref<80xi32, #tpu.memory_space<vmem>>
        %dma_start3A_185 = arith.constant 0 : i32
        %dma_start3A_186 = arith.constant 0 : i32
        %dma_start3A_187 = tpu.memref_slice %arg2[%dma_start3A_185, %dma_start3A_186] : memref<10000x128xf32, #tpu.memory_space<hbm>> -> memref<10000x128xf32, #tpu.memory_space<hbm>>
        tpu.enqueue_indirect_dma source(%dma_start3A_187 : memref<10000x128xf32, #tpu.memory_space<hbm>>) target(%dma_start3A_181 : memref<80x128xf32, #tpu.memory_space<vmem>>) offsets(%dma_start3A_184 : memref<80xi32, #tpu.memory_space<vmem>>) semaphore(%arg11 : memref<!tpu.dma_semaphore, #tpu.memory_space<semaphore_mem>>)
      } else {
      }
    }
    %scan3A_87 = arith.constant 125 : i32
    %dma_wait3A = arith.constant 0 : i32
    %dma_wait3A_88 = arith.constant 0 : i32
    %dma_wait3A_89 = arith.constant 0 : i32
    %dma_wait3A_90 = arith.constant 0 : i32
    %dma_wait3A_91 = tpu.memref_slice %arg9[%dma_wait3A, %dma_wait3A_89, %dma_wait3A_90] : memref<4x80x128xf32, #tpu.memory_space<vmem>> -> memref<1x80x128xf32, #tpu.memory_space<vmem>>
    %dma_wait3A_92 = tpu.memref_squeeze %dma_wait3A_91 : memref<1x80x128xf32, #tpu.memory_space<vmem>> -> memref<80x128xf32, #tpu.memory_space<vmem>>
    %dma_wait3A_93 = arith.constant 0 : i32
    %dma_wait3A_94 = tpu.memref_slice %arg8[%dma_wait3A_88, %dma_wait3A_93] : memref<16x80xi32, #tpu.memory_space<vmem>> -> memref<1x80xi32, #tpu.memory_space<vmem>>
    %dma_wait3A_95 = tpu.memref_squeeze %dma_wait3A_94 : memref<1x80xi32, #tpu.memory_space<vmem>> -> memref<80xi32, #tpu.memory_space<vmem>>
    %dma_wait3A_96 = arith.constant 0 : i32
    %dma_wait3A_97 = arith.constant 0 : i32
    %dma_wait3A_98 = tpu.memref_slice %arg10[%dma_wait3A_96, %dma_wait3A_97] : memref<10000x128xf32, #tpu.memory_space<vmem_shared>> -> memref<10000x128xf32, #tpu.memory_space<vmem_shared>>
    tpu.wait_indirect_dma semaphore(%arg12 : memref<!tpu.dma_semaphore, #tpu.memory_space<semaphore_mem>>) src(%dma_wait3A_92 : memref<80x128xf32, #tpu.memory_space<vmem>>) dst(%dma_wait3A_98 : memref<10000x128xf32, #tpu.memory_space<vmem_shared>>)
    %barrier3A_99 = arith.constant 0 : index
    tpu.barrier barrier_id(%barrier3A_99)
    %lt3A_100 = arith.constant 15 : i32
    %lt3A_101 = arith.cmpi slt, %arg1, %lt3A_100 : i32
    %convert_element_type3A_102 = arith.extui %lt3A_101 : i1 to i32
    %cond3A_103 = arith.constant 0 : i32
    %cond3A_104 = arith.cmpi ne, %convert_element_type3A_102, %cond3A_103 : i32
    scf.if %cond3A_104 {
      %mul3A_110 = arith.constant 640 : i32
      %mul3A_111 = arith.muli %arg1, %mul3A_110 : i32
      %mul3A_112 = arith.constant 640 : i32
      %mul3A_113 = arith.muli %arg1, %mul3A_112 : i32
      "tpu.region"() ({
        %run_scoped3A = tpu.sem_alloc : memref<!tpu.dma_semaphore, #tpu.memory_space<semaphore_mem>>
        %dma_start3A_114 = arith.constant 0 : i32
        %dma_start3A_115 = tpu.memref_slice %arg6[%arg0, %mul3A_113, %dma_start3A_114] : memref<2x10000x128xf32, #tpu.memory_space<hbm>> -> memref<1x640x128xf32, #tpu.memory_space<hbm>>
        %dma_start3A_116 = tpu.memref_squeeze %dma_start3A_115 : memref<1x640x128xf32, #tpu.memory_space<hbm>> -> memref<640x128xf32, #tpu.memory_space<hbm>>
        %dma_start3A_117 = arith.constant 0 : i32
        %dma_start3A_118 = tpu.memref_slice %arg10[%mul3A_111, %dma_start3A_117] : memref<10000x128xf32, #tpu.memory_space<vmem_shared>> -> memref<640x128xf32, #tpu.memory_space<vmem_shared>>
        tpu.enqueue_dma source(%dma_start3A_118 : memref<640x128xf32, #tpu.memory_space<vmem_shared>>) target(%dma_start3A_116 : memref<640x128xf32, #tpu.memory_space<hbm>>) target_semaphore(%run_scoped3A : memref<!tpu.dma_semaphore, #tpu.memory_space<semaphore_mem>>)
        %dma_wait3A_119 = arith.constant 0 : i32
        %dma_wait3A_120 = tpu.memref_slice %arg6[%arg0, %mul3A_113, %dma_wait3A_119] : memref<2x10000x128xf32, #tpu.memory_space<hbm>> -> memref<1x640x128xf32, #tpu.memory_space<hbm>>
        %dma_wait3A_121 = tpu.memref_squeeze %dma_wait3A_120 : memref<1x640x128xf32, #tpu.memory_space<hbm>> -> memref<640x128xf32, #tpu.memory_space<hbm>>
        %dma_wait3A_122 = arith.constant 0 : i32
        %dma_wait3A_123 = tpu.memref_slice %arg10[%mul3A_111, %dma_wait3A_122] : memref<10000x128xf32, #tpu.memory_space<vmem_shared>> -> memref<640x128xf32, #tpu.memory_space<vmem_shared>>
        tpu.wait_dma2 semaphore(%run_scoped3A : memref<!tpu.dma_semaphore, #tpu.memory_space<semaphore_mem>>) src(%dma_wait3A_123 : memref<640x128xf32, #tpu.memory_space<vmem_shared>>) dst(%dma_wait3A_121 : memref<640x128xf32, #tpu.memory_space<hbm>>)
        tpu.yield
      }) : () -> ()
    } else {
    }
    %eq3A_105 = arith.constant 15 : i32
    %eq3A_106 = arith.cmpi eq, %arg1, %eq3A_105 : i32
    %convert_element_type3A_107 = arith.extui %eq3A_106 : i1 to i32
    %cond3A_108 = arith.constant 0 : i32
    %cond3A_109 = arith.cmpi ne, %convert_element_type3A_107, %cond3A_108 : i32
    scf.if %cond3A_109 {
      "tpu.region"() ({
        %run_scoped3A = tpu.sem_alloc : memref<!tpu.dma_semaphore, #tpu.memory_space<semaphore_mem>>
        %dma_start3A_110 = arith.constant 9600 : i32
        %dma_start3A_111 = arith.constant 0 : i32
        %dma_start3A_112 = tpu.memref_slice %arg6[%arg0, %dma_start3A_110, %dma_start3A_111] : memref<2x10000x128xf32, #tpu.memory_space<hbm>> -> memref<1x400x128xf32, #tpu.memory_space<hbm>>
        %dma_start3A_113 = tpu.memref_squeeze %dma_start3A_112 : memref<1x400x128xf32, #tpu.memory_space<hbm>> -> memref<400x128xf32, #tpu.memory_space<hbm>>
        %dma_start3A_114 = arith.constant 9600 : i32
        %dma_start3A_115 = arith.constant 0 : i32
        %dma_start3A_116 = tpu.memref_slice %arg10[%dma_start3A_114, %dma_start3A_115] : memref<10000x128xf32, #tpu.memory_space<vmem_shared>> -> memref<400x128xf32, #tpu.memory_space<vmem_shared>>
        tpu.enqueue_dma source(%dma_start3A_116 : memref<400x128xf32, #tpu.memory_space<vmem_shared>>) target(%dma_start3A_113 : memref<400x128xf32, #tpu.memory_space<hbm>>) target_semaphore(%run_scoped3A : memref<!tpu.dma_semaphore, #tpu.memory_space<semaphore_mem>>)
        %dma_wait3A_117 = arith.constant 9600 : i32
        %dma_wait3A_118 = arith.constant 0 : i32
        %dma_wait3A_119 = tpu.memref_slice %arg6[%arg0, %dma_wait3A_117, %dma_wait3A_118] : memref<2x10000x128xf32, #tpu.memory_space<hbm>> -> memref<1x400x128xf32, #tpu.memory_space<hbm>>
        %dma_wait3A_120 = tpu.memref_squeeze %dma_wait3A_119 : memref<1x400x128xf32, #tpu.memory_space<hbm>> -> memref<400x128xf32, #tpu.memory_space<hbm>>
        %dma_wait3A_121 = arith.constant 9600 : i32
        %dma_wait3A_122 = arith.constant 0 : i32
        %dma_wait3A_123 = tpu.memref_slice %arg10[%dma_wait3A_121, %dma_wait3A_122] : memref<10000x128xf32, #tpu.memory_space<vmem_shared>> -> memref<400x128xf32, #tpu.memory_space<vmem_shared>>
        tpu.wait_dma2 semaphore(%run_scoped3A : memref<!tpu.dma_semaphore, #tpu.memory_space<semaphore_mem>>) src(%dma_wait3A_123 : memref<400x128xf32, #tpu.memory_space<vmem_shared>>) dst(%dma_wait3A_120 : memref<400x128xf32, #tpu.memory_space<hbm>>)
        tpu.yield
      }) : () -> ()
    } else {
    }
    return
  }
}

#map = affine_map<(d0, d1) -> (0, 0, 0)>
#map1 = affine_map<(d0, d1) -> (0, 0)>
module attributes {stable_mosaic.version = 14 : i64} {
  func.func @_deg_kernel(%arg0: i32, %arg1: i32, %arg2: memref<32x80x125xi32, #tpu.memory_space<hbm>>, %arg3: memref<2x10240xf32, #tpu.memory_space<hbm>>, %arg4: memref<8x125xi32, #tpu.memory_space<vmem>>, %arg5: memref<128xf32, #tpu.memory_space<vmem>>, %arg6: memref<640xf32, #tpu.memory_space<vmem>>, %arg7: memref<10240xf32, #tpu.memory_space<vmem_shared>>, %arg8: memref<!tpu.dma_semaphore, #tpu.memory_space<semaphore_mem>>) attributes {dimension_semantics = [#tpu.dimension_semantics<core_parallel>, #tpu.dimension_semantics<subcore_parallel>], iteration_bounds = array<i64: 2, 16>, scalar_prefetch = 0 : i64, scratch_operands = 5 : i64, tpu.core_type = #tpu.core_type<sc_vector_subcore>, window_params = [{transform_indices = #map}, {transform_indices = #map1}]} {
    %mul3A = arith.constant 2 : i32
    %mul3A_0 = arith.muli %arg1, %mul3A : i32
    %add3A = arith.addi %mul3A_0, %arg0 : i32
    %broadcast_in_dim3A = arith.constant 0.000000e+00 : f32
    %broadcast_in_dim3A_1 = vector.broadcast %broadcast_in_dim3A : f32 to vector<16xf32>
    %swap3A = arith.constant 0 : index
    %swap3A_2 = tpu.vector_load %arg6[%swap3A] {strides = array<i32>} : memref<640xf32, #tpu.memory_space<vmem>>, vector<16xf32>,
    %swap3A_3 = vector.shape_cast %swap3A_2 : vector<16xf32> to vector<16xf32>
    %swap3A_4 = vector.shape_cast %broadcast_in_dim3A_1 : vector<16xf32> to vector<16xf32>
    tpu.vector_store %arg6[%swap3A], %swap3A_4 {strides = array<i32>} : memref<640xf32, #tpu.memory_space<vmem>>, vector<16xf32>,
    %broadcast_in_dim3A_5 = arith.constant 0.000000e+00 : f32
    %broadcast_in_dim3A_6 = vector.broadcast %broadcast_in_dim3A_5 : f32 to vector<16xf32>
    %swap3A_7 = arith.constant 16 : index
    %swap3A_8 = tpu.vector_load %arg6[%swap3A_7] {strides = array<i32>} : memref<640xf32, #tpu.memory_space<vmem>>, vector<16xf32>,
    %swap3A_9 = vector.shape_cast %swap3A_8 : vector<16xf32> to vector<16xf32>
    %swap3A_10 = vector.shape_cast %broadcast_in_dim3A_6 : vector<16xf32> to vector<16xf32>
    tpu.vector_store %arg6[%swap3A_7], %swap3A_10 {strides = array<i32>} : memref<640xf32, #tpu.memory_space<vmem>>, vector<16xf32>,
    %broadcast_in_dim3A_11 = arith.constant 0.000000e+00 : f32
    %broadcast_in_dim3A_12 = vector.broadcast %broadcast_in_dim3A_11 : f32 to vector<16xf32>
    %swap3A_13 = arith.constant 32 : index
    %swap3A_14 = tpu.vector_load %arg6[%swap3A_13] {strides = array<i32>} : memref<640xf32, #tpu.memory_space<vmem>>, vector<16xf32>,
    %swap3A_15 = vector.shape_cast %swap3A_14 : vector<16xf32> to vector<16xf32>
    %swap3A_16 = vector.shape_cast %broadcast_in_dim3A_12 : vector<16xf32> to vector<16xf32>
    tpu.vector_store %arg6[%swap3A_13], %swap3A_16 {strides = array<i32>} : memref<640xf32, #tpu.memory_space<vmem>>, vector<16xf32>,
    %broadcast_in_dim3A_17 = arith.constant 0.000000e+00 : f32
    %broadcast_in_dim3A_18 = vector.broadcast %broadcast_in_dim3A_17 : f32 to vector<16xf32>
    %swap3A_19 = arith.constant 48 : index
    %swap3A_20 = tpu.vector_load %arg6[%swap3A_19] {strides = array<i32>} : memref<640xf32, #tpu.memory_space<vmem>>, vector<16xf32>,
    %swap3A_21 = vector.shape_cast %swap3A_20 : vector<16xf32> to vector<16xf32>
    %swap3A_22 = vector.shape_cast %broadcast_in_dim3A_18 : vector<16xf32> to vector<16xf32>
    tpu.vector_store %arg6[%swap3A_19], %swap3A_22 {strides = array<i32>} : memref<640xf32, #tpu.memory_space<vmem>>, vector<16xf32>,
    %broadcast_in_dim3A_23 = arith.constant 0.000000e+00 : f32
    %broadcast_in_dim3A_24 = vector.broadcast %broadcast_in_dim3A_23 : f32 to vector<16xf32>
    %swap3A_25 = arith.constant 64 : index
    %swap3A_26 = tpu.vector_load %arg6[%swap3A_25] {strides = array<i32>} : memref<640xf32, #tpu.memory_space<vmem>>, vector<16xf32>,
    %swap3A_27 = vector.shape_cast %swap3A_26 : vector<16xf32> to vector<16xf32>
    %swap3A_28 = vector.shape_cast %broadcast_in_dim3A_24 : vector<16xf32> to vector<16xf32>
    tpu.vector_store %arg6[%swap3A_25], %swap3A_28 {strides = array<i32>} : memref<640xf32, #tpu.memory_space<vmem>>, vector<16xf32>,
    %broadcast_in_dim3A_29 = arith.constant 0.000000e+00 : f32
    %broadcast_in_dim3A_30 = vector.broadcast %broadcast_in_dim3A_29 : f32 to vector<16xf32>
    %swap3A_31 = arith.constant 80 : index
    %swap3A_32 = tpu.vector_load %arg6[%swap3A_31] {strides = array<i32>} : memref<640xf32, #tpu.memory_space<vmem>>, vector<16xf32>,
    %swap3A_33 = vector.shape_cast %swap3A_32 : vector<16xf32> to vector<16xf32>
    %swap3A_34 = vector.shape_cast %broadcast_in_dim3A_30 : vector<16xf32> to vector<16xf32>
    tpu.vector_store %arg6[%swap3A_31], %swap3A_34 {strides = array<i32>} : memref<640xf32, #tpu.memory_space<vmem>>, vector<16xf32>,
    %broadcast_in_dim3A_35 = arith.constant 0.000000e+00 : f32
    %broadcast_in_dim3A_36 = vector.broadcast %broadcast_in_dim3A_35 : f32 to vector<16xf32>
    %swap3A_37 = arith.constant 96 : index
    %swap3A_38 = tpu.vector_load %arg6[%swap3A_37] {strides = array<i32>} : memref<640xf32, #tpu.memory_space<vmem>>, vector<16xf32>,
    %swap3A_39 = vector.shape_cast %swap3A_38 : vector<16xf32> to vector<16xf32>
    %swap3A_40 = vector.shape_cast %broadcast_in_dim3A_36 : vector<16xf32> to vector<16xf32>
    tpu.vector_store %arg6[%swap3A_37], %swap3A_40 {strides = array<i32>} : memref<640xf32, #tpu.memory_space<vmem>>, vector<16xf32>,
    %broadcast_in_dim3A_41 = arith.constant 0.000000e+00 : f32
    %broadcast_in_dim3A_42 = vector.broadcast %broadcast_in_dim3A_41 : f32 to vector<16xf32>
    %swap3A_43 = arith.constant 112 : index
    %swap3A_44 = tpu.vector_load %arg6[%swap3A_43] {strides = array<i32>} : memref<640xf32, #tpu.memory_space<vmem>>, vector<16xf32>,
    %swap3A_45 = vector.shape_cast %swap3A_44 : vector<16xf32> to vector<16xf32>
    %swap3A_46 = vector.shape_cast %broadcast_in_dim3A_42 : vector<16xf32> to vector<16xf32>
    tpu.vector_store %arg6[%swap3A_43], %swap3A_46 {strides = array<i32>} : memref<640xf32, #tpu.memory_space<vmem>>, vector<16xf32>,
    %broadcast_in_dim3A_47 = arith.constant 0.000000e+00 : f32
    %broadcast_in_dim3A_48 = vector.broadcast %broadcast_in_dim3A_47 : f32 to vector<16xf32>
    %swap3A_49 = arith.constant 128 : index
    %swap3A_50 = tpu.vector_load %arg6[%swap3A_49] {strides = array<i32>} : memref<640xf32, #tpu.memory_space<vmem>>, vector<16xf32>,
    %swap3A_51 = vector.shape_cast %swap3A_50 : vector<16xf32> to vector<16xf32>
    %swap3A_52 = vector.shape_cast %broadcast_in_dim3A_48 : vector<16xf32> to vector<16xf32>
    tpu.vector_store %arg6[%swap3A_49], %swap3A_52 {strides = array<i32>} : memref<640xf32, #tpu.memory_space<vmem>>, vector<16xf32>,
    %broadcast_in_dim3A_53 = arith.constant 0.000000e+00 : f32
    %broadcast_in_dim3A_54 = vector.broadcast %broadcast_in_dim3A_53 : f32 to vector<16xf32>
    %swap3A_55 = arith.constant 144 : index
    %swap3A_56 = tpu.vector_load %arg6[%swap3A_55] {strides = array<i32>} : memref<640xf32, #tpu.memory_space<vmem>>, vector<16xf32>,
    %swap3A_57 = vector.shape_cast %swap3A_56 : vector<16xf32> to vector<16xf32>
    %swap3A_58 = vector.shape_cast %broadcast_in_dim3A_54 : vector<16xf32> to vector<16xf32>
    tpu.vector_store %arg6[%swap3A_55], %swap3A_58 {strides = array<i32>} : memref<640xf32, #tpu.memory_space<vmem>>, vector<16xf32>,
    %broadcast_in_dim3A_59 = arith.constant 0.000000e+00 : f32
    %broadcast_in_dim3A_60 = vector.broadcast %broadcast_in_dim3A_59 : f32 to vector<16xf32>
    %swap3A_61 = arith.constant 160 : index
    %swap3A_62 = tpu.vector_load %arg6[%swap3A_61] {strides = array<i32>} : memref<640xf32, #tpu.memory_space<vmem>>, vector<16xf32>,
    %swap3A_63 = vector.shape_cast %swap3A_62 : vector<16xf32> to vector<16xf32>
    %swap3A_64 = vector.shape_cast %broadcast_in_dim3A_60 : vector<16xf32> to vector<16xf32>
    tpu.vector_store %arg6[%swap3A_61], %swap3A_64 {strides = array<i32>} : memref<640xf32, #tpu.memory_space<vmem>>, vector<16xf32>,
    %broadcast_in_dim3A_65 = arith.constant 0.000000e+00 : f32
    %broadcast_in_dim3A_66 = vector.broadcast %broadcast_in_dim3A_65 : f32 to vector<16xf32>
    %swap3A_67 = arith.constant 176 : index
    %swap3A_68 = tpu.vector_load %arg6[%swap3A_67] {strides = array<i32>} : memref<640xf32, #tpu.memory_space<vmem>>, vector<16xf32>,
    %swap3A_69 = vector.shape_cast %swap3A_68 : vector<16xf32> to vector<16xf32>
    %swap3A_70 = vector.shape_cast %broadcast_in_dim3A_66 : vector<16xf32> to vector<16xf32>
    tpu.vector_store %arg6[%swap3A_67], %swap3A_70 {strides = array<i32>} : memref<640xf32, #tpu.memory_space<vmem>>, vector<16xf32>,
    %broadcast_in_dim3A_71 = arith.constant 0.000000e+00 : f32
    %broadcast_in_dim3A_72 = vector.broadcast %broadcast_in_dim3A_71 : f32 to vector<16xf32>
    %swap3A_73 = arith.constant 192 : index
    %swap3A_74 = tpu.vector_load %arg6[%swap3A_73] {strides = array<i32>} : memref<640xf32, #tpu.memory_space<vmem>>, vector<16xf32>,
    %swap3A_75 = vector.shape_cast %swap3A_74 : vector<16xf32> to vector<16xf32>
    %swap3A_76 = vector.shape_cast %broadcast_in_dim3A_72 : vector<16xf32> to vector<16xf32>
    tpu.vector_store %arg6[%swap3A_73], %swap3A_76 {strides = array<i32>} : memref<640xf32, #tpu.memory_space<vmem>>, vector<16xf32>,
    %broadcast_in_dim3A_77 = arith.constant 0.000000e+00 : f32
    %broadcast_in_dim3A_78 = vector.broadcast %broadcast_in_dim3A_77 : f32 to vector<16xf32>
    %swap3A_79 = arith.constant 208 : index
    %swap3A_80 = tpu.vector_load %arg6[%swap3A_79] {strides = array<i32>} : memref<640xf32, #tpu.memory_space<vmem>>, vector<16xf32>,
    %swap3A_81 = vector.shape_cast %swap3A_80 : vector<16xf32> to vector<16xf32>
    %swap3A_82 = vector.shape_cast %broadcast_in_dim3A_78 : vector<16xf32> to vector<16xf32>
    tpu.vector_store %arg6[%swap3A_79], %swap3A_82 {strides = array<i32>} : memref<640xf32, #tpu.memory_space<vmem>>, vector<16xf32>,
    %broadcast_in_dim3A_83 = arith.constant 0.000000e+00 : f32
    %broadcast_in_dim3A_84 = vector.broadcast %broadcast_in_dim3A_83 : f32 to vector<16xf32>
    %swap3A_85 = arith.constant 224 : index
    %swap3A_86 = tpu.vector_load %arg6[%swap3A_85] {strides = array<i32>} : memref<640xf32, #tpu.memory_space<vmem>>, vector<16xf32>,
    %swap3A_87 = vector.shape_cast %swap3A_86 : vector<16xf32> to vector<16xf32>
    %swap3A_88 = vector.shape_cast %broadcast_in_dim3A_84 : vector<16xf32> to vector<16xf32>
    tpu.vector_store %arg6[%swap3A_85], %swap3A_88 {strides = array<i32>} : memref<640xf32, #tpu.memory_space<vmem>>, vector<16xf32>,
    %broadcast_in_dim3A_89 = arith.constant 0.000000e+00 : f32
    %broadcast_in_dim3A_90 = vector.broadcast %broadcast_in_dim3A_89 : f32 to vector<16xf32>
    %swap3A_91 = arith.constant 240 : index
    %swap3A_92 = tpu.vector_load %arg6[%swap3A_91] {strides = array<i32>} : memref<640xf32, #tpu.memory_space<vmem>>, vector<16xf32>,
    %swap3A_93 = vector.shape_cast %swap3A_92 : vector<16xf32> to vector<16xf32>
    %swap3A_94 = vector.shape_cast %broadcast_in_dim3A_90 : vector<16xf32> to vector<16xf32>
    tpu.vector_store %arg6[%swap3A_91], %swap3A_94 {strides = array<i32>} : memref<640xf32, #tpu.memory_space<vmem>>, vector<16xf32>,
    %broadcast_in_dim3A_95 = arith.constant 0.000000e+00 : f32
    %broadcast_in_dim3A_96 = vector.broadcast %broadcast_in_dim3A_95 : f32 to vector<16xf32>
    %swap3A_97 = arith.constant 256 : index
    %swap3A_98 = tpu.vector_load %arg6[%swap3A_97] {strides = array<i32>} : memref<640xf32, #tpu.memory_space<vmem>>, vector<16xf32>,
    %swap3A_99 = vector.shape_cast %swap3A_98 : vector<16xf32> to vector<16xf32>
    %swap3A_100 = vector.shape_cast %broadcast_in_dim3A_96 : vector<16xf32> to vector<16xf32>
    tpu.vector_store %arg6[%swap3A_97], %swap3A_100 {strides = array<i32>} : memref<640xf32, #tpu.memory_space<vmem>>, vector<16xf32>,
    %broadcast_in_dim3A_101 = arith.constant 0.000000e+00 : f32
    %broadcast_in_dim3A_102 = vector.broadcast %broadcast_in_dim3A_101 : f32 to vector<16xf32>
    %swap3A_103 = arith.constant 272 : index
    %swap3A_104 = tpu.vector_load %arg6[%swap3A_103] {strides = array<i32>} : memref<640xf32, #tpu.memory_space<vmem>>, vector<16xf32>,
    %swap3A_105 = vector.shape_cast %swap3A_104 : vector<16xf32> to vector<16xf32>
    %swap3A_106 = vector.shape_cast %broadcast_in_dim3A_102 : vector<16xf32> to vector<16xf32>
    tpu.vector_store %arg6[%swap3A_103], %swap3A_106 {strides = array<i32>} : memref<640xf32, #tpu.memory_space<vmem>>, vector<16xf32>,
    %broadcast_in_dim3A_107 = arith.constant 0.000000e+00 : f32
    %broadcast_in_dim3A_108 = vector.broadcast %broadcast_in_dim3A_107 : f32 to vector<16xf32>
    %swap3A_109 = arith.constant 288 : index
    %swap3A_110 = tpu.vector_load %arg6[%swap3A_109] {strides = array<i32>} : memref<640xf32, #tpu.memory_space<vmem>>, vector<16xf32>,
    %swap3A_111 = vector.shape_cast %swap3A_110 : vector<16xf32> to vector<16xf32>
    %swap3A_112 = vector.shape_cast %broadcast_in_dim3A_108 : vector<16xf32> to vector<16xf32>
    tpu.vector_store %arg6[%swap3A_109], %swap3A_112 {strides = array<i32>} : memref<640xf32, #tpu.memory_space<vmem>>, vector<16xf32>,
    %broadcast_in_dim3A_113 = arith.constant 0.000000e+00 : f32
    %broadcast_in_dim3A_114 = vector.broadcast %broadcast_in_dim3A_113 : f32 to vector<16xf32>
    %swap3A_115 = arith.constant 304 : index
    %swap3A_116 = tpu.vector_load %arg6[%swap3A_115] {strides = array<i32>} : memref<640xf32, #tpu.memory_space<vmem>>, vector<16xf32>,
    %swap3A_117 = vector.shape_cast %swap3A_116 : vector<16xf32> to vector<16xf32>
    %swap3A_118 = vector.shape_cast %broadcast_in_dim3A_114 : vector<16xf32> to vector<16xf32>
    tpu.vector_store %arg6[%swap3A_115], %swap3A_118 {strides = array<i32>} : memref<640xf32, #tpu.memory_space<vmem>>, vector<16xf32>,
    %broadcast_in_dim3A_119 = arith.constant 0.000000e+00 : f32
    %broadcast_in_dim3A_120 = vector.broadcast %broadcast_in_dim3A_119 : f32 to vector<16xf32>
    %swap3A_121 = arith.constant 320 : index
    %swap3A_122 = tpu.vector_load %arg6[%swap3A_121] {strides = array<i32>} : memref<640xf32, #tpu.memory_space<vmem>>, vector<16xf32>,
    %swap3A_123 = vector.shape_cast %swap3A_122 : vector<16xf32> to vector<16xf32>
    %swap3A_124 = vector.shape_cast %broadcast_in_dim3A_120 : vector<16xf32> to vector<16xf32>
    tpu.vector_store %arg6[%swap3A_121], %swap3A_124 {strides = array<i32>} : memref<640xf32, #tpu.memory_space<vmem>>, vector<16xf32>,
    %broadcast_in_dim3A_125 = arith.constant 0.000000e+00 : f32
    %broadcast_in_dim3A_126 = vector.broadcast %broadcast_in_dim3A_125 : f32 to vector<16xf32>
    %swap3A_127 = arith.constant 336 : index
    %swap3A_128 = tpu.vector_load %arg6[%swap3A_127] {strides = array<i32>} : memref<640xf32, #tpu.memory_space<vmem>>, vector<16xf32>,
    %swap3A_129 = vector.shape_cast %swap3A_128 : vector<16xf32> to vector<16xf32>
    %swap3A_130 = vector.shape_cast %broadcast_in_dim3A_126 : vector<16xf32> to vector<16xf32>
    tpu.vector_store %arg6[%swap3A_127], %swap3A_130 {strides = array<i32>} : memref<640xf32, #tpu.memory_space<vmem>>, vector<16xf32>,
    %broadcast_in_dim3A_131 = arith.constant 0.000000e+00 : f32
    %broadcast_in_dim3A_132 = vector.broadcast %broadcast_in_dim3A_131 : f32 to vector<16xf32>
    %swap3A_133 = arith.constant 352 : index
    %swap3A_134 = tpu.vector_load %arg6[%swap3A_133] {strides = array<i32>} : memref<640xf32, #tpu.memory_space<vmem>>, vector<16xf32>,
    %swap3A_135 = vector.shape_cast %swap3A_134 : vector<16xf32> to vector<16xf32>
    %swap3A_136 = vector.shape_cast %broadcast_in_dim3A_132 : vector<16xf32> to vector<16xf32>
    tpu.vector_store %arg6[%swap3A_133], %swap3A_136 {strides = array<i32>} : memref<640xf32, #tpu.memory_space<vmem>>, vector<16xf32>,
    %broadcast_in_dim3A_137 = arith.constant 0.000000e+00 : f32
    %broadcast_in_dim3A_138 = vector.broadcast %broadcast_in_dim3A_137 : f32 to vector<16xf32>
    %swap3A_139 = arith.constant 368 : index
    %swap3A_140 = tpu.vector_load %arg6[%swap3A_139] {strides = array<i32>} : memref<640xf32, #tpu.memory_space<vmem>>, vector<16xf32>,
    %swap3A_141 = vector.shape_cast %swap3A_140 : vector<16xf32> to vector<16xf32>
    %swap3A_142 = vector.shape_cast %broadcast_in_dim3A_138 : vector<16xf32> to vector<16xf32>
    tpu.vector_store %arg6[%swap3A_139], %swap3A_142 {strides = array<i32>} : memref<640xf32, #tpu.memory_space<vmem>>, vector<16xf32>,
    %broadcast_in_dim3A_143 = arith.constant 0.000000e+00 : f32
    %broadcast_in_dim3A_144 = vector.broadcast %broadcast_in_dim3A_143 : f32 to vector<16xf32>
    %swap3A_145 = arith.constant 384 : index
    %swap3A_146 = tpu.vector_load %arg6[%swap3A_145] {strides = array<i32>} : memref<640xf32, #tpu.memory_space<vmem>>, vector<16xf32>,
    %swap3A_147 = vector.shape_cast %swap3A_146 : vector<16xf32> to vector<16xf32>
    %swap3A_148 = vector.shape_cast %broadcast_in_dim3A_144 : vector<16xf32> to vector<16xf32>
    tpu.vector_store %arg6[%swap3A_145], %swap3A_148 {strides = array<i32>} : memref<640xf32, #tpu.memory_space<vmem>>, vector<16xf32>,
    %broadcast_in_dim3A_149 = arith.constant 0.000000e+00 : f32
    %broadcast_in_dim3A_150 = vector.broadcast %broadcast_in_dim3A_149 : f32 to vector<16xf32>
    %swap3A_151 = arith.constant 400 : index
    %swap3A_152 = tpu.vector_load %arg6[%swap3A_151] {strides = array<i32>} : memref<640xf32, #tpu.memory_space<vmem>>, vector<16xf32>,
    %swap3A_153 = vector.shape_cast %swap3A_152 : vector<16xf32> to vector<16xf32>
    %swap3A_154 = vector.shape_cast %broadcast_in_dim3A_150 : vector<16xf32> to vector<16xf32>
    tpu.vector_store %arg6[%swap3A_151], %swap3A_154 {strides = array<i32>} : memref<640xf32, #tpu.memory_space<vmem>>, vector<16xf32>,
    %broadcast_in_dim3A_155 = arith.constant 0.000000e+00 : f32
    %broadcast_in_dim3A_156 = vector.broadcast %broadcast_in_dim3A_155 : f32 to vector<16xf32>
    %swap3A_157 = arith.constant 416 : index
    %swap3A_158 = tpu.vector_load %arg6[%swap3A_157] {strides = array<i32>} : memref<640xf32, #tpu.memory_space<vmem>>, vector<16xf32>,
    %swap3A_159 = vector.shape_cast %swap3A_158 : vector<16xf32> to vector<16xf32>
    %swap3A_160 = vector.shape_cast %broadcast_in_dim3A_156 : vector<16xf32> to vector<16xf32>
    tpu.vector_store %arg6[%swap3A_157], %swap3A_160 {strides = array<i32>} : memref<640xf32, #tpu.memory_space<vmem>>, vector<16xf32>,
    %broadcast_in_dim3A_161 = arith.constant 0.000000e+00 : f32
    %broadcast_in_dim3A_162 = vector.broadcast %broadcast_in_dim3A_161 : f32 to vector<16xf32>
    %swap3A_163 = arith.constant 432 : index
    %swap3A_164 = tpu.vector_load %arg6[%swap3A_163] {strides = array<i32>} : memref<640xf32, #tpu.memory_space<vmem>>, vector<16xf32>,
    %swap3A_165 = vector.shape_cast %swap3A_164 : vector<16xf32> to vector<16xf32>
    %swap3A_166 = vector.shape_cast %broadcast_in_dim3A_162 : vector<16xf32> to vector<16xf32>
    tpu.vector_store %arg6[%swap3A_163], %swap3A_166 {strides = array<i32>} : memref<640xf32, #tpu.memory_space<vmem>>, vector<16xf32>,
    %broadcast_in_dim3A_167 = arith.constant 0.000000e+00 : f32
    %broadcast_in_dim3A_168 = vector.broadcast %broadcast_in_dim3A_167 : f32 to vector<16xf32>
    %swap3A_169 = arith.constant 448 : index
    %swap3A_170 = tpu.vector_load %arg6[%swap3A_169] {strides = array<i32>} : memref<640xf32, #tpu.memory_space<vmem>>, vector<16xf32>,
    %swap3A_171 = vector.shape_cast %swap3A_170 : vector<16xf32> to vector<16xf32>
    %swap3A_172 = vector.shape_cast %broadcast_in_dim3A_168 : vector<16xf32> to vector<16xf32>
    tpu.vector_store %arg6[%swap3A_169], %swap3A_172 {strides = array<i32>} : memref<640xf32, #tpu.memory_space<vmem>>, vector<16xf32>,
    %broadcast_in_dim3A_173 = arith.constant 0.000000e+00 : f32
    %broadcast_in_dim3A_174 = vector.broadcast %broadcast_in_dim3A_173 : f32 to vector<16xf32>
    %swap3A_175 = arith.constant 464 : index
    %swap3A_176 = tpu.vector_load %arg6[%swap3A_175] {strides = array<i32>} : memref<640xf32, #tpu.memory_space<vmem>>, vector<16xf32>,
    %swap3A_177 = vector.shape_cast %swap3A_176 : vector<16xf32> to vector<16xf32>
    %swap3A_178 = vector.shape_cast %broadcast_in_dim3A_174 : vector<16xf32> to vector<16xf32>
    tpu.vector_store %arg6[%swap3A_175], %swap3A_178 {strides = array<i32>} : memref<640xf32, #tpu.memory_space<vmem>>, vector<16xf32>,
    %broadcast_in_dim3A_179 = arith.constant 0.000000e+00 : f32
    %broadcast_in_dim3A_180 = vector.broadcast %broadcast_in_dim3A_179 : f32 to vector<16xf32>
    %swap3A_181 = arith.constant 480 : index
    %swap3A_182 = tpu.vector_load %arg6[%swap3A_181] {strides = array<i32>} : memref<640xf32, #tpu.memory_space<vmem>>, vector<16xf32>,
    %swap3A_183 = vector.shape_cast %swap3A_182 : vector<16xf32> to vector<16xf32>
    %swap3A_184 = vector.shape_cast %broadcast_in_dim3A_180 : vector<16xf32> to vector<16xf32>
    tpu.vector_store %arg6[%swap3A_181], %swap3A_184 {strides = array<i32>} : memref<640xf32, #tpu.memory_space<vmem>>, vector<16xf32>,
    %broadcast_in_dim3A_185 = arith.constant 0.000000e+00 : f32
    %broadcast_in_dim3A_186 = vector.broadcast %broadcast_in_dim3A_185 : f32 to vector<16xf32>
    %swap3A_187 = arith.constant 496 : index
    %swap3A_188 = tpu.vector_load %arg6[%swap3A_187] {strides = array<i32>} : memref<640xf32, #tpu.memory_space<vmem>>, vector<16xf32>,
    %swap3A_189 = vector.shape_cast %swap3A_188 : vector<16xf32> to vector<16xf32>
    %swap3A_190 = vector.shape_cast %broadcast_in_dim3A_186 : vector<16xf32> to vector<16xf32>
    tpu.vector_store %arg6[%swap3A_187], %swap3A_190 {strides = array<i32>} : memref<640xf32, #tpu.memory_space<vmem>>, vector<16xf32>,
    %broadcast_in_dim3A_191 = arith.constant 0.000000e+00 : f32
    %broadcast_in_dim3A_192 = vector.broadcast %broadcast_in_dim3A_191 : f32 to vector<16xf32>
    %swap3A_193 = arith.constant 512 : index
    %swap3A_194 = tpu.vector_load %arg6[%swap3A_193] {strides = array<i32>} : memref<640xf32, #tpu.memory_space<vmem>>, vector<16xf32>,
    %swap3A_195 = vector.shape_cast %swap3A_194 : vector<16xf32> to vector<16xf32>
    %swap3A_196 = vector.shape_cast %broadcast_in_dim3A_192 : vector<16xf32> to vector<16xf32>
    tpu.vector_store %arg6[%swap3A_193], %swap3A_196 {strides = array<i32>} : memref<640xf32, #tpu.memory_space<vmem>>, vector<16xf32>,
    %broadcast_in_dim3A_197 = arith.constant 0.000000e+00 : f32
    %broadcast_in_dim3A_198 = vector.broadcast %broadcast_in_dim3A_197 : f32 to vector<16xf32>
    %swap3A_199 = arith.constant 528 : index
    %swap3A_200 = tpu.vector_load %arg6[%swap3A_199] {strides = array<i32>} : memref<640xf32, #tpu.memory_space<vmem>>, vector<16xf32>,
    %swap3A_201 = vector.shape_cast %swap3A_200 : vector<16xf32> to vector<16xf32>
    %swap3A_202 = vector.shape_cast %broadcast_in_dim3A_198 : vector<16xf32> to vector<16xf32>
    tpu.vector_store %arg6[%swap3A_199], %swap3A_202 {strides = array<i32>} : memref<640xf32, #tpu.memory_space<vmem>>, vector<16xf32>,
    %broadcast_in_dim3A_203 = arith.constant 0.000000e+00 : f32
    %broadcast_in_dim3A_204 = vector.broadcast %broadcast_in_dim3A_203 : f32 to vector<16xf32>
    %swap3A_205 = arith.constant 544 : index
    %swap3A_206 = tpu.vector_load %arg6[%swap3A_205] {strides = array<i32>} : memref<640xf32, #tpu.memory_space<vmem>>, vector<16xf32>,
    %swap3A_207 = vector.shape_cast %swap3A_206 : vector<16xf32> to vector<16xf32>
    %swap3A_208 = vector.shape_cast %broadcast_in_dim3A_204 : vector<16xf32> to vector<16xf32>
    tpu.vector_store %arg6[%swap3A_205], %swap3A_208 {strides = array<i32>} : memref<640xf32, #tpu.memory_space<vmem>>, vector<16xf32>,
    %broadcast_in_dim3A_209 = arith.constant 0.000000e+00 : f32
    %broadcast_in_dim3A_210 = vector.broadcast %broadcast_in_dim3A_209 : f32 to vector<16xf32>
    %swap3A_211 = arith.constant 560 : index
    %swap3A_212 = tpu.vector_load %arg6[%swap3A_211] {strides = array<i32>} : memref<640xf32, #tpu.memory_space<vmem>>, vector<16xf32>,
    %swap3A_213 = vector.shape_cast %swap3A_212 : vector<16xf32> to vector<16xf32>
    %swap3A_214 = vector.shape_cast %broadcast_in_dim3A_210 : vector<16xf32> to vector<16xf32>
    tpu.vector_store %arg6[%swap3A_211], %swap3A_214 {strides = array<i32>} : memref<640xf32, #tpu.memory_space<vmem>>, vector<16xf32>,
    %broadcast_in_dim3A_215 = arith.constant 0.000000e+00 : f32
    %broadcast_in_dim3A_216 = vector.broadcast %broadcast_in_dim3A_215 : f32 to vector<16xf32>
    %swap3A_217 = arith.constant 576 : index
    %swap3A_218 = tpu.vector_load %arg6[%swap3A_217] {strides = array<i32>} : memref<640xf32, #tpu.memory_space<vmem>>, vector<16xf32>,
    %swap3A_219 = vector.shape_cast %swap3A_218 : vector<16xf32> to vector<16xf32>
    %swap3A_220 = vector.shape_cast %broadcast_in_dim3A_216 : vector<16xf32> to vector<16xf32>
    tpu.vector_store %arg6[%swap3A_217], %swap3A_220 {strides = array<i32>} : memref<640xf32, #tpu.memory_space<vmem>>, vector<16xf32>,
    %broadcast_in_dim3A_221 = arith.constant 0.000000e+00 : f32
    %broadcast_in_dim3A_222 = vector.broadcast %broadcast_in_dim3A_221 : f32 to vector<16xf32>
    %swap3A_223 = arith.constant 592 : index
    %swap3A_224 = tpu.vector_load %arg6[%swap3A_223] {strides = array<i32>} : memref<640xf32, #tpu.memory_space<vmem>>, vector<16xf32>,
    %swap3A_225 = vector.shape_cast %swap3A_224 : vector<16xf32> to vector<16xf32>
    %swap3A_226 = vector.shape_cast %broadcast_in_dim3A_222 : vector<16xf32> to vector<16xf32>
    tpu.vector_store %arg6[%swap3A_223], %swap3A_226 {strides = array<i32>} : memref<640xf32, #tpu.memory_space<vmem>>, vector<16xf32>,
    %broadcast_in_dim3A_227 = arith.constant 0.000000e+00 : f32
    %broadcast_in_dim3A_228 = vector.broadcast %broadcast_in_dim3A_227 : f32 to vector<16xf32>
    %swap3A_229 = arith.constant 608 : index
    %swap3A_230 = tpu.vector_load %arg6[%swap3A_229] {strides = array<i32>} : memref<640xf32, #tpu.memory_space<vmem>>, vector<16xf32>,
    %swap3A_231 = vector.shape_cast %swap3A_230 : vector<16xf32> to vector<16xf32>
    %swap3A_232 = vector.shape_cast %broadcast_in_dim3A_228 : vector<16xf32> to vector<16xf32>
    tpu.vector_store %arg6[%swap3A_229], %swap3A_232 {strides = array<i32>} : memref<640xf32, #tpu.memory_space<vmem>>, vector<16xf32>,
    %broadcast_in_dim3A_233 = arith.constant 0.000000e+00 : f32
    %broadcast_in_dim3A_234 = vector.broadcast %broadcast_in_dim3A_233 : f32 to vector<16xf32>
    %swap3A_235 = arith.constant 624 : index
    %swap3A_236 = tpu.vector_load %arg6[%swap3A_235] {strides = array<i32>} : memref<640xf32, #tpu.memory_space<vmem>>, vector<16xf32>,
    %swap3A_237 = vector.shape_cast %swap3A_236 : vector<16xf32> to vector<16xf32>
    %swap3A_238 = vector.shape_cast %broadcast_in_dim3A_234 : vector<16xf32> to vector<16xf32>
    tpu.vector_store %arg6[%swap3A_235], %swap3A_238 {strides = array<i32>} : memref<640xf32, #tpu.memory_space<vmem>>, vector<16xf32>,
    %broadcast_in_dim3A_239 = arith.constant 1.000000e+00 : f32
    %broadcast_in_dim3A_240 = vector.broadcast %broadcast_in_dim3A_239 : f32 to vector<16xf32>
    %swap3A_241 = arith.constant 0 : index
    %swap3A_242 = tpu.vector_load %arg5[%swap3A_241] {strides = array<i32>} : memref<128xf32, #tpu.memory_space<vmem>>, vector<16xf32>,
    %swap3A_243 = vector.shape_cast %swap3A_242 : vector<16xf32> to vector<16xf32>
    %swap3A_244 = vector.shape_cast %broadcast_in_dim3A_240 : vector<16xf32> to vector<16xf32>
    tpu.vector_store %arg5[%swap3A_241], %swap3A_244 {strides = array<i32>} : memref<128xf32, #tpu.memory_space<vmem>>, vector<16xf32>,
    %broadcast_in_dim3A_245 = arith.constant 1.000000e+00 : f32
    %broadcast_in_dim3A_246 = vector.broadcast %broadcast_in_dim3A_245 : f32 to vector<16xf32>
    %swap3A_247 = arith.constant 16 : index
    %swap3A_248 = tpu.vector_load %arg5[%swap3A_247] {strides = array<i32>} : memref<128xf32, #tpu.memory_space<vmem>>, vector<16xf32>,
    %swap3A_249 = vector.shape_cast %swap3A_248 : vector<16xf32> to vector<16xf32>
    %swap3A_250 = vector.shape_cast %broadcast_in_dim3A_246 : vector<16xf32> to vector<16xf32>
    tpu.vector_store %arg5[%swap3A_247], %swap3A_250 {strides = array<i32>} : memref<128xf32, #tpu.memory_space<vmem>>, vector<16xf32>,
    %broadcast_in_dim3A_251 = arith.constant 1.000000e+00 : f32
    %broadcast_in_dim3A_252 = vector.broadcast %broadcast_in_dim3A_251 : f32 to vector<16xf32>
    %swap3A_253 = arith.constant 32 : index
    %swap3A_254 = tpu.vector_load %arg5[%swap3A_253] {strides = array<i32>} : memref<128xf32, #tpu.memory_space<vmem>>, vector<16xf32>,
    %swap3A_255 = vector.shape_cast %swap3A_254 : vector<16xf32> to vector<16xf32>
    %swap3A_256 = vector.shape_cast %broadcast_in_dim3A_252 : vector<16xf32> to vector<16xf32>
    tpu.vector_store %arg5[%swap3A_253], %swap3A_256 {strides = array<i32>} : memref<128xf32, #tpu.memory_space<vmem>>, vector<16xf32>,
    %broadcast_in_dim3A_257 = arith.constant 1.000000e+00 : f32
    %broadcast_in_dim3A_258 = vector.broadcast %broadcast_in_dim3A_257 : f32 to vector<16xf32>
    %swap3A_259 = arith.constant 48 : index
    %swap3A_260 = tpu.vector_load %arg5[%swap3A_259] {strides = array<i32>} : memref<128xf32, #tpu.memory_space<vmem>>, vector<16xf32>,
    %swap3A_261 = vector.shape_cast %swap3A_260 : vector<16xf32> to vector<16xf32>
    %swap3A_262 = vector.shape_cast %broadcast_in_dim3A_258 : vector<16xf32> to vector<16xf32>
    tpu.vector_store %arg5[%swap3A_259], %swap3A_262 {strides = array<i32>} : memref<128xf32, #tpu.memory_space<vmem>>, vector<16xf32>,
    %broadcast_in_dim3A_263 = arith.constant 1.000000e+00 : f32
    %broadcast_in_dim3A_264 = vector.broadcast %broadcast_in_dim3A_263 : f32 to vector<16xf32>
    %swap3A_265 = arith.constant 64 : index
    %swap3A_266 = tpu.vector_load %arg5[%swap3A_265] {strides = array<i32>} : memref<128xf32, #tpu.memory_space<vmem>>, vector<16xf32>,
    %swap3A_267 = vector.shape_cast %swap3A_266 : vector<16xf32> to vector<16xf32>
    %swap3A_268 = vector.shape_cast %broadcast_in_dim3A_264 : vector<16xf32> to vector<16xf32>
    tpu.vector_store %arg5[%swap3A_265], %swap3A_268 {strides = array<i32>} : memref<128xf32, #tpu.memory_space<vmem>>, vector<16xf32>,
    %broadcast_in_dim3A_269 = arith.constant 1.000000e+00 : f32
    %broadcast_in_dim3A_270 = vector.broadcast %broadcast_in_dim3A_269 : f32 to vector<16xf32>
    %swap3A_271 = arith.constant 80 : index
    %swap3A_272 = tpu.vector_load %arg5[%swap3A_271] {strides = array<i32>} : memref<128xf32, #tpu.memory_space<vmem>>, vector<16xf32>,
    %swap3A_273 = vector.shape_cast %swap3A_272 : vector<16xf32> to vector<16xf32>
    %swap3A_274 = vector.shape_cast %broadcast_in_dim3A_270 : vector<16xf32> to vector<16xf32>
    tpu.vector_store %arg5[%swap3A_271], %swap3A_274 {strides = array<i32>} : memref<128xf32, #tpu.memory_space<vmem>>, vector<16xf32>,
    %broadcast_in_dim3A_275 = arith.constant 1.000000e+00 : f32
    %broadcast_in_dim3A_276 = vector.broadcast %broadcast_in_dim3A_275 : f32 to vector<16xf32>
    %swap3A_277 = arith.constant 96 : index
    %swap3A_278 = tpu.vector_load %arg5[%swap3A_277] {strides = array<i32>} : memref<128xf32, #tpu.memory_space<vmem>>, vector<16xf32>,
    %swap3A_279 = vector.shape_cast %swap3A_278 : vector<16xf32> to vector<16xf32>
    %swap3A_280 = vector.shape_cast %broadcast_in_dim3A_276 : vector<16xf32> to vector<16xf32>
    tpu.vector_store %arg5[%swap3A_277], %swap3A_280 {strides = array<i32>} : memref<128xf32, #tpu.memory_space<vmem>>, vector<16xf32>,
    %broadcast_in_dim3A_281 = arith.constant 1.000000e+00 : f32
    %broadcast_in_dim3A_282 = vector.broadcast %broadcast_in_dim3A_281 : f32 to vector<16xf32>
    %swap3A_283 = arith.constant 112 : index
    %swap3A_284 = tpu.vector_load %arg5[%swap3A_283] {strides = array<i32>} : memref<128xf32, #tpu.memory_space<vmem>>, vector<16xf32>,
    %swap3A_285 = vector.shape_cast %swap3A_284 : vector<16xf32> to vector<16xf32>
    %swap3A_286 = vector.shape_cast %broadcast_in_dim3A_282 : vector<16xf32> to vector<16xf32>
    tpu.vector_store %arg5[%swap3A_283], %swap3A_286 {strides = array<i32>} : memref<128xf32, #tpu.memory_space<vmem>>, vector<16xf32>,
    %mul3A_287 = arith.constant 640 : i32
    %mul3A_288 = arith.muli %arg1, %mul3A_287 : i32
    "tpu.region"() ({
      %run_scoped3A = tpu.sem_alloc : memref<!tpu.dma_semaphore, #tpu.memory_space<semaphore_mem>>
      %dma_start3A = tpu.memref_slice %arg7[%mul3A_288] : memref<10240xf32, #tpu.memory_space<vmem_shared>> -> memref<640xf32, #tpu.memory_space<vmem_shared>>
      %dma_start3A_299 = tpu.memref_slice %arg7[%mul3A_288] : memref<10240xf32, #tpu.memory_space<vmem_shared>> -> memref<640xf32, #tpu.memory_space<vmem_shared>>
      tpu.enqueue_dma source(%arg6 : memref<640xf32, #tpu.memory_space<vmem>>) target(%dma_start3A_299 : memref<640xf32, #tpu.memory_space<vmem_shared>>) target_semaphore(%run_scoped3A : memref<!tpu.dma_semaphore, #tpu.memory_space<semaphore_mem>>)
      %dma_wait3A = tpu.memref_slice %arg7[%mul3A_288] : memref<10240xf32, #tpu.memory_space<vmem_shared>> -> memref<640xf32, #tpu.memory_space<vmem_shared>>
      %dma_wait3A_300 = tpu.memref_slice %arg7[%mul3A_288] : memref<10240xf32, #tpu.memory_space<vmem_shared>> -> memref<640xf32, #tpu.memory_space<vmem_shared>>
      tpu.wait_dma2 semaphore(%run_scoped3A : memref<!tpu.dma_semaphore, #tpu.memory_space<semaphore_mem>>) src(%arg6 : memref<640xf32, #tpu.memory_space<vmem>>) dst(%dma_wait3A_300 : memref<640xf32, #tpu.memory_space<vmem_shared>>)
      tpu.yield
    }) : () -> ()
    %barrier3A = arith.constant 0 : index
    tpu.barrier barrier_id(%barrier3A)
    %scan3A = arith.constant 0 : i32
    %scan3A_289 = arith.constant 0 : i32
    %scan3A_290 = arith.constant 10 : i32
    %scan3A_291 = arith.addi %scan3A_289, %scan3A_290 : i32
    %scan3A_292 = arith.constant 1 : i32
    scf.for %scan3A_299 = %scan3A_289 to %scan3A_291 step %scan3A_292  : i32 {
      %mul3A_300 = arith.constant 8 : i32
      %mul3A_301 = arith.muli %scan3A_299, %mul3A_300 : i32
      "tpu.region"() ({
        %run_scoped3A = tpu.sem_alloc : memref<!tpu.dma_semaphore, #tpu.memory_space<semaphore_mem>>
        %dma_start3A_428 = arith.constant 0 : i32
        %dma_start3A_429 = tpu.memref_slice %arg2[%add3A, %mul3A_301, %dma_start3A_428] : memref<32x80x125xi32, #tpu.memory_space<hbm>> -> memref<1x8x125xi32, #tpu.memory_space<hbm>>
        %dma_start3A_430 = tpu.memref_squeeze %dma_start3A_429 : memref<1x8x125xi32, #tpu.memory_space<hbm>> -> memref<8x125xi32, #tpu.memory_space<hbm>>
        %dma_start3A_431 = arith.constant 0 : i32
        %dma_start3A_432 = tpu.memref_slice %arg2[%add3A, %mul3A_301, %dma_start3A_431] : memref<32x80x125xi32, #tpu.memory_space<hbm>> -> memref<1x8x125xi32, #tpu.memory_space<hbm>>
        %dma_start3A_433 = tpu.memref_squeeze %dma_start3A_432 : memref<1x8x125xi32, #tpu.memory_space<hbm>> -> memref<8x125xi32, #tpu.memory_space<hbm>>
        tpu.enqueue_dma source(%dma_start3A_433 : memref<8x125xi32, #tpu.memory_space<hbm>>) target(%arg4 : memref<8x125xi32, #tpu.memory_space<vmem>>) target_semaphore(%run_scoped3A : memref<!tpu.dma_semaphore, #tpu.memory_space<semaphore_mem>>)
        %dma_wait3A_434 = arith.constant 0 : i32
        %dma_wait3A_435 = tpu.memref_slice %arg2[%add3A, %mul3A_301, %dma_wait3A_434] : memref<32x80x125xi32, #tpu.memory_space<hbm>> -> memref<1x8x125xi32, #tpu.memory_space<hbm>>
        %dma_wait3A_436 = tpu.memref_squeeze %dma_wait3A_435 : memref<1x8x125xi32, #tpu.memory_space<hbm>> -> memref<8x125xi32, #tpu.memory_space<hbm>>
        %dma_wait3A_437 = arith.constant 0 : i32
        %dma_wait3A_438 = tpu.memref_slice %arg2[%add3A, %mul3A_301, %dma_wait3A_437] : memref<32x80x125xi32, #tpu.memory_space<hbm>> -> memref<1x8x125xi32, #tpu.memory_space<hbm>>
        %dma_wait3A_439 = tpu.memref_squeeze %dma_wait3A_438 : memref<1x8x125xi32, #tpu.memory_space<hbm>> -> memref<8x125xi32, #tpu.memory_space<hbm>>
        tpu.wait_dma2 semaphore(%run_scoped3A : memref<!tpu.dma_semaphore, #tpu.memory_space<semaphore_mem>>) src(%dma_wait3A_439 : memref<8x125xi32, #tpu.memory_space<hbm>>) dst(%arg4 : memref<8x125xi32, #tpu.memory_space<vmem>>)
        tpu.yield
      }) : () -> ()
      %dma_start3A = arith.constant 0 : i32
      %dma_start3A_302 = arith.constant 0 : i32
      %dma_start3A_303 = tpu.memref_slice %arg5[%dma_start3A_302] : memref<128xf32, #tpu.memory_space<vmem>> -> memref<125xf32, #tpu.memory_space<vmem>>
      %dma_start3A_304 = arith.constant 0 : i32
      %dma_start3A_305 = tpu.memref_slice %arg4[%dma_start3A, %dma_start3A_304] : memref<8x125xi32, #tpu.memory_space<vmem>> -> memref<1x125xi32, #tpu.memory_space<vmem>>
      %dma_start3A_306 = tpu.memref_squeeze %dma_start3A_305 : memref<1x125xi32, #tpu.memory_space<vmem>> -> memref<125xi32, #tpu.memory_space<vmem>>
      %dma_start3A_307 = arith.constant 0 : i32
      %dma_start3A_308 = tpu.memref_slice %arg7[%dma_start3A_307] : memref<10240xf32, #tpu.memory_space<vmem_shared>> -> memref<10240xf32, #tpu.memory_space<vmem_shared>>
      tpu.enqueue_indirect_dma source(%dma_start3A_303 : memref<125xf32, #tpu.memory_space<vmem>>) target(%dma_start3A_308 : memref<10240xf32, #tpu.memory_space<vmem_shared>>) offsets(%dma_start3A_306 : memref<125xi32, #tpu.memory_space<vmem>>) semaphore(%arg8 : memref<!tpu.dma_semaphore, #tpu.memory_space<semaphore_mem>>) {add = true}
      %dma_start3A_309 = arith.constant 1 : i32
      %dma_start3A_310 = arith.constant 0 : i32
      %dma_start3A_311 = tpu.memref_slice %arg5[%dma_start3A_310] : memref<128xf32, #tpu.memory_space<vmem>> -> memref<125xf32, #tpu.memory_space<vmem>>
      %dma_start3A_312 = arith.constant 0 : i32
      %dma_start3A_313 = tpu.memref_slice %arg4[%dma_start3A_309, %dma_start3A_312] : memref<8x125xi32, #tpu.memory_space<vmem>> -> memref<1x125xi32, #tpu.memory_space<vmem>>
      %dma_start3A_314 = tpu.memref_squeeze %dma_start3A_313 : memref<1x125xi32, #tpu.memory_space<vmem>> -> memref<125xi32, #tpu.memory_space<vmem>>
      %dma_start3A_315 = arith.constant 0 : i32
      %dma_start3A_316 = tpu.memref_slice %arg7[%dma_start3A_315] : memref<10240xf32, #tpu.memory_space<vmem_shared>> -> memref<10240xf32, #tpu.memory_space<vmem_shared>>
      tpu.enqueue_indirect_dma source(%dma_start3A_311 : memref<125xf32, #tpu.memory_space<vmem>>) target(%dma_start3A_316 : memref<10240xf32, #tpu.memory_space<vmem_shared>>) offsets(%dma_start3A_314 : memref<125xi32, #tpu.memory_space<vmem>>) semaphore(%arg8 : memref<!tpu.dma_semaphore, #tpu.memory_space<semaphore_mem>>) {add = true}
      %dma_start3A_317 = arith.constant 2 : i32
      %dma_start3A_318 = arith.constant 0 : i32
      %dma_start3A_319 = tpu.memref_slice %arg5[%dma_start3A_318] : memref<128xf32, #tpu.memory_space<vmem>> -> memref<125xf32, #tpu.memory_space<vmem>>
      %dma_start3A_320 = arith.constant 0 : i32
      %dma_start3A_321 = tpu.memref_slice %arg4[%dma_start3A_317, %dma_start3A_320] : memref<8x125xi32, #tpu.memory_space<vmem>> -> memref<1x125xi32, #tpu.memory_space<vmem>>
      %dma_start3A_322 = tpu.memref_squeeze %dma_start3A_321 : memref<1x125xi32, #tpu.memory_space<vmem>> -> memref<125xi32, #tpu.memory_space<vmem>>
      %dma_start3A_323 = arith.constant 0 : i32
      %dma_start3A_324 = tpu.memref_slice %arg7[%dma_start3A_323] : memref<10240xf32, #tpu.memory_space<vmem_shared>> -> memref<10240xf32, #tpu.memory_space<vmem_shared>>
      tpu.enqueue_indirect_dma source(%dma_start3A_319 : memref<125xf32, #tpu.memory_space<vmem>>) target(%dma_start3A_324 : memref<10240xf32, #tpu.memory_space<vmem_shared>>) offsets(%dma_start3A_322 : memref<125xi32, #tpu.memory_space<vmem>>) semaphore(%arg8 : memref<!tpu.dma_semaphore, #tpu.memory_space<semaphore_mem>>) {add = true}
      %dma_start3A_325 = arith.constant 3 : i32
      %dma_start3A_326 = arith.constant 0 : i32
      %dma_start3A_327 = tpu.memref_slice %arg5[%dma_start3A_326] : memref<128xf32, #tpu.memory_space<vmem>> -> memref<125xf32, #tpu.memory_space<vmem>>
      %dma_start3A_328 = arith.constant 0 : i32
      %dma_start3A_329 = tpu.memref_slice %arg4[%dma_start3A_325, %dma_start3A_328] : memref<8x125xi32, #tpu.memory_space<vmem>> -> memref<1x125xi32, #tpu.memory_space<vmem>>
      %dma_start3A_330 = tpu.memref_squeeze %dma_start3A_329 : memref<1x125xi32, #tpu.memory_space<vmem>> -> memref<125xi32, #tpu.memory_space<vmem>>
      %dma_start3A_331 = arith.constant 0 : i32
      %dma_start3A_332 = tpu.memref_slice %arg7[%dma_start3A_331] : memref<10240xf32, #tpu.memory_space<vmem_shared>> -> memref<10240xf32, #tpu.memory_space<vmem_shared>>
      tpu.enqueue_indirect_dma source(%dma_start3A_327 : memref<125xf32, #tpu.memory_space<vmem>>) target(%dma_start3A_332 : memref<10240xf32, #tpu.memory_space<vmem_shared>>) offsets(%dma_start3A_330 : memref<125xi32, #tpu.memory_space<vmem>>) semaphore(%arg8 : memref<!tpu.dma_semaphore, #tpu.memory_space<semaphore_mem>>) {add = true}
      %dma_start3A_333 = arith.constant 4 : i32
      %dma_start3A_334 = arith.constant 0 : i32
      %dma_start3A_335 = tpu.memref_slice %arg5[%dma_start3A_334] : memref<128xf32, #tpu.memory_space<vmem>> -> memref<125xf32, #tpu.memory_space<vmem>>
      %dma_start3A_336 = arith.constant 0 : i32
      %dma_start3A_337 = tpu.memref_slice %arg4[%dma_start3A_333, %dma_start3A_336] : memref<8x125xi32, #tpu.memory_space<vmem>> -> memref<1x125xi32, #tpu.memory_space<vmem>>
      %dma_start3A_338 = tpu.memref_squeeze %dma_start3A_337 : memref<1x125xi32, #tpu.memory_space<vmem>> -> memref<125xi32, #tpu.memory_space<vmem>>
      %dma_start3A_339 = arith.constant 0 : i32
      %dma_start3A_340 = tpu.memref_slice %arg7[%dma_start3A_339] : memref<10240xf32, #tpu.memory_space<vmem_shared>> -> memref<10240xf32, #tpu.memory_space<vmem_shared>>
      tpu.enqueue_indirect_dma source(%dma_start3A_335 : memref<125xf32, #tpu.memory_space<vmem>>) target(%dma_start3A_340 : memref<10240xf32, #tpu.memory_space<vmem_shared>>) offsets(%dma_start3A_338 : memref<125xi32, #tpu.memory_space<vmem>>) semaphore(%arg8 : memref<!tpu.dma_semaphore, #tpu.memory_space<semaphore_mem>>) {add = true}
      %dma_start3A_341 = arith.constant 5 : i32
      %dma_start3A_342 = arith.constant 0 : i32
      %dma_start3A_343 = tpu.memref_slice %arg5[%dma_start3A_342] : memref<128xf32, #tpu.memory_space<vmem>> -> memref<125xf32, #tpu.memory_space<vmem>>
      %dma_start3A_344 = arith.constant 0 : i32
      %dma_start3A_345 = tpu.memref_slice %arg4[%dma_start3A_341, %dma_start3A_344] : memref<8x125xi32, #tpu.memory_space<vmem>> -> memref<1x125xi32, #tpu.memory_space<vmem>>
      %dma_start3A_346 = tpu.memref_squeeze %dma_start3A_345 : memref<1x125xi32, #tpu.memory_space<vmem>> -> memref<125xi32, #tpu.memory_space<vmem>>
      %dma_start3A_347 = arith.constant 0 : i32
      %dma_start3A_348 = tpu.memref_slice %arg7[%dma_start3A_347] : memref<10240xf32, #tpu.memory_space<vmem_shared>> -> memref<10240xf32, #tpu.memory_space<vmem_shared>>
      tpu.enqueue_indirect_dma source(%dma_start3A_343 : memref<125xf32, #tpu.memory_space<vmem>>) target(%dma_start3A_348 : memref<10240xf32, #tpu.memory_space<vmem_shared>>) offsets(%dma_start3A_346 : memref<125xi32, #tpu.memory_space<vmem>>) semaphore(%arg8 : memref<!tpu.dma_semaphore, #tpu.memory_space<semaphore_mem>>) {add = true}
      %dma_start3A_349 = arith.constant 6 : i32
      %dma_start3A_350 = arith.constant 0 : i32
      %dma_start3A_351 = tpu.memref_slice %arg5[%dma_start3A_350] : memref<128xf32, #tpu.memory_space<vmem>> -> memref<125xf32, #tpu.memory_space<vmem>>
      %dma_start3A_352 = arith.constant 0 : i32
      %dma_start3A_353 = tpu.memref_slice %arg4[%dma_start3A_349, %dma_start3A_352] : memref<8x125xi32, #tpu.memory_space<vmem>> -> memref<1x125xi32, #tpu.memory_space<vmem>>
      %dma_start3A_354 = tpu.memref_squeeze %dma_start3A_353 : memref<1x125xi32, #tpu.memory_space<vmem>> -> memref<125xi32, #tpu.memory_space<vmem>>
      %dma_start3A_355 = arith.constant 0 : i32
      %dma_start3A_356 = tpu.memref_slice %arg7[%dma_start3A_355] : memref<10240xf32, #tpu.memory_space<vmem_shared>> -> memref<10240xf32, #tpu.memory_space<vmem_shared>>
      tpu.enqueue_indirect_dma source(%dma_start3A_351 : memref<125xf32, #tpu.memory_space<vmem>>) target(%dma_start3A_356 : memref<10240xf32, #tpu.memory_space<vmem_shared>>) offsets(%dma_start3A_354 : memref<125xi32, #tpu.memory_space<vmem>>) semaphore(%arg8 : memref<!tpu.dma_semaphore, #tpu.memory_space<semaphore_mem>>) {add = true}
      %dma_start3A_357 = arith.constant 7 : i32
      %dma_start3A_358 = arith.constant 0 : i32
      %dma_start3A_359 = tpu.memref_slice %arg5[%dma_start3A_358] : memref<128xf32, #tpu.memory_space<vmem>> -> memref<125xf32, #tpu.memory_space<vmem>>
      %dma_start3A_360 = arith.constant 0 : i32
      %dma_start3A_361 = tpu.memref_slice %arg4[%dma_start3A_357, %dma_start3A_360] : memref<8x125xi32, #tpu.memory_space<vmem>> -> memref<1x125xi32, #tpu.memory_space<vmem>>
      %dma_start3A_362 = tpu.memref_squeeze %dma_start3A_361 : memref<1x125xi32, #tpu.memory_space<vmem>> -> memref<125xi32, #tpu.memory_space<vmem>>
      %dma_start3A_363 = arith.constant 0 : i32
      %dma_start3A_364 = tpu.memref_slice %arg7[%dma_start3A_363] : memref<10240xf32, #tpu.memory_space<vmem_shared>> -> memref<10240xf32, #tpu.memory_space<vmem_shared>>
      tpu.enqueue_indirect_dma source(%dma_start3A_359 : memref<125xf32, #tpu.memory_space<vmem>>) target(%dma_start3A_364 : memref<10240xf32, #tpu.memory_space<vmem_shared>>) offsets(%dma_start3A_362 : memref<125xi32, #tpu.memory_space<vmem>>) semaphore(%arg8 : memref<!tpu.dma_semaphore, #tpu.memory_space<semaphore_mem>>) {add = true}
      %dma_wait3A = arith.constant 0 : i32
      %dma_wait3A_365 = arith.constant 0 : i32
      %dma_wait3A_366 = tpu.memref_slice %arg5[%dma_wait3A_365] : memref<128xf32, #tpu.memory_space<vmem>> -> memref<125xf32, #tpu.memory_space<vmem>>
      %dma_wait3A_367 = arith.constant 0 : i32
      %dma_wait3A_368 = tpu.memref_slice %arg4[%dma_wait3A, %dma_wait3A_367] : memref<8x125xi32, #tpu.memory_space<vmem>> -> memref<1x125xi32, #tpu.memory_space<vmem>>
      %dma_wait3A_369 = tpu.memref_squeeze %dma_wait3A_368 : memref<1x125xi32, #tpu.memory_space<vmem>> -> memref<125xi32, #tpu.memory_space<vmem>>
      %dma_wait3A_370 = arith.constant 0 : i32
      %dma_wait3A_371 = tpu.memref_slice %arg7[%dma_wait3A_370] : memref<10240xf32, #tpu.memory_space<vmem_shared>> -> memref<10240xf32, #tpu.memory_space<vmem_shared>>
      tpu.wait_indirect_dma semaphore(%arg8 : memref<!tpu.dma_semaphore, #tpu.memory_space<semaphore_mem>>) src(%dma_wait3A_366 : memref<125xf32, #tpu.memory_space<vmem>>) dst(%dma_wait3A_371 : memref<10240xf32, #tpu.memory_space<vmem_shared>>)
      %dma_wait3A_372 = arith.constant 0 : i32
      %dma_wait3A_373 = arith.constant 0 : i32
      %dma_wait3A_374 = tpu.memref_slice %arg5[%dma_wait3A_373] : memref<128xf32, #tpu.memory_space<vmem>> -> memref<125xf32, #tpu.memory_space<vmem>>
      %dma_wait3A_375 = arith.constant 0 : i32
      %dma_wait3A_376 = tpu.memref_slice %arg4[%dma_wait3A_372, %dma_wait3A_375] : memref<8x125xi32, #tpu.memory_space<vmem>> -> memref<1x125xi32, #tpu.memory_space<vmem>>
      %dma_wait3A_377 = tpu.memref_squeeze %dma_wait3A_376 : memref<1x125xi32, #tpu.memory_space<vmem>> -> memref<125xi32, #tpu.memory_space<vmem>>
      %dma_wait3A_378 = arith.constant 0 : i32
      %dma_wait3A_379 = tpu.memref_slice %arg7[%dma_wait3A_378] : memref<10240xf32, #tpu.memory_space<vmem_shared>> -> memref<10240xf32, #tpu.memory_space<vmem_shared>>
      tpu.wait_indirect_dma semaphore(%arg8 : memref<!tpu.dma_semaphore, #tpu.memory_space<semaphore_mem>>) src(%dma_wait3A_374 : memref<125xf32, #tpu.memory_space<vmem>>) dst(%dma_wait3A_379 : memref<10240xf32, #tpu.memory_space<vmem_shared>>)
      %dma_wait3A_380 = arith.constant 0 : i32
      %dma_wait3A_381 = arith.constant 0 : i32
      %dma_wait3A_382 = tpu.memref_slice %arg5[%dma_wait3A_381] : memref<128xf32, #tpu.memory_space<vmem>> -> memref<125xf32, #tpu.memory_space<vmem>>
      %dma_wait3A_383 = arith.constant 0 : i32
      %dma_wait3A_384 = tpu.memref_slice %arg4[%dma_wait3A_380, %dma_wait3A_383] : memref<8x125xi32, #tpu.memory_space<vmem>> -> memref<1x125xi32, #tpu.memory_space<vmem>>
      %dma_wait3A_385 = tpu.memref_squeeze %dma_wait3A_384 : memref<1x125xi32, #tpu.memory_space<vmem>> -> memref<125xi32, #tpu.memory_space<vmem>>
      %dma_wait3A_386 = arith.constant 0 : i32
      %dma_wait3A_387 = tpu.memref_slice %arg7[%dma_wait3A_386] : memref<10240xf32, #tpu.memory_space<vmem_shared>> -> memref<10240xf32, #tpu.memory_space<vmem_shared>>
      tpu.wait_indirect_dma semaphore(%arg8 : memref<!tpu.dma_semaphore, #tpu.memory_space<semaphore_mem>>) src(%dma_wait3A_382 : memref<125xf32, #tpu.memory_space<vmem>>) dst(%dma_wait3A_387 : memref<10240xf32, #tpu.memory_space<vmem_shared>>)
      %dma_wait3A_388 = arith.constant 0 : i32
      %dma_wait3A_389 = arith.constant 0 : i32
      %dma_wait3A_390 = tpu.memref_slice %arg5[%dma_wait3A_389] : memref<128xf32, #tpu.memory_space<vmem>> -> memref<125xf32, #tpu.memory_space<vmem>>
      %dma_wait3A_391 = arith.constant 0 : i32
      %dma_wait3A_392 = tpu.memref_slice %arg4[%dma_wait3A_388, %dma_wait3A_391] : memref<8x125xi32, #tpu.memory_space<vmem>> -> memref<1x125xi32, #tpu.memory_space<vmem>>
      %dma_wait3A_393 = tpu.memref_squeeze %dma_wait3A_392 : memref<1x125xi32, #tpu.memory_space<vmem>> -> memref<125xi32, #tpu.memory_space<vmem>>
      %dma_wait3A_394 = arith.constant 0 : i32
      %dma_wait3A_395 = tpu.memref_slice %arg7[%dma_wait3A_394] : memref<10240xf32, #tpu.memory_space<vmem_shared>> -> memref<10240xf32, #tpu.memory_space<vmem_shared>>
      tpu.wait_indirect_dma semaphore(%arg8 : memref<!tpu.dma_semaphore, #tpu.memory_space<semaphore_mem>>) src(%dma_wait3A_390 : memref<125xf32, #tpu.memory_space<vmem>>) dst(%dma_wait3A_395 : memref<10240xf32, #tpu.memory_space<vmem_shared>>)
      %dma_wait3A_396 = arith.constant 0 : i32
      %dma_wait3A_397 = arith.constant 0 : i32
      %dma_wait3A_398 = tpu.memref_slice %arg5[%dma_wait3A_397] : memref<128xf32, #tpu.memory_space<vmem>> -> memref<125xf32, #tpu.memory_space<vmem>>
      %dma_wait3A_399 = arith.constant 0 : i32
      %dma_wait3A_400 = tpu.memref_slice %arg4[%dma_wait3A_396, %dma_wait3A_399] : memref<8x125xi32, #tpu.memory_space<vmem>> -> memref<1x125xi32, #tpu.memory_space<vmem>>
      %dma_wait3A_401 = tpu.memref_squeeze %dma_wait3A_400 : memref<1x125xi32, #tpu.memory_space<vmem>> -> memref<125xi32, #tpu.memory_space<vmem>>
      %dma_wait3A_402 = arith.constant 0 : i32
      %dma_wait3A_403 = tpu.memref_slice %arg7[%dma_wait3A_402] : memref<10240xf32, #tpu.memory_space<vmem_shared>> -> memref<10240xf32, #tpu.memory_space<vmem_shared>>
      tpu.wait_indirect_dma semaphore(%arg8 : memref<!tpu.dma_semaphore, #tpu.memory_space<semaphore_mem>>) src(%dma_wait3A_398 : memref<125xf32, #tpu.memory_space<vmem>>) dst(%dma_wait3A_403 : memref<10240xf32, #tpu.memory_space<vmem_shared>>)
      %dma_wait3A_404 = arith.constant 0 : i32
      %dma_wait3A_405 = arith.constant 0 : i32
      %dma_wait3A_406 = tpu.memref_slice %arg5[%dma_wait3A_405] : memref<128xf32, #tpu.memory_space<vmem>> -> memref<125xf32, #tpu.memory_space<vmem>>
      %dma_wait3A_407 = arith.constant 0 : i32
      %dma_wait3A_408 = tpu.memref_slice %arg4[%dma_wait3A_404, %dma_wait3A_407] : memref<8x125xi32, #tpu.memory_space<vmem>> -> memref<1x125xi32, #tpu.memory_space<vmem>>
      %dma_wait3A_409 = tpu.memref_squeeze %dma_wait3A_408 : memref<1x125xi32, #tpu.memory_space<vmem>> -> memref<125xi32, #tpu.memory_space<vmem>>
      %dma_wait3A_410 = arith.constant 0 : i32
      %dma_wait3A_411 = tpu.memref_slice %arg7[%dma_wait3A_410] : memref<10240xf32, #tpu.memory_space<vmem_shared>> -> memref<10240xf32, #tpu.memory_space<vmem_shared>>
      tpu.wait_indirect_dma semaphore(%arg8 : memref<!tpu.dma_semaphore, #tpu.memory_space<semaphore_mem>>) src(%dma_wait3A_406 : memref<125xf32, #tpu.memory_space<vmem>>) dst(%dma_wait3A_411 : memref<10240xf32, #tpu.memory_space<vmem_shared>>)
      %dma_wait3A_412 = arith.constant 0 : i32
      %dma_wait3A_413 = arith.constant 0 : i32
      %dma_wait3A_414 = tpu.memref_slice %arg5[%dma_wait3A_413] : memref<128xf32, #tpu.memory_space<vmem>> -> memref<125xf32, #tpu.memory_space<vmem>>
      %dma_wait3A_415 = arith.constant 0 : i32
      %dma_wait3A_416 = tpu.memref_slice %arg4[%dma_wait3A_412, %dma_wait3A_415] : memref<8x125xi32, #tpu.memory_space<vmem>> -> memref<1x125xi32, #tpu.memory_space<vmem>>
      %dma_wait3A_417 = tpu.memref_squeeze %dma_wait3A_416 : memref<1x125xi32, #tpu.memory_space<vmem>> -> memref<125xi32, #tpu.memory_space<vmem>>
      %dma_wait3A_418 = arith.constant 0 : i32
      %dma_wait3A_419 = tpu.memref_slice %arg7[%dma_wait3A_418] : memref<10240xf32, #tpu.memory_space<vmem_shared>> -> memref<10240xf32, #tpu.memory_space<vmem_shared>>
      tpu.wait_indirect_dma semaphore(%arg8 : memref<!tpu.dma_semaphore, #tpu.memory_space<semaphore_mem>>) src(%dma_wait3A_414 : memref<125xf32, #tpu.memory_space<vmem>>) dst(%dma_wait3A_419 : memref<10240xf32, #tpu.memory_space<vmem_shared>>)
      %dma_wait3A_420 = arith.constant 0 : i32
      %dma_wait3A_421 = arith.constant 0 : i32
      %dma_wait3A_422 = tpu.memref_slice %arg5[%dma_wait3A_421] : memref<128xf32, #tpu.memory_space<vmem>> -> memref<125xf32, #tpu.memory_space<vmem>>
      %dma_wait3A_423 = arith.constant 0 : i32
      %dma_wait3A_424 = tpu.memref_slice %arg4[%dma_wait3A_420, %dma_wait3A_423] : memref<8x125xi32, #tpu.memory_space<vmem>> -> memref<1x125xi32, #tpu.memory_space<vmem>>
      %dma_wait3A_425 = tpu.memref_squeeze %dma_wait3A_424 : memref<1x125xi32, #tpu.memory_space<vmem>> -> memref<125xi32, #tpu.memory_space<vmem>>
      %dma_wait3A_426 = arith.constant 0 : i32
      %dma_wait3A_427 = tpu.memref_slice %arg7[%dma_wait3A_426] : memref<10240xf32, #tpu.memory_space<vmem_shared>> -> memref<10240xf32, #tpu.memory_space<vmem_shared>>
      tpu.wait_indirect_dma semaphore(%arg8 : memref<!tpu.dma_semaphore, #tpu.memory_space<semaphore_mem>>) src(%dma_wait3A_422 : memref<125xf32, #tpu.memory_space<vmem>>) dst(%dma_wait3A_427 : memref<10240xf32, #tpu.memory_space<vmem_shared>>)
    }
    %scan3A_293 = arith.constant 10 : i32
    %barrier3A_294 = arith.constant 0 : index
    tpu.barrier barrier_id(%barrier3A_294)
    %mul3A_295 = arith.constant 640 : i32
    %mul3A_296 = arith.muli %arg1, %mul3A_295 : i32
    %mul3A_297 = arith.constant 640 : i32
    %mul3A_298 = arith.muli %arg1, %mul3A_297 : i32
    "tpu.region"() ({
      %run_scoped3A = tpu.sem_alloc : memref<!tpu.dma_semaphore, #tpu.memory_space<semaphore_mem>>
      %dma_start3A = tpu.memref_slice %arg3[%arg0, %mul3A_298] : memref<2x10240xf32, #tpu.memory_space<hbm>> -> memref<1x640xf32, #tpu.memory_space<hbm>>
      %dma_start3A_299 = tpu.memref_squeeze %dma_start3A : memref<1x640xf32, #tpu.memory_space<hbm>> -> memref<640xf32, #tpu.memory_space<hbm>>
      %dma_start3A_300 = tpu.memref_slice %arg7[%mul3A_296] : memref<10240xf32, #tpu.memory_space<vmem_shared>> -> memref<640xf32, #tpu.memory_space<vmem_shared>>
      tpu.enqueue_dma source(%dma_start3A_300 : memref<640xf32, #tpu.memory_space<vmem_shared>>) target(%dma_start3A_299 : memref<640xf32, #tpu.memory_space<hbm>>) target_semaphore(%run_scoped3A : memref<!tpu.dma_semaphore, #tpu.memory_space<semaphore_mem>>)
      %dma_wait3A = tpu.memref_slice %arg3[%arg0, %mul3A_298] : memref<2x10240xf32, #tpu.memory_space<hbm>> -> memref<1x640xf32, #tpu.memory_space<hbm>>
      %dma_wait3A_301 = tpu.memref_squeeze %dma_wait3A : memref<1x640xf32, #tpu.memory_space<hbm>> -> memref<640xf32, #tpu.memory_space<hbm>>
      %dma_wait3A_302 = tpu.memref_slice %arg7[%mul3A_296] : memref<10240xf32, #tpu.memory_space<vmem_shared>> -> memref<640xf32, #tpu.memory_space<vmem_shared>>
      tpu.wait_dma2 semaphore(%run_scoped3A : memref<!tpu.dma_semaphore, #tpu.memory_space<semaphore_mem>>) src(%dma_wait3A_302 : memref<640xf32, #tpu.memory_space<vmem_shared>>) dst(%dma_wait3A_301 : memref<640xf32, #tpu.memory_space<hbm>>)
      tpu.yield
    }) : () -> ()
    return
  }
}

module attributes {stable_mosaic.version = 14 : i64} {
  func.func @_tc_pre_body(%arg0: i32, %arg1: memref<5000x128xf32, #tpu.memory_space<vmem>>, %arg2: memref<128x128xf32, #tpu.memory_space<vmem>>, %arg3: memref<5000x2xf32, #tpu.memory_space<vmem>>, %arg4: memref<5000x128xf32, #tpu.memory_space<vmem>>) attributes {dimension_semantics = [#tpu.dimension_semantics<arbitrary>], iteration_bounds = array<i64: 2>, scalar_prefetch = 0 : i64, scratch_operands = 0 : i64, tpu.core_type = #tpu.core_type<tc>, window_params = [{transform_indices = @transform_0, window_bounds = array<i64: 5000, 128>}, {pipeline_mode = #tpu.pipeline_mode<synchronous>, transform_indices = @transform_1, window_bounds = array<i64: 128, 128>}, {transform_indices = @transform_2, window_bounds = array<i64: 5000, 2>}, {transform_indices = @transform_3, window_bounds = array<i64: 5000, 128>}]} {
    %get3A = arith.constant 0 : index
    %get3A_0 = arith.constant 0 : index
    %get3A_1 = vector.load %arg3[%get3A, %get3A_0] : memref<5000x2xf32, #tpu.memory_space<vmem>>, vector<5000x2xf32>
    %reduce_sum3A = arith.constant dense<0.000000e+00> : vector<5000xf32>
    %reduce_sum3A_2 = vector.multi_reduction <add>, %get3A_1, %reduce_sum3A [1] : vector<5000x2xf32> to vector<5000xf32>
    %add3A = arith.constant 1.000000e+00 : f32
    %add3A_3 = vector.broadcast %add3A : f32 to vector<5000xf32>
    %add3A_4 = arith.addf %reduce_sum3A_2, %add3A_3 : vector<5000xf32>
    %rsqrt3A = math.rsqrt %add3A_4 : vector<5000xf32>
    %get3A_5 = arith.constant 0 : index
    %get3A_6 = arith.constant 0 : index
    %get3A_7 = vector.load %arg1[%get3A_5, %get3A_6] : memref<5000x128xf32, #tpu.memory_space<vmem>>, vector<5000x128xf32>
    %get3A_8 = arith.constant 0 : index
    %get3A_9 = arith.constant 0 : index
    %get3A_10 = vector.load %arg2[%get3A_8, %get3A_9] : memref<128x128xf32, #tpu.memory_space<vmem>>, vector<128x128xf32>
    %dot_general3A = arith.constant dense<0.000000e+00> : vector<5000x128xf32>
    %dot_general3A_11 = tpu.matmul %get3A_7, %get3A_10, %dot_general3A {dimension_numbers = #tpu.dot_dimension_numbers<[1], [0], [0], [1], [0, 0, 1, 1], [], []>, transpose_lhs_hint = false} : vector<5000x128xf32>, vector<128x128xf32>, vector<5000x128xf32> -> vector<5000x128xf32>
    %broadcast_in_dim3A = vector.shape_cast %rsqrt3A : vector<5000xf32> to vector<5000x1xf32>
    %mul3A = vector.broadcast %broadcast_in_dim3A : vector<5000x1xf32> to vector<5000x128xf32>
    %mul3A_12 = arith.mulf %dot_general3A_11, %mul3A : vector<5000x128xf32>
    %swap3A = arith.constant 0 : index
    %swap3A_13 = arith.constant 0 : index
    %swap3A_14 = vector.load %arg4[%swap3A, %swap3A_13] : memref<5000x128xf32, #tpu.memory_space<vmem>>, vector<5000x128xf32>
    tpu.vector_store %arg4[%swap3A, %swap3A_13], %mul3A_12 {strides = array<i32>} : memref<5000x128xf32, #tpu.memory_space<vmem>>, vector<5000x128xf32>,
    return
  }
  func.func @transform_0(%arg0: i32) -> (i32, i32) {
    %c0_i32 = arith.constant 0 : i32
    %c0_i32_0 = arith.constant 0 : i32
    return %arg0, %c0_i32 : i32, i32
  }
  func.func @transform_1(%arg0: i32) -> (i32, i32) {
    %c0_i32 = arith.constant 0 : i32
    %c0_i32_0 = arith.constant 0 : i32
    %c0_i32_1 = arith.constant 0 : i32
    return %c0_i32, %c0_i32_0 : i32, i32
  }
  func.func @transform_2(%arg0: i32) -> (i32, i32) {
    %c0_i32 = arith.constant 0 : i32
    %c0_i32_0 = arith.constant 0 : i32
    return %arg0, %c0_i32 : i32, i32
  }
  func.func @transform_3(%arg0: i32) -> (i32, i32) {
    %c0_i32 = arith.constant 0 : i32
    %c0_i32_0 = arith.constant 0 : i32
    return %arg0, %c0_i32 : i32, i32
  }
}

module attributes {stable_mosaic.version = 14 : i64} {
  func.func @_tc_mid_body(%arg0: i32, %arg1: memref<2x5000x128xf32, #tpu.memory_space<vmem>>, %arg2: memref<5000x128xf32, #tpu.memory_space<vmem>>, %arg3: memref<5000x2xf32, #tpu.memory_space<vmem>>, %arg4: memref<1x128xf32, #tpu.memory_space<vmem>>, %arg5: memref<128x128xf32, #tpu.memory_space<vmem>>, %arg6: memref<5000x128xf32, #tpu.memory_space<vmem>>) attributes {dimension_semantics = [#tpu.dimension_semantics<arbitrary>], iteration_bounds = array<i64: 2>, scalar_prefetch = 0 : i64, scratch_operands = 0 : i64, tpu.core_type = #tpu.core_type<tc>, window_params = [{transform_indices = @transform_0, window_bounds = array<i64: 2, 5000, 128>}, {transform_indices = @transform_1, window_bounds = array<i64: 5000, 128>}, {transform_indices = @transform_2, window_bounds = array<i64: 5000, 2>}, {pipeline_mode = #tpu.pipeline_mode<synchronous>, transform_indices = @transform_3, window_bounds = array<i64: 1, 128>}, {pipeline_mode = #tpu.pipeline_mode<synchronous>, transform_indices = @transform_4, window_bounds = array<i64: 128, 128>}, {transform_indices = @transform_5, window_bounds = array<i64: 5000, 128>}]} {
    %get3A = arith.constant 0 : index
    %get3A_0 = arith.constant 0 : index
    %get3A_1 = vector.load %arg3[%get3A, %get3A_0] : memref<5000x2xf32, #tpu.memory_space<vmem>>, vector<5000x2xf32>
    %reduce_sum3A = arith.constant dense<0.000000e+00> : vector<5000xf32>
    %reduce_sum3A_2 = vector.multi_reduction <add>, %get3A_1, %reduce_sum3A [1] : vector<5000x2xf32> to vector<5000xf32>
    %add3A = arith.constant 1.000000e+00 : f32
    %add3A_3 = vector.broadcast %add3A : f32 to vector<5000xf32>
    %add3A_4 = arith.addf %reduce_sum3A_2, %add3A_3 : vector<5000xf32>
    %rsqrt3A = math.rsqrt %add3A_4 : vector<5000xf32>
    %get3A_5 = arith.constant 0 : index
    %get3A_6 = arith.constant 0 : index
    %get3A_7 = arith.constant 0 : index
    %get3A_8 = vector.load %arg1[%get3A_5, %get3A_6, %get3A_7] : memref<2x5000x128xf32, #tpu.memory_space<vmem>>, vector<1x5000x128xf32>
    %get3A_9 = vector.shape_cast %get3A_8 : vector<1x5000x128xf32> to vector<5000x128xf32>
    %get3A_10 = arith.constant 1 : index
    %get3A_11 = arith.constant 0 : index
    %get3A_12 = arith.constant 0 : index
    %get3A_13 = vector.load %arg1[%get3A_10, %get3A_11, %get3A_12] : memref<2x5000x128xf32, #tpu.memory_space<vmem>>, vector<1x5000x128xf32>
    %get3A_14 = vector.shape_cast %get3A_13 : vector<1x5000x128xf32> to vector<5000x128xf32>
    %add3A_15 = arith.addf %get3A_9, %get3A_14 : vector<5000x128xf32>
    %get3A_16 = arith.constant 0 : index
    %get3A_17 = arith.constant 0 : index
    %get3A_18 = vector.load %arg2[%get3A_16, %get3A_17] : memref<5000x128xf32, #tpu.memory_space<vmem>>, vector<5000x128xf32>
    %add3A_19 = arith.addf %add3A_15, %get3A_18 : vector<5000x128xf32>
    %broadcast_in_dim3A = vector.shape_cast %rsqrt3A : vector<5000xf32> to vector<5000x1xf32>
    %mul3A = vector.broadcast %broadcast_in_dim3A : vector<5000x1xf32> to vector<5000x128xf32>
    %mul3A_20 = arith.mulf %add3A_19, %mul3A : vector<5000x128xf32>
    %get3A_21 = arith.constant 0 : index
    %get3A_22 = arith.constant 0 : index
    %get3A_23 = vector.load %arg4[%get3A_21, %get3A_22] : memref<1x128xf32, #tpu.memory_space<vmem>>, vector<1x128xf32>
    %add3A_24 = vector.broadcast %get3A_23 : vector<1x128xf32> to vector<5000x128xf32>
    %add3A_25 = arith.addf %mul3A_20, %add3A_24 : vector<5000x128xf32>
    %max3A = arith.constant 0.000000e+00 : f32
    %max3A_26 = vector.broadcast %max3A : f32 to vector<5000x128xf32>
    %max3A_27 = arith.maximumf %add3A_25, %max3A_26 : vector<5000x128xf32>
    %get3A_28 = arith.constant 0 : index
    %get3A_29 = arith.constant 0 : index
    %get3A_30 = vector.load %arg5[%get3A_28, %get3A_29] : memref<128x128xf32, #tpu.memory_space<vmem>>, vector<128x128xf32>
    %dot_general3A = arith.constant dense<0.000000e+00> : vector<5000x128xf32>
    %dot_general3A_31 = tpu.matmul %max3A_27, %get3A_30, %dot_general3A {dimension_numbers = #tpu.dot_dimension_numbers<[1], [0], [0], [1], [0, 0, 1, 1], [], []>, transpose_lhs_hint = false} : vector<5000x128xf32>, vector<128x128xf32>, vector<5000x128xf32> -> vector<5000x128xf32>
    %broadcast_in_dim3A_32 = vector.shape_cast %rsqrt3A : vector<5000xf32> to vector<5000x1xf32>
    %mul3A_33 = vector.broadcast %broadcast_in_dim3A_32 : vector<5000x1xf32> to vector<5000x128xf32>
    %mul3A_34 = arith.mulf %dot_general3A_31, %mul3A_33 : vector<5000x128xf32>
    %swap3A = arith.constant 0 : index
    %swap3A_35 = arith.constant 0 : index
    %swap3A_36 = vector.load %arg6[%swap3A, %swap3A_35] : memref<5000x128xf32, #tpu.memory_space<vmem>>, vector<5000x128xf32>
    tpu.vector_store %arg6[%swap3A, %swap3A_35], %mul3A_34 {strides = array<i32>} : memref<5000x128xf32, #tpu.memory_space<vmem>>, vector<5000x128xf32>,
    return
  }
  func.func @transform_0(%arg0: i32) -> (i32, i32, i32) {
    %c0_i32 = arith.constant 0 : i32
    %c0_i32_0 = arith.constant 0 : i32
    %c0_i32_1 = arith.constant 0 : i32
    return %c0_i32, %arg0, %c0_i32_0 : i32, i32, i32
  }
  func.func @transform_1(%arg0: i32) -> (i32, i32) {
    %c0_i32 = arith.constant 0 : i32
    %c0_i32_0 = arith.constant 0 : i32
    return %arg0, %c0_i32 : i32, i32
  }
  func.func @transform_2(%arg0: i32) -> (i32, i32) {
    %c0_i32 = arith.constant 0 : i32
    %c0_i32_0 = arith.constant 0 : i32
    return %arg0, %c0_i32 : i32, i32
  }
  func.func @transform_3(%arg0: i32) -> (i32, i32) {
    %c0_i32 = arith.constant 0 : i32
    %c0_i32_0 = arith.constant 0 : i32
    %c0_i32_1 = arith.constant 0 : i32
    return %c0_i32, %c0_i32_0 : i32, i32
  }
  func.func @transform_4(%arg0: i32) -> (i32, i32) {
    %c0_i32 = arith.constant 0 : i32
    %c0_i32_0 = arith.constant 0 : i32
    %c0_i32_1 = arith.constant 0 : i32
    return %c0_i32, %c0_i32_0 : i32, i32
  }
  func.func @transform_5(%arg0: i32) -> (i32, i32) {
    %c0_i32 = arith.constant 0 : i32
    %c0_i32_0 = arith.constant 0 : i32
    return %arg0, %c0_i32 : i32, i32
  }
}

module attributes {stable_mosaic.version = 14 : i64} {
  func.func @_tc_post_body(%arg0: i32, %arg1: memref<2x5000x128xf32, #tpu.memory_space<vmem>>, %arg2: memref<5000x128xf32, #tpu.memory_space<vmem>>, %arg3: memref<5000x2xf32, #tpu.memory_space<vmem>>, %arg4: memref<1x128xf32, #tpu.memory_space<vmem>>, %arg5: memref<5000x128xf32, #tpu.memory_space<vmem>>) attributes {dimension_semantics = [#tpu.dimension_semantics<arbitrary>], iteration_bounds = array<i64: 2>, scalar_prefetch = 0 : i64, scratch_operands = 0 : i64, tpu.core_type = #tpu.core_type<tc>, window_params = [{transform_indices = @transform_0, window_bounds = array<i64: 2, 5000, 128>}, {transform_indices = @transform_1, window_bounds = array<i64: 5000, 128>}, {transform_indices = @transform_2, window_bounds = array<i64: 5000, 2>}, {pipeline_mode = #tpu.pipeline_mode<synchronous>, transform_indices = @transform_3, window_bounds = array<i64: 1, 128>}, {transform_indices = @transform_4, window_bounds = array<i64: 5000, 128>}]} {
    %get3A = arith.constant 0 : index
    %get3A_0 = arith.constant 0 : index
    %get3A_1 = vector.load %arg3[%get3A, %get3A_0] : memref<5000x2xf32, #tpu.memory_space<vmem>>, vector<5000x2xf32>
    %reduce_sum3A = arith.constant dense<0.000000e+00> : vector<5000xf32>
    %reduce_sum3A_2 = vector.multi_reduction <add>, %get3A_1, %reduce_sum3A [1] : vector<5000x2xf32> to vector<5000xf32>
    %add3A = arith.constant 1.000000e+00 : f32
    %add3A_3 = vector.broadcast %add3A : f32 to vector<5000xf32>
    %add3A_4 = arith.addf %reduce_sum3A_2, %add3A_3 : vector<5000xf32>
    %rsqrt3A = math.rsqrt %add3A_4 : vector<5000xf32>
    %get3A_5 = arith.constant 0 : index
    %get3A_6 = arith.constant 0 : index
    %get3A_7 = arith.constant 0 : index
    %get3A_8 = vector.load %arg1[%get3A_5, %get3A_6, %get3A_7] : memref<2x5000x128xf32, #tpu.memory_space<vmem>>, vector<1x5000x128xf32>
    %get3A_9 = vector.shape_cast %get3A_8 : vector<1x5000x128xf32> to vector<5000x128xf32>
    %get3A_10 = arith.constant 1 : index
    %get3A_11 = arith.constant 0 : index
    %get3A_12 = arith.constant 0 : index
    %get3A_13 = vector.load %arg1[%get3A_10, %get3A_11, %get3A_12] : memref<2x5000x128xf32, #tpu.memory_space<vmem>>, vector<1x5000x128xf32>
    %get3A_14 = vector.shape_cast %get3A_13 : vector<1x5000x128xf32> to vector<5000x128xf32>
    %add3A_15 = arith.addf %get3A_9, %get3A_14 : vector<5000x128xf32>
    %get3A_16 = arith.constant 0 : index
    %get3A_17 = arith.constant 0 : index
    %get3A_18 = vector.load %arg2[%get3A_16, %get3A_17] : memref<5000x128xf32, #tpu.memory_space<vmem>>, vector<5000x128xf32>
    %add3A_19 = arith.addf %add3A_15, %get3A_18 : vector<5000x128xf32>
    %broadcast_in_dim3A = vector.shape_cast %rsqrt3A : vector<5000xf32> to vector<5000x1xf32>
    %mul3A = vector.broadcast %broadcast_in_dim3A : vector<5000x1xf32> to vector<5000x128xf32>
    %mul3A_20 = arith.mulf %add3A_19, %mul3A : vector<5000x128xf32>
    %get3A_21 = arith.constant 0 : index
    %get3A_22 = arith.constant 0 : index
    %get3A_23 = vector.load %arg4[%get3A_21, %get3A_22] : memref<1x128xf32, #tpu.memory_space<vmem>>, vector<1x128xf32>
    %add3A_24 = vector.broadcast %get3A_23 : vector<1x128xf32> to vector<5000x128xf32>
    %add3A_25 = arith.addf %mul3A_20, %add3A_24 : vector<5000x128xf32>
    %swap3A = arith.constant 0 : index
    %swap3A_26 = arith.constant 0 : index
    %swap3A_27 = vector.load %arg5[%swap3A, %swap3A_26] : memref<5000x128xf32, #tpu.memory_space<vmem>>, vector<5000x128xf32>
    tpu.vector_store %arg5[%swap3A, %swap3A_26], %add3A_25 {strides = array<i32>} : memref<5000x128xf32, #tpu.memory_space<vmem>>, vector<5000x128xf32>,
    return
  }
  func.func @transform_0(%arg0: i32) -> (i32, i32, i32) {
    %c0_i32 = arith.constant 0 : i32
    %c0_i32_0 = arith.constant 0 : i32
    %c0_i32_1 = arith.constant 0 : i32
    return %c0_i32, %arg0, %c0_i32_0 : i32, i32, i32
  }
  func.func @transform_1(%arg0: i32) -> (i32, i32) {
    %c0_i32 = arith.constant 0 : i32
    %c0_i32_0 = arith.constant 0 : i32
    return %arg0, %c0_i32 : i32, i32
  }
  func.func @transform_2(%arg0: i32) -> (i32, i32) {
    %c0_i32 = arith.constant 0 : i32
    %c0_i32_0 = arith.constant 0 : i32
    return %arg0, %c0_i32 : i32, i32
  }
  func.func @transform_3(%arg0: i32) -> (i32, i32) {
    %c0_i32 = arith.constant 0 : i32
    %c0_i32_0 = arith.constant 0 : i32
    %c0_i32_1 = arith.constant 0 : i32
    return %c0_i32, %c0_i32_0 : i32, i32
  }
  func.func @transform_4(%arg0: i32) -> (i32, i32) {
    %c0_i32 = arith.constant 0 : i32
    %c0_i32_0 = arith.constant 0 : i32
    return %arg0, %c0_i32 : i32, i32
  }
}

</mosaic_0001>

<sc_bundles>
// kernel: kernel.11.cloned.1.call-start
scs
__scs_entry_jumppad:
0x0: {  	(pc) =	sbr.rel $0x88, $3  }
0x1: {  	(tag) =	ssettag $0x0;
	lr =	simm.s32 $0x1  }
0x2: {  	[smem:$0x3F9B] =	sst lr;
	_ =	strace $0xD0000000  }
0x3: {  	_ = 	snop  }
0x4: {  	_ = 	snop  }
0x5: {  	_ = 	snop  }
0x6: {  	_ = 	snop  }
0x7: {  	_ = 	snop  }
__scs_overlays_trampoline_lowered:
0x8: {  	[smem:$0x3FAA] =	sst s0  }
0x9: {  	[smem:$0x3FAB] =	sst s1  }
0xa: {  	[smem:$0x3FAC] =	sst s2  }
0xb: {  	[smem:$0x3FAD] =	sst s3  }
0xc: {  	[smem:$0x3FAE] =	sst s4  }
0xd: {  	[smem:$0x3FAF] =	sst s5  }
0xe: {  	[smem:$0x3FB0] =	sst s6  }
0xf: {  	[smem:$0x3FB1] =	sst s7  }
0x10: {  	[smem:$0x3FB2] =	sst s8  }
0x11: {  	[smem:$0x3FB3] =	sst s9;
	s0 =	simm.s32 @!p0 $0x0  }
0x12: {  	s1 =	sld [smem:$0x3F99];
	s0 =	simm.s32 @p0 $0x1  }
0x13: {  	[smem:$0x3FB4] =	sst s0;
	s0 =	simm.s32 @!p1 $0x0  }
0x14: {  	s2 =	sld [smem:$0x3F98];
	s0 =	simm.s32 @p1 $0x1  }
0x15: {  	[smem:$0x3FB5] =	sst s0;
	s0 =	simm.s32 @!p2 $0x0  }
0x16: {  	s3 =	sld [smem:$0x3FDB];
	s0 =	simm.s32 @p2 $0x1  }
0x17: {  	s4 =	simm.s32 $0x1BF5;
	[smem:$0x3FB7] =	sst s0  }
0x18: {  	s0 =	sld [smem:$0x3F9A];
	_ =	swait.ge [sflag:s4], $0x0  }
0x19: {  	s7 =	sld [smem:$0x3F9B]  }
0x1a: {  	s8 =	sadd.s32 $0xFFFFE003, lr  }
0x1b: {  	s9 =	sadd.s32 $0xFFFFFEF7, lr;
	s5 =	simm.s32 $0xFFFFFFFF;
	p2 =	slt.u32 s8, $0xFFFFF086  }
0x1c: {  	p1 =	slt.u32 s9, $0xF7A;
	s5 =	simm.s32 @!p2 $0x0  }
0x1d: {  	s5 =	simm.s32 @p1 $0x1;
	p0 =	seq.s32 s7, s2  }
0x1e: {  	s7 =	smul.u32 @!p0 $0xF7A, s2;
	p2 =	seq.s32 @!p0 s5, $0x0  }
0x1f: {  	s9 =	smul.u32 $0xF7A, s1;
	s8 =	simm.s32 @!p0 $0x1BF5;
	p2 =	por !p2, p0  }
0x20: {  	[sflag:s8] =	ssyncset.s32 @!p0 $0xFFFFF086;
	s6 =	sadd.s32 @!p0 s3, s7;
	s7 =	simm.s32 @!p0 $0x108  }
0x21: {  	s3 =	sadd.s32 s3, s9;
	s6 =	sadd.s32 @!p0 $0x88, s6;
	s7 =	simm.s32 @p2 $0x1082  }
0x22: {  	[simem:s7], [sflag:s8] =	dma.local @!p0 [hbm:s6], $0xF7A  }
0x23: {  	s9 =	sor.u32 $0xD0000000, s2;
	s6 =	simm.s32 $0x108;
	_ =	swait.ge @!p0 [sflag:s8], $0x0  }
0x24: {  	s3 =	sadd.s32 $0x88, s3;
	s6 =	simm.s32 @!p1 $0x1082;
	[sflag:s4] =	ssyncset.s32 $0xFFFFF086  }
0x25: {  	[simem:s6], [sflag:s4] =	dma.local [hbm:s3], $0xF7A  }
0x26: {  	[smem:$0x3F9B] =	sst s1;
	(tag) =	ssettag s2;
	_ =	strace s9  }
0x27: {  	s1 =	sld [smem:$0x3FAB]  }
0x28: {  	s2 =	sld [smem:$0x3FAC]  }
0x29: {  	s4 =	sld [smem:$0x3FAE]  }
0x2a: {  	p0 =	seq.s32 s5, $0x0;
	s5 =	sld [smem:$0x3FAF]  }
0x2b: {  	s6 =	sld [smem:$0x3FB0]  }
0x2c: {  	s7 =	sld [smem:$0x3FB1]  }
0x2d: {  	s3 =	simm.s32 $0x108;
	s8 =	sld [smem:$0x3FB2]  }
0x2e: {  	s3 =	simm.s32 @!p0 $0x1082;
	s9 =	sld [smem:$0x3FB3]  }
0x2f: {  	lr =	sadd.s32 s0, s3;
	s0 =	sld [smem:$0x3FAA]  }
0x30: {  	s3 =	sld [smem:$0x3FAD]  }
0x31: {  	[smem:$0x3FB6] =	sst s10  }
0x32: {  	s10 =	sld [smem:$0x3FB4];
	_ =	sdelay $0x3  }
0x33: {  	p0 =	seq.s32 s10, $0x1;
	s10 =	sld [smem:$0x3FB6];
	_ =	sdelay $0x3  }
0x34: {  	[smem:$0x3FB6] =	sst s10  }
0x35: {  	s10 =	sld [smem:$0x3FB5];
	_ =	sdelay $0x3  }
0x36: {  	p1 =	seq.s32 s10, $0x1;
	s10 =	sld [smem:$0x3FB6];
	_ =	sdelay $0x3  }
0x37: {  	[smem:$0x3FB6] =	sst s10  }
0x38: {  	s10 =	sld [smem:$0x3FB7]  }
0x39: {  	_ = 	snop;
	(pc) =	sbr.ind lr, $3  }
0x3a: {  	_ = 	snop  }
0x3b: {  	_ = 	snop  }
0x3c: {  	p2 =	seq.s32 s10, $0x1;
	s10 =	sld [smem:$0x3FB6]  }
0x3d: {  	_ =	shalt  }
0x3e: {  	_ =	shalt  }
0x3f: {  	_ =	shalt  }
0x40: {  	_ =	shalt  }
0x41: {  	_ =	shalt  }
0x42: {  	_ =	shalt  }
0x43: {  	_ =	shalt  }
0x44: {  	_ =	shalt  }
0x45: {  	_ =	shalt  }
0x46: {  	_ =	shalt  }
0x47: {  	_ =	shalt  }
0x48: {  	_ =	shalt  }
0x49: {  	_ =	shalt  }
0x4a: {  	_ =	shalt  }
0x4b: {  	_ =	shalt  }
0x4c: {  	_ =	shalt  }
0x4d: {  	_ =	shalt  }
0x4e: {  	_ =	shalt  }
0x4f: {  	_ =	shalt  }
0x50: {  	_ =	shalt  }
0x51: {  	_ =	shalt  }
0x52: {  	_ =	shalt  }
0x53: {  	_ =	shalt  }
0x54: {  	_ =	shalt  }
0x55: {  	_ =	shalt  }
0x56: {  	_ =	shalt  }
0x57: {  	_ =	shalt  }
0x58: {  	_ =	shalt  }
0x59: {  	_ =	shalt  }
0x5a: {  	_ =	shalt  }
0x5b: {  	_ =	shalt  }
0x5c: {  	_ =	shalt  }
0x5d: {  	_ =	shalt  }
0x5e: {  	_ =	shalt  }
0x5f: {  	_ =	shalt  }
0x60: {  	_ =	shalt  }
0x61: {  	_ =	shalt  }
0x62: {  	_ =	shalt  }
0x63: {  	_ =	shalt  }
0x64: {  	_ =	shalt  }
0x65: {  	_ =	shalt  }
0x66: {  	_ =	shalt  }
0x67: {  	_ =	shalt  }
0x68: {  	_ =	shalt  }
0x69: {  	_ =	shalt  }
0x6a: {  	_ =	shalt  }
0x6b: {  	_ =	shalt  }
0x6c: {  	_ =	shalt  }
0x6d: {  	_ =	shalt  }
0x6e: {  	_ =	shalt  }
0x6f: {  	_ =	shalt  }
0x70: {  	_ =	shalt  }
0x71: {  	_ =	shalt  }
0x72: {  	_ =	shalt  }
0x73: {  	_ =	shalt  }
0x74: {  	_ =	shalt  }
0x75: {  	_ =	shalt  }
0x76: {  	_ =	shalt  }
0x77: {  	_ =	shalt  }
0x78: {  	_ =	shalt  }
0x79: {  	_ =	shalt  }
0x7a: {  	_ =	shalt  }
0x7b: {  	_ =	shalt  }
0x7c: {  	_ =	shalt  }
0x7d: {  	_ =	shalt  }
0x7e: {  	_ =	shalt  }
0x7f: {  	_ =	shalt  }
0x80: {  	_ =	shalt  }
0x81: {  	_ =	shalt  }
0x82: {  	_ =	shalt  }
0x83: {  	_ =	shalt  }
0x84: {  	_ =	shalt  }
0x85: {  	_ =	shalt  }
0x86: {  	_ =	shalt  }
0x87: {  	_ =	shalt  }
.Lfunc_end0:
.L_simem_size_0:
called_computation.1_lowered:
.L_overlay_start_0:
0x88: {  	s2 =	sld [smem:$0x3FD9]  }
0x89: {  	s3 =	sld [smem:$0x3FFE];
	_ =	sdelay $0x1  }
0x8a: {  	s1 =	srdreg.scid  }
0x8b: {  	s0 =	sand.u32 $0x1, s1  }
0x8c: {  	s17 =	sshll.u32 s0, $0xA;
	s2 =	sadd.s32 s3, s2  }
0x8d: {  	s2 =	sadd.s32 s2, s17  }
0x8e: {  	[smem:$0x3FC2] =	sst s2  }
0x8f: {  	_ = 	snop  }
0x90: {  	s2 =	sld [smem:$0x3FD0];
	(tm) =	ssettm $0x1  }
0x91: {  	s18 =	sld [smem:$0x3FFB];
	_ =	sdelay $0x3  }
0x92: {  	_ =	strace s18  }
0x93: {  	s3 =	sld [smem:$0x3FFC];
	_ =	sdelay $0x3  }
0x94: {  	_ =	strace s3  }
0x95: {  	s3 =	sld [smem:$0x3FFD];
	_ =	sdelay $0x3  }
0x96: {  	_ =	strace s3  }
0x97: {  	_ =	strace $0x8FFFFFFF  }
0x98: {  	s19 =	sld [smem:$0x3FDB];
	_ =	sdelay $0x1  }
0x99: {  	s4 =	simm.s32 $_scs_section_size  }
0x9a: {  	s5 =	simm.s32 $_size__tile_overlayer_lowered;
	s6 =	simm.s32 $_tile_overlayer_lowered  }
0x9b: {  	s22 =	simm.s32 $0x1BFF;
	s21 =	sshll.u32 s6, $0x1;
	s3 =	sadd.s32 s4, s19  }
0x9c: {  	s7 =	simm.s32 $0x0;
	s20 =	sshll.u32 s5, $0x1;
	s5 =	sadd.s32 s21, s3  }
0x9d: {  	[timem:s7], [sflag:s22] =	dma.local [hbm:s5], s20  }
0x9e: {  	_ =	swait.ge [sflag:s22], s20  }
0x9f: {  	s4 =	ssub.s32 $0x0, s20;
	[sflag:s22] =	ssyncset.done $0x0  }
0xa0: {  	[sflag:s22] =	ssyncadd.s32 s4;
	_ =	sdelay $0x1  }
0xa1: {  	s23 =	simm.s32 $0x1B8B  }
0xa2: {  	_ =	swait.ge [sflag:s23], $0x1  }
0xa3: {  	[sflag:s23] =	ssyncset.done $0x0  }
0xa4: {  	s25 =	simm.s32 $0x1B8E;
	s24 =	sld [smem:$0x3FFE];
	[sflag:s23] =	ssyncadd.s32 $0xFFFFFFFF  }
0xa5: {  	s26 =	simm.s32 $execute0_lowered;
	[smem:$0x3FD2] =	sst s25  }
0xa6: {  	s5 =	sshll.u32 s26, $0x1;
	_ =	strace $0x80000049;
	[dreg:$0x1] =	wrdreg $0xFFFFFFFF  }
0xa7: {  	s28 =	simm.s32 $_size_execute0_lowered;
	s3 =	sadd.s32 s3, s5;
	[dreg:$0x0] =	wrdreg $0x0  }
0xa8: {  	s5 =	sshll.u32 s28, $0x1;
	[dreg:$0x2] =	wrdreg s3  }
0xa9: {  	[dreg:$0x3] =	wrdreg s5  }
0xaa: {  	[dreg:$0x4] =	wrdreg $0xC0  }
0xab: {  	_ =	task [dreg:s7], $0x5FFFF  }
0xac: {  	[dreg:$0x1] =	wrdreg $0xFFFFFFFF  }
0xad: {  	[dreg:$0x0] =	wrdreg $0x60  }
0xae: {  	[dreg:$0x2] =	wrdreg s2  }
0xaf: {  	[dreg:$0x3] =	wrdreg s24  }
0xb0: {  	[dreg:$0x4] =	wrdreg $0xB0000  }
0xb1: {  	[dreg:$0x5] =	wrdreg $0x9  }
0xb2: {  	_ =	task.clear_ibuf [dreg:s7], $0x6FFFF;
	_ =	strace $0x90000049  }
0xb3: {  	s29 =	simm.s32 $0x9;
	_ =	strace $0x8000004B  }
0xb4: {  	_ =	swait.ge [sflag:s29], $0x1  }
0xb5: {  	[sflag:s29] =	ssyncadd.s32 $0xFFFFFFFF  }
0xb6: {  	_ =	strace $0x9000004B  }
0xb7: {  	_ =	sfence  }
0xb8: {  	s30 =	sld [smem:$0x0];
	_ =	sdelay $0x2  }
0xb9: {  	s31 =	sshll.u32 s1, $0xD;
	s1 =	sshrl.u32 s1, $0x2  }
0xba: {  	s3 =	sand.u32 $0x4000, s31;
	s1 =	sadd.s32 s1, s30  }
0xbb: {  	s0 =	sor.u32 s3, s0;
	s1 =	sshll.u32 s1, $0x11  }
0xbc: {  	s0 =	sor.u32 s1, s0  }
0xbd: {  	s0 =	sadd.s32 $0x8F2B, s0  }
0xbe: {  	[sflag:s0] =	ssyncadd.remote.s32 $0x1  }
0xbf: {  	_ =	sfence.sel $0xFFFF  }
0xc0: {  	[dreg:$0x0] =	wrdreg $0xFFFFFFFF;
	(pc) =	sbr.abs _section_cstart, $3  }
0xc1: {  	[dreg:$0x1] =	wrdreg $0xFFFFFFFF  }
0xc2: {  	_ =	task.clear_ibuf [dreg:s7], $0x2FFFF;
	_ =	strace $0x9FFFFFFF  }
0xc3: {  	(tm) =	ssettm $0x7FFFFFFF  }
tec
execute0_lowered:
.L_overlay_start_1:
0x0: {  	(tag) =	ssettag $0x1  }
0x1: {  	s1 =	rddreg [dreg:$0x0]  }
0x2: {  	s0 =	rddreg [dreg:$0x1]  }
0x3: {  	s3 =	rddreg [dreg:$0x2];
	s4 =	simm.s32 $0x0;
	s14 =	stileid.u32  }
0x4: {  	s6 =	srdreg.scid;
	s16 =	simm.s32 $0x3;
	s28 =	simm.s32 $0x2  }
0x5: {  	s29 =	simm.s32 $0x0;
	[smem:$0x7FF] =	sst s4;
	s2 =	smul.u32 $0x2800, s14  }
0x6: {  	s5 =	sadd.s32 $0x12800, s0;
	s7 =	sadd.s32 $0x2800, s0;
	s6 =	sand.u32 $0x1, s6  }
0x7: {  	s9 =	sshll.u32 s14, $0xF;
	s17 =	smul.u32 $0x50000, s14;
	s13 =	sadd.s32 $0x49A00, s0  }
0x8: {  	s21 =	smul.u32 $0x14000, s14;
	s22 =	sadd.s32 $0x12C000, s3;
	p0 =	seq.s32 s14, $0xF  }
0x9: {  	_ =	strace $0x8000004A;
	s8 =	ssub.s32 $0x2, s6;
	s10 =	sshll.u32 s6, $0xE  }
0xa: {  	s6 =	smul.u32 $0x138800, s6;
	[dreg:$0xa] =	wrdreg s22;
	s2 =	sadd.s32 s2, s0  }
0xb: {  	s11 =	sshrl.u32 s8, $0x1;
	s12 =	sor.u32 s10, s9;
	s9 =	sshrl.u32 s17, $0x2  }
0xc: {  	s0 =	sadd.s32 $0x48000, s0;
	s17 =	simm.s32 $0x800;
	s8 =	ssub.s32 s8, s11  }
0xd: {  	s10 =	sshrl.u32 s12, $0x3;
	s9 =	sadd.s32 s9, s3;
	s2 =	sadd.s32 $0x22800, s2  }
0xe: {  	[dreg:$0xb] =	wrdreg s0;
	s24 =	sadd.s32 s21, s6;
	s25 =	sshrl.u32 s6, $0x3  }
0xf: {  	s26 =	sor.u32 $0x200, s12;
	s18 =	sadd.s32 s5, s10;
	[dreg:$0x8] =	wrdreg s9  }
0x10: {  	s19 =	sadd.s32 s7, s10;
	s10 =	sor.u32 $0x780, s10;
	[dreg:$0x9] =	wrdreg s2  }
0x11: {  	s0 =	sshrl.u32 s24, $0x3;
	s30 =	sadd.s32 s13, s25;
	[dreg:$0x6] =	wrdreg s18  }
0x12: {  	s31 =	sshrl.u32 s26, $0x3;
	s24 =	simm.s32 $0x1;
	[dreg:$0x7] =	wrdreg s19  }
0x13: {  	s20 =	sadd.s32 s5, s10;
	s23 =	sadd.s32 s7, s10;
	s0 =	sadd.s32 s13, s0  }
0x14: {  	s12 =	sadd.s32 $0x25800, s30;
	s13 =	smax.u32 s8, $0x1;
	[dreg:$0x4] =	wrdreg s20  }
0x15: {  	s15 =	sadd.s32 s31, s5;
	s18 =	simm.s32 $0x50;
	[dreg:$0x5] =	wrdreg s23  }
0x16: {  	s19 =	simm.s32 $0x1000;
	[dreg:$0xc] =	wrdreg s0;
	s23 =	sadd.s32 s31, s7  }
.LBB2_1:
0x17: {  	s0 =	rddreg [dreg:$0x6]  }
0x18: {  	[tilespmem:s4], [sflag:$0x3] =	stream.linear.gather [hbm4b:s0+s4], $0x400, $0x38;
	[tilespmem:$0x1E880] =	vst v63  }
0x19: {  	_ =	swait.ge [sflag:s16], $0x400  }
0x1a: {  	[sflag:s16] =	ssyncset.done $0x0  }
0x1b: {  	s11 =	rddreg [dreg:$0x7];
	[sflag:s16] =	ssyncadd.s32 $0xFFFFFC00  }
0x1c: {  	[tilespmem:s17], [sflag:$0x3] =	stream.linear.gather [hbm4b:s11+s4], $0x400, $0x38;
	[tilespmem:$0x1E880] =	vst v63  }
0x1d: {  	_ =	swait.ge [sflag:s16], $0x400  }
0x1e: {  	[sflag:s16] =	ssyncset.done $0x0  }
0x1f: {  	s14 =	simm.s32 $0x80;
	s2 =	simm.s32 $0x3800;
	[sflag:s16] =	ssyncadd.s32 $0xFFFFFC00  }
0x20: {  	[tilespmem:s19], [sflag:$0x1] =	stream.indirect.gather [hbm4b:s1+s18], $0x80, s4, s18, $0xb8;
	[tilespmem:$0x1E880] =	vst v63  }
0x21: {  	s20 =	simm.s32 $0x100;
	s21 =	simm.s32 $0x6000;
	s0 =	rddreg [dreg:$0xa]  }
0x22: {  	[tilespmem:s2], [sflag:$0x1] =	stream.indirect.gather [hbm4b:s1+s18], $0x80, s14, s18, $0xb8;
	[tilespmem:$0x1E880] =	vst v63  }
0x23: {  	s30 =	sshrl.u32 @p0 s0, $0x3;
	s0 =	simm.s32 @p0 $0x1FC3;
	s2 =	rddreg [dreg:$0xb]  }
0x24: {  	[tilespmem:s21], [sflag:$0x1] =	stream.indirect.gather [hbm4b:s1+s18], $0x80, s20, s18, $0xb8;
	[tilespmem:$0x1E880] =	vst v63  }
0x25: {  	[spmem:s30], [sflag:s0] =	dma.local @p0 [hbm:s2], $0x1900  }
0x26: {  	s0 =	simm.s32 @p0 $0x3  }
0x27: {  	_ =	swait.ge @p0 [sflag:s0], $0x1900  }
0x28: {  	s2 =	stileid.u32;
	[sflag:s0] =	ssyncset.done @p0 $0x0  }
0x29: {  	s2 =	sshll.u32 @!p0 s2, $0x6;
	[sflag:s0] =	ssyncadd.s32 @p0 $0xFFFFE700;
	s0 =	rddreg [dreg:$0x8]  }
0x2a: {  	s31 =	sor.u32 @!p0 $0x1C03, s2;
	s2 =	rddreg [dreg:$0x9];
	s0 =	sshrl.u32 @!p0 s0, $0x3  }
0x2b: {  	[spmem:s0], [sflag:s31] =	dma.local @!p0 [hbm:s2], $0x2800  }
0x2c: {  	s2 =	simm.s32 @!p0 $0x3  }
0x2d: {  	_ =	swait.ge @!p0 [sflag:s2], $0x2800  }
0x2e: {  	[sflag:s2] =	ssyncset.done @!p0 $0x0  }
0x2f: {  	[sflag:s2] =	ssyncadd.s32 @!p0 $0xFFFFD800  }
0x30: {  	[bflag:$0x0] =	sbarrier.arrive $0xFFFF  }
0x31: {  	_ =	swait.ge [sflag:s24], $0x2800  }
0x32: {  	s22 =	simm.s32 $0x180;
	s25 =	simm.s32 $0x1;
	[sflag:s24] =	ssyncset.done $0x0  }
0x33: {  	s5 =	simm.s32 $0x8800;
	s2 =	sand.u32 $0x3, s25;
	[sflag:s24] =	ssyncadd.s32 $0xFFFFD800  }
0x34: {  	[spmem:s3] =	stream.indirect.scatter.add.f32 [tilespmem:s19], [sflag:$0x2], $0x80, s17, s18, $0xb8;
	[tilespmem:$0x1E880] =	vst v63  }
0x35: {  	p3 =	por $0x0, $0x0;
	s26 =	simm.s32 $0x200;
	s2 =	smul.u32 $0xA000, s2  }
0x36: {  	[tilespmem:s5], [sflag:$0x1] =	stream.indirect.gather [hbm4b:s1+s18], $0x80, s22, s18, $0xb8;
	[tilespmem:$0x1E880] =	vst v63  }
0x37: {  	s21 =	sand.u32 @!p3 $0x1E00, s17;
	s2 =	sshrl.u32 s2, $0x2;
	s5 =	simm.s32 $0x4  }
0x38: {  	s25 =	sshrl.u32 @!p3 s21, $0x2;
	s2 =	sadd.s32 $0x1000, s2;
	s6 =	sand.u32 @!p3 $0x7, s5  }
0x39: {  	_ =	swait.ge [sflag:s24], $0x2800;
	s5 =	sand.u32 @!p3 $0x3, s5;
	p1 =	sne.s32 @!p3 s6, $0x0  }
0x3a: {  	[sflag:s24] =	ssyncset.done $0x0;
	s6 =	sand.u32 $0x1E00, s26;
	p4 =	por p1, p3  }
0x3b: {  	[sflag:s24] =	ssyncadd.s32 $0xFFFFD800;
	s6 =	sshrl.u32 s6, $0x2;
	s7 =	simm.s32 @!p4 $0x0  }
0x3c: {  	p2 =	por @!p4 $0x0, $0x0;
	_ =	swait.ge [sflag:s28], $0x2800;
	s6 =	sor.u32 $0x800, s6  }
0x3d: {  	s7 =	sand.u32 @!p4 $0x1, s7;
	p4 =	por @!p3 !p2, p1;
	[sflag:s28] =	ssyncset.done $0x0  }
0x3e: {  	s8 =	rddreg [dreg:$0x4];
	p4 =	por p4, p3;
	[sflag:s28] =	ssyncadd.s32 $0xFFFFD800  }
0x3f: {  	[spmem:s3] =	stream.indirect.scatter.add.f32 [tilespmem:s2], [sflag:$0x2], $0x80, s6, s18, $0xb8;
	[tilespmem:$0x1E880] =	vst v63  }
0x40: {  	s6 =	sshll.u32 @!p4 s7, $0xA;
	s14 =	simm.s32 @!p4 $0x0;
	s20 =	simm.s32 @!p4 $0x3  }
0x41: {  	[tilespmem:s6], [sflag:$0x3] =	stream.linear.gather @!p4 [hbm4b:s8+s14], $0x280, $0x38;
	[tilespmem:$0x1E880] =	vst v63  }
0x42: {  	s21 =	simm.s32 $0xA00;
	s5 =	smul.u32 @!p3 $0xA000, s5;
	_ =	swait.ge @!p4 [sflag:s20], $0x280  }
0x43: {  	p2 =	por @!p3 p2, p1;
	p1 =	por p3, p3;
	[sflag:s20] =	ssyncset.done @!p4 $0x0  }
0x44: {  	s6 =	sor.u32 @!p4 $0x800, s6;
	s8 =	rddreg [dreg:$0x5];
	[sflag:s20] =	ssyncadd.s32 @!p4 $0xFFFFFD80  }
0x45: {  	[tilespmem:s6], [sflag:$0x3] =	stream.linear.gather @!p4 [hbm4b:s8+s14], $0x280, $0x38;
	[tilespmem:$0x1E880] =	vst v63  }
0x46: {  	s22 =	sadd.s32 $0x10, s23;
	p2 =	por p2, p1;
	_ =	swait.ge @!p4 [sflag:s20], $0x280  }
0x47: {  	s6 =	sshrl.u32 @!p3 s5, $0x2;
	s8 =	sshll.u32 @!p2 s7, $0xA;
	[sflag:s20] =	ssyncset.done @!p4 $0x0  }
0x48: {  	s7 =	simm.s32 @!p2 $0x0;
	s5 =	simm.s32 @!p2 $0x3;
	[sflag:s20] =	ssyncadd.s32 @!p4 $0xFFFFFD80  }
0x49: {  	[tilespmem:s8], [sflag:$0x3] =	stream.linear.gather @!p2 [hbm4b:s15+s7], $0x400, $0x38;
	[tilespmem:$0x1E880] =	vst v63  }
0x4a: {  	s2 =	simm.s32 $0x5;
	s14 =	smov.u32 s23;
	_ =	swait.ge @!p2 [sflag:s5], $0x400  }
0x4b: {  	s26 =	sadd.s32 @!p1 $0x1000, s6;
	s6 =	simm.s32 @!p1 $0x50;
	[sflag:s5] =	ssyncset.done @!p2 $0x0  }
0x4c: {  	s20 =	sadd.s32 $0x10, s15;
	s8 =	sor.u32 @!p2 $0x800, s8;
	[sflag:s5] =	ssyncadd.s32 @!p2 $0xFFFFFC00  }
.LBB2_2:
0x4d: {  	[tilespmem:s8], [sflag:$0x3] =	stream.linear.gather @!p2 [hbm4b:s14+s7], $0x400, $0x38;
	[tilespmem:$0x1E880] =	vst v63  }
0x4e: {  	s7 =	smov.u32 s2  }
0x4f: {  	s2 =	sadd.s32 $0x1, s2;
	s8 =	sadd.s32 $0xFFFFFFFD, s7;
	_ =	swait.ge @!p2 [sflag:s5], $0x400  }
0x50: {  	s9 =	sand.u32 $0x3, s8;
	p3 =	sgt.u32 s8, $0x79;
	[sflag:s5] =	ssyncset.done @!p2 $0x0  }
0x51: {  	s9 =	smul.u32 $0xA000, s9;
	s10 =	sand.u32 @!p3 $0x7, s7;
	[sflag:s5] =	ssyncadd.s32 @!p2 $0xFFFFFC00  }
0x52: {  	[tilespmem:s26], [sflag:$0x1] =	stream.indirect.gather @!p1 [hbm4b:s1+s6], $0x80, s25, s6, $0xb8;
	[tilespmem:$0x1E880] =	vst v63  }
0x53: {  	p5 =	sne.s32 s2, $0x80;
	s25 =	sadd.s32 $0xFFFFFA00, s21;
	p1 =	sne.s32 @!p3 s10, $0x0  }
0x54: {  	_ =	swait.ge [sflag:s24], $0x2800;
	s26 =	sshrl.u32 s9, $0x2;
	p4 =	por p1, p3  }
0x55: {  	s5 =	sand.u32 $0x1E00, s25;
	[sflag:s24] =	ssyncset.done $0x0;
	s9 =	sshrl.u32 @!p4 s7, $0x3  }
0x56: {  	p2 =	sgt.u32 @!p4 s8, $0x74;
	s6 =	sadd.s32 $0x1000, s26;
	s5 =	sshrl.u32 s5, $0x2  }
0x57: {  	[sflag:s24] =	ssyncadd.s32 $0xFFFFD800;
	s8 =	sand.u32 @!p4 $0x1, s9;
	p4 =	por @!p3 !p2, p1  }
0x58: {  	s5 =	sor.u32 $0x800, s5;
	p2 =	por @!p3 p2, p1;
	_ =	swait.ge [sflag:s28], $0x2800  }
0x59: {  	p1 =	por p3, p3;
	p4 =	por p4, p3;
	[sflag:s28] =	ssyncset.done $0x0  }
0x5a: {  	p2 =	por p2, p1;
	s9 =	sshll.u32 @!p4 s8, $0xA;
	[sflag:s28] =	ssyncadd.s32 $0xFFFFD800  }
0x5b: {  	[spmem:s3] =	stream.indirect.scatter.add.f32 [tilespmem:s6], [sflag:$0x2], $0x80, s5, s18, $0xb8;
	[tilespmem:$0x1E880] =	vst v63  }
0x5c: {  	s10 =	simm.s32 @!p4 $0x0;
	s25 =	rddreg [dreg:$0x4];
	s5 =	simm.s32 @!p4 $0x3  }
0x5d: {  	[tilespmem:s9], [sflag:$0x3] =	stream.linear.gather @!p4 [hbm4b:s25+s10], $0x280, $0x38;
	[tilespmem:$0x1E880] =	vst v63  }
0x5e: {  	s11 =	sor.u32 @!p4 $0x800, s9;
	s6 =	sand.u32 @!p3 $0x3, s7;
	_ =	swait.ge @!p4 [sflag:s5], $0x280  }
0x5f: {  	s7 =	sand.u32 @!p3 $0x1E00, s21;
	s6 =	smul.u32 @!p3 $0xA000, s6;
	[sflag:s5] =	ssyncset.done @!p4 $0x0  }
0x60: {  	s25 =	sshrl.u32 @!p3 s7, $0x2;
	s9 =	rddreg [dreg:$0x5];
	[sflag:s5] =	ssyncadd.s32 @!p4 $0xFFFFFD80  }
0x61: {  	[tilespmem:s11], [sflag:$0x3] =	stream.linear.gather @!p4 [hbm4b:s9+s10], $0x280, $0x38;
	[tilespmem:$0x1E880] =	vst v63  }
0x62: {  	s7 =	simm.s32 @!p2 $0x0;
	s6 =	sshrl.u32 @!p3 s6, $0x2;
	_ =	swait.ge @!p4 [sflag:s5], $0x280  }
0x63: {  	s26 =	sadd.s32 @!p1 $0x1000, s6;
	s6 =	sshll.u32 @!p2 s8, $0xA;
	[sflag:s5] =	ssyncset.done @!p4 $0x0  }
.Ltmp0:
0x64: {  	[sflag:s5] =	ssyncadd.s32 @!p4 $0xFFFFFD80;
	s5 =	simm.s32 @!p2 $0x3;
	(pc) =	sbr.rel @p5 .LBB2_2-.Ltmp0, $4  }
0x65: {  	[tilespmem:s6], [sflag:$0x3] =	stream.linear.gather @!p2 [hbm4b:s20+s7], $0x400, $0x38;
	[tilespmem:$0x1E880] =	vst v63  }
0x66: {  	s14 =	smov.u32 s22;
	s22 =	sadd.s32 $0x10, s22;
	_ =	swait.ge @!p2 [sflag:s5], $0x400  }
0x67: {  	s21 =	sadd.s32 $0x200, s21;
	s8 =	sor.u32 @!p2 $0x800, s6;
	[sflag:s5] =	ssyncset.done @!p2 $0x0  }
0x68: {  	s6 =	simm.s32 @!p1 $0x50;
	s20 =	sadd.s32 $0x10, s20;
	[sflag:s5] =	ssyncadd.s32 @!p2 $0xFFFFFC00  }
0x69: {  	[tilespmem:s8], [sflag:$0x3] =	stream.linear.gather @!p2 [hbm4b:s14+s7], $0x400, $0x38;
	[tilespmem:$0x1E880] =	vst v63  }
0x6a: {  	_ =	swait.ge @!p2 [sflag:s5], $0x400  }
0x6b: {  	[sflag:s5] =	ssyncset.done @!p2 $0x0  }
0x6c: {  	[sflag:s5] =	ssyncadd.s32 @!p2 $0xFFFFFC00  }
0x6d: {  	[tilespmem:s26], [sflag:$0x1] =	stream.indirect.gather @!p1 [hbm4b:s1+s6], $0x80, s25, s6, $0xb8;
	[tilespmem:$0x1E880] =	vst v63  }
0x6e: {  	_ =	swait.ge [sflag:s28], $0x2800  }
0x6f: {  	[sflag:s28] =	ssyncset.done $0x0  }
0x70: {  	[sflag:s28] =	ssyncadd.s32 $0xFFFFD800  }
0x71: {  	s2 =	simm.s32 @p0 $0x1FC3;
	[bflag:$0x0] =	sbarrier.arrive $0xFFFF  }
0x72: {  	[hbm:s12], [sflag:s2] =	dma.local @p0 [spmem:s30], $0x1900  }
0x73: {  	s2 =	simm.s32 @p0 $0x3  }
0x74: {  	_ =	swait.ge @p0 [sflag:s2], $0x1900  }
0x75: {  	s29 =	sadd.s32 $0x1, s29;
	[sflag:s2] =	ssyncset.done @p0 $0x0  }
0x76: {  	p1 =	sne.s32 s29, s13;
	[sflag:s2] =	ssyncadd.s32 @p0 $0xFFFFE700;
	s2 =	rddreg [dreg:$0xc]  }
0x77: {  	[hbm:s2], [sflag:s31] =	dma.local @!p0 [spmem:s0], $0x2800  }
.Ltmp1:
0x78: {  	_ = 	snop;
	(pc) =	sbr.rel @p1 .LBB2_1-.Ltmp1, $4  }
0x79: {  	s0 =	simm.s32 @!p0 $0x3  }
0x7a: {  	_ =	swait.ge @!p0 [sflag:s0], $0x2800  }
0x7b: {  	[sflag:s0] =	ssyncset.done @!p0 $0x0  }
0x7c: {  	[sflag:s0] =	ssyncadd.s32 @!p0 $0xFFFFD800  }
0x7d: {  	_ =	sfence.sel $0x180000  }
0x7e: {  	[bflag:$0x0] =	sbarrier.arrive $0xFFFF  }
0x7f: {  	_ =	strace $0x9000004A  }
0x80: {  	s0 =	stileid.u32;
	[bflag:$0x2] =	sbarrier.arrive $0xFFFF  }
0x81: {  	p0 =	sne.s32 s0, $0x0;
	s0 =	rddreg [dreg:$0x3]  }
0x82: {  	s0 =	sadd.s32 @!p0 $0x100000, s0  }
0x83: {  	[sflag:s0] =	ssyncadd.tile.s32 @!p0 $0x1;
	_ =	shalt  }
.Lfunc_end2:
_tile_overlayer_lowered:
.L_overlay_start_2:
0x84: {  	(tag) =	ssettag $0x2  }
0x85: {  	s0 =	rddreg [dreg:$0x0];
	s2 =	stileid.u32  }
0x86: {  	s1 =	rddreg [dreg:$0x1];
	p0 =	sne.s32 s2, $0x0  }
0x87: {  	s3 =	rddreg [dreg:$0x2];
	[bflag:$0x3] =	sbarrier.arrive $0xFFFF;
	s2 =	simm.s32 @!p0 $0x1C03  }
0x88: {  	[timem:s3], [sflag:s2] =	dma.local @!p0 [hbm:s0], s1  }
0x89: {  	s0 =	simm.s32 @!p0 $0x3  }
0x8a: {  	_ =	swait.ge @!p0 [sflag:s0], s1  }
0x8b: {  	s1 =	ssub.s32 @!p0 $0x0, s1;
	[sflag:s0] =	ssyncset.done @!p0 $0x0  }
0x8c: {  	[sflag:s0] =	ssyncadd.s32 @!p0 s1  }
0x8d: {  	[bflag:$0x3] =	sbarrier.arrive $0xFFFF  }
0x8e: {  	_ =	shalt  }

// kernel: kernel.14.cloned.1.call-start
scs
__scs_entry_jumppad:
0x0: {  	(pc) =	sbr.rel $0x88, $3  }
0x1: {  	(tag) =	ssettag $0x0;
	lr =	simm.s32 $0x1  }
0x2: {  	[smem:$0x3F9B] =	sst lr;
	_ =	strace $0xD0000000  }
0x3: {  	_ = 	snop  }
0x4: {  	_ = 	snop  }
0x5: {  	_ = 	snop  }
0x6: {  	_ = 	snop  }
0x7: {  	_ = 	snop  }
__scs_overlays_trampoline_lowered:
0x8: {  	[smem:$0x3FAA] =	sst s0  }
0x9: {  	[smem:$0x3FAB] =	sst s1  }
0xa: {  	[smem:$0x3FAC] =	sst s2  }
0xb: {  	[smem:$0x3FAD] =	sst s3  }
0xc: {  	[smem:$0x3FAE] =	sst s4  }
0xd: {  	[smem:$0x3FAF] =	sst s5  }
0xe: {  	[smem:$0x3FB0] =	sst s6  }
0xf: {  	[smem:$0x3FB1] =	sst s7  }
0x10: {  	[smem:$0x3FB2] =	sst s8  }
0x11: {  	[smem:$0x3FB3] =	sst s9;
	s0 =	simm.s32 @!p0 $0x0  }
0x12: {  	s1 =	sld [smem:$0x3F99];
	s0 =	simm.s32 @p0 $0x1  }
0x13: {  	[smem:$0x3FB4] =	sst s0;
	s0 =	simm.s32 @!p1 $0x0  }
0x14: {  	s2 =	sld [smem:$0x3F98];
	s0 =	simm.s32 @p1 $0x1  }
0x15: {  	[smem:$0x3FB5] =	sst s0;
	s0 =	simm.s32 @!p2 $0x0  }
0x16: {  	s3 =	sld [smem:$0x3FDB];
	s0 =	simm.s32 @p2 $0x1  }
0x17: {  	s4 =	simm.s32 $0x1BF5;
	[smem:$0x3FB7] =	sst s0  }
0x18: {  	s0 =	sld [smem:$0x3F9A];
	_ =	swait.ge [sflag:s4], $0x0  }
0x19: {  	s7 =	sld [smem:$0x3F9B]  }
0x1a: {  	s8 =	sadd.s32 $0xFFFFE003, lr  }
0x1b: {  	s9 =	sadd.s32 $0xFFFFFEF7, lr;
	s5 =	simm.s32 $0xFFFFFFFF;
	p2 =	slt.u32 s8, $0xFFFFF086  }
0x1c: {  	p1 =	slt.u32 s9, $0xF7A;
	s5 =	simm.s32 @!p2 $0x0  }
0x1d: {  	s5 =	simm.s32 @p1 $0x1;
	p0 =	seq.s32 s7, s2  }
0x1e: {  	s7 =	smul.u32 @!p0 $0xF7A, s2;
	p2 =	seq.s32 @!p0 s5, $0x0  }
0x1f: {  	s9 =	smul.u32 $0xF7A, s1;
	s8 =	simm.s32 @!p0 $0x1BF5;
	p2 =	por !p2, p0  }
0x20: {  	[sflag:s8] =	ssyncset.s32 @!p0 $0xFFFFF086;
	s6 =	sadd.s32 @!p0 s3, s7;
	s7 =	simm.s32 @!p0 $0x108  }
0x21: {  	s3 =	sadd.s32 s3, s9;
	s6 =	sadd.s32 @!p0 $0x88, s6;
	s7 =	simm.s32 @p2 $0x1082  }
0x22: {  	[simem:s7], [sflag:s8] =	dma.local @!p0 [hbm:s6], $0xF7A  }
0x23: {  	s9 =	sor.u32 $0xD0000000, s2;
	s6 =	simm.s32 $0x108;
	_ =	swait.ge @!p0 [sflag:s8], $0x0  }
0x24: {  	s3 =	sadd.s32 $0x88, s3;
	s6 =	simm.s32 @!p1 $0x1082;
	[sflag:s4] =	ssyncset.s32 $0xFFFFF086  }
0x25: {  	[simem:s6], [sflag:s4] =	dma.local [hbm:s3], $0xF7A  }
0x26: {  	[smem:$0x3F9B] =	sst s1;
	(tag) =	ssettag s2;
	_ =	strace s9  }
0x27: {  	s1 =	sld [smem:$0x3FAB]  }
0x28: {  	s2 =	sld [smem:$0x3FAC]  }
0x29: {  	s4 =	sld [smem:$0x3FAE]  }
0x2a: {  	p0 =	seq.s32 s5, $0x0;
	s5 =	sld [smem:$0x3FAF]  }
0x2b: {  	s6 =	sld [smem:$0x3FB0]  }
0x2c: {  	s7 =	sld [smem:$0x3FB1]  }
0x2d: {  	s3 =	simm.s32 $0x108;
	s8 =	sld [smem:$0x3FB2]  }
0x2e: {  	s3 =	simm.s32 @!p0 $0x1082;
	s9 =	sld [smem:$0x3FB3]  }
0x2f: {  	lr =	sadd.s32 s0, s3;
	s0 =	sld [smem:$0x3FAA]  }
0x30: {  	s3 =	sld [smem:$0x3FAD]  }
0x31: {  	[smem:$0x3FB6] =	sst s10  }
0x32: {  	s10 =	sld [smem:$0x3FB4];
	_ =	sdelay $0x3  }
0x33: {  	p0 =	seq.s32 s10, $0x1;
	s10 =	sld [smem:$0x3FB6];
	_ =	sdelay $0x3  }
0x34: {  	[smem:$0x3FB6] =	sst s10  }
0x35: {  	s10 =	sld [smem:$0x3FB5];
	_ =	sdelay $0x3  }
0x36: {  	p1 =	seq.s32 s10, $0x1;
	s10 =	sld [smem:$0x3FB6];
	_ =	sdelay $0x3  }
0x37: {  	[smem:$0x3FB6] =	sst s10  }
0x38: {  	s10 =	sld [smem:$0x3FB7]  }
0x39: {  	_ = 	snop;
	(pc) =	sbr.ind lr, $3  }
0x3a: {  	_ = 	snop  }
0x3b: {  	_ = 	snop  }
0x3c: {  	p2 =	seq.s32 s10, $0x1;
	s10 =	sld [smem:$0x3FB6]  }
0x3d: {  	_ =	shalt  }
0x3e: {  	_ =	shalt  }
0x3f: {  	_ =	shalt  }
0x40: {  	_ =	shalt  }
0x41: {  	_ =	shalt  }
0x42: {  	_ =	shalt  }
0x43: {  	_ =	shalt  }
0x44: {  	_ =	shalt  }
0x45: {  	_ =	shalt  }
0x46: {  	_ =	shalt  }
0x47: {  	_ =	shalt  }
0x48: {  	_ =	shalt  }
0x49: {  	_ =	shalt  }
0x4a: {  	_ =	shalt  }
0x4b: {  	_ =	shalt  }
0x4c: {  	_ =	shalt  }
0x4d: {  	_ =	shalt  }
0x4e: {  	_ =	shalt  }
0x4f: {  	_ =	shalt  }
0x50: {  	_ =	shalt  }
0x51: {  	_ =	shalt  }
0x52: {  	_ =	shalt  }
0x53: {  	_ =	shalt  }
0x54: {  	_ =	shalt  }
0x55: {  	_ =	shalt  }
0x56: {  	_ =	shalt  }
0x57: {  	_ =	shalt  }
0x58: {  	_ =	shalt  }
0x59: {  	_ =	shalt  }
0x5a: {  	_ =	shalt  }
0x5b: {  	_ =	shalt  }
0x5c: {  	_ =	shalt  }
0x5d: {  	_ =	shalt  }
0x5e: {  	_ =	shalt  }
0x5f: {  	_ =	shalt  }
0x60: {  	_ =	shalt  }
0x61: {  	_ =	shalt  }
0x62: {  	_ =	shalt  }
0x63: {  	_ =	shalt  }
0x64: {  	_ =	shalt  }
0x65: {  	_ =	shalt  }
0x66: {  	_ =	shalt  }
0x67: {  	_ =	shalt  }
0x68: {  	_ =	shalt  }
0x69: {  	_ =	shalt  }
0x6a: {  	_ =	shalt  }
0x6b: {  	_ =	shalt  }
0x6c: {  	_ =	shalt  }
0x6d: {  	_ =	shalt  }
0x6e: {  	_ =	shalt  }
0x6f: {  	_ =	shalt  }
0x70: {  	_ =	shalt  }
0x71: {  	_ =	shalt  }
0x72: {  	_ =	shalt  }
0x73: {  	_ =	shalt  }
0x74: {  	_ =	shalt  }
0x75: {  	_ =	shalt  }
0x76: {  	_ =	shalt  }
0x77: {  	_ =	shalt  }
0x78: {  	_ =	shalt  }
0x79: {  	_ =	shalt  }
0x7a: {  	_ =	shalt  }
0x7b: {  	_ =	shalt  }
0x7c: {  	_ =	shalt  }
0x7d: {  	_ =	shalt  }
0x7e: {  	_ =	shalt  }
0x7f: {  	_ =	shalt  }
0x80: {  	_ =	shalt  }
0x81: {  	_ =	shalt  }
0x82: {  	_ =	shalt  }
0x83: {  	_ =	shalt  }
0x84: {  	_ =	shalt  }
0x85: {  	_ =	shalt  }
0x86: {  	_ =	shalt  }
0x87: {  	_ =	shalt  }
.Lfunc_end0:
.L_simem_size_0:
called_computation.2_lowered:
.L_overlay_start_0:
0x88: {  	s2 =	sld [smem:$0x3FD9]  }
0x89: {  	s3 =	sld [smem:$0x3FFE];
	_ =	sdelay $0x1  }
0x8a: {  	s1 =	srdreg.scid  }
0x8b: {  	s0 =	sand.u32 $0x1, s1  }
0x8c: {  	s17 =	sshll.u32 s0, $0xA;
	s2 =	sadd.s32 s3, s2  }
0x8d: {  	s2 =	sadd.s32 s2, s17  }
0x8e: {  	[smem:$0x3FC2] =	sst s2  }
0x8f: {  	_ = 	snop  }
0x90: {  	s2 =	sld [smem:$0x3FD0];
	(tm) =	ssettm $0x1  }
0x91: {  	s18 =	sld [smem:$0x3FFB];
	_ =	sdelay $0x3  }
0x92: {  	_ =	strace s18  }
0x93: {  	s3 =	sld [smem:$0x3FFC];
	_ =	sdelay $0x3  }
0x94: {  	_ =	strace s3  }
0x95: {  	s3 =	sld [smem:$0x3FFD];
	_ =	sdelay $0x3  }
0x96: {  	_ =	strace s3  }
0x97: {  	_ =	strace $0x8FFFFFFF  }
0x98: {  	s19 =	sld [smem:$0x3FDB];
	_ =	sdelay $0x1  }
0x99: {  	s4 =	simm.s32 $_scs_section_size  }
0x9a: {  	s5 =	simm.s32 $_size__tile_overlayer_lowered;
	s6 =	simm.s32 $_tile_overlayer_lowered  }
0x9b: {  	s22 =	simm.s32 $0x1BFF;
	s21 =	sshll.u32 s6, $0x1;
	s3 =	sadd.s32 s4, s19  }
0x9c: {  	s7 =	simm.s32 $0x0;
	s20 =	sshll.u32 s5, $0x1;
	s5 =	sadd.s32 s21, s3  }
0x9d: {  	[timem:s7], [sflag:s22] =	dma.local [hbm:s5], s20  }
0x9e: {  	_ =	swait.ge [sflag:s22], s20  }
0x9f: {  	s4 =	ssub.s32 $0x0, s20;
	[sflag:s22] =	ssyncset.done $0x0  }
0xa0: {  	[sflag:s22] =	ssyncadd.s32 s4;
	_ =	sdelay $0x1  }
0xa1: {  	s23 =	simm.s32 $0x1B8B  }
0xa2: {  	_ =	swait.ge [sflag:s23], $0x1  }
0xa3: {  	[sflag:s23] =	ssyncset.done $0x0  }
0xa4: {  	s25 =	simm.s32 $0x1B8E;
	s24 =	sld [smem:$0x3FFE];
	[sflag:s23] =	ssyncadd.s32 $0xFFFFFFFF  }
0xa5: {  	s26 =	simm.s32 $execute0_lowered;
	[smem:$0x3FD2] =	sst s25  }
0xa6: {  	s5 =	sshll.u32 s26, $0x1;
	_ =	strace $0x8000004C;
	[dreg:$0x1] =	wrdreg $0xFFFFFFFF  }
0xa7: {  	s28 =	simm.s32 $_size_execute0_lowered;
	s3 =	sadd.s32 s3, s5;
	[dreg:$0x0] =	wrdreg $0x0  }
0xa8: {  	s5 =	sshll.u32 s28, $0x1;
	[dreg:$0x2] =	wrdreg s3  }
0xa9: {  	[dreg:$0x3] =	wrdreg s5  }
0xaa: {  	[dreg:$0x4] =	wrdreg $0xC0  }
0xab: {  	_ =	task [dreg:s7], $0x5FFFF  }
0xac: {  	[dreg:$0x1] =	wrdreg $0xFFFFFFFF  }
0xad: {  	[dreg:$0x0] =	wrdreg $0x60  }
0xae: {  	[dreg:$0x2] =	wrdreg s2  }
0xaf: {  	[dreg:$0x3] =	wrdreg s24  }
0xb0: {  	[dreg:$0x4] =	wrdreg $0xB0000  }
0xb1: {  	[dreg:$0x5] =	wrdreg $0x9  }
0xb2: {  	_ =	task.clear_ibuf [dreg:s7], $0x6FFFF;
	_ =	strace $0x9000004C  }
0xb3: {  	s29 =	simm.s32 $0x9;
	_ =	strace $0x8000004E  }
0xb4: {  	_ =	swait.ge [sflag:s29], $0x1  }
0xb5: {  	[sflag:s29] =	ssyncadd.s32 $0xFFFFFFFF  }
0xb6: {  	_ =	strace $0x9000004E  }
0xb7: {  	_ =	sfence  }
0xb8: {  	s30 =	sld [smem:$0x0];
	_ =	sdelay $0x2  }
0xb9: {  	s31 =	sshll.u32 s1, $0xD;
	s1 =	sshrl.u32 s1, $0x2  }
0xba: {  	s3 =	sand.u32 $0x4000, s31;
	s1 =	sadd.s32 s1, s30  }
0xbb: {  	s0 =	sor.u32 s3, s0;
	s1 =	sshll.u32 s1, $0x11  }
0xbc: {  	s0 =	sor.u32 s1, s0  }
0xbd: {  	s0 =	sadd.s32 $0x8F2B, s0  }
0xbe: {  	[sflag:s0] =	ssyncadd.remote.s32 $0x1  }
0xbf: {  	_ =	sfence.sel $0xFFFF  }
0xc0: {  	[dreg:$0x0] =	wrdreg $0xFFFFFFFF;
	(pc) =	sbr.abs _section_cstart, $3  }
0xc1: {  	[dreg:$0x1] =	wrdreg $0xFFFFFFFF  }
0xc2: {  	_ =	task.clear_ibuf [dreg:s7], $0x2FFFF;
	_ =	strace $0x9FFFFFFF  }
0xc3: {  	(tm) =	ssettm $0x7FFFFFFF  }
tec
execute0_lowered:
.L_overlay_start_1:
0x0: {  	(tag) =	ssettag $0x1  }
0x1: {  	s1 =	rddreg [dreg:$0x0]  }
0x2: {  	s0 =	rddreg [dreg:$0x1]  }
0x3: {  	s3 =	rddreg [dreg:$0x2];
	s4 =	simm.s32 $0x0;
	s14 =	stileid.u32  }
0x4: {  	s6 =	srdreg.scid;
	s16 =	simm.s32 $0x3;
	s28 =	simm.s32 $0x2  }
0x5: {  	s29 =	simm.s32 $0x0;
	[smem:$0x7FF] =	sst s4;
	s2 =	smul.u32 $0x2800, s14  }
0x6: {  	s5 =	sadd.s32 $0x12800, s0;
	s7 =	sadd.s32 $0x2800, s0;
	s6 =	sand.u32 $0x1, s6  }
0x7: {  	s9 =	sshll.u32 s14, $0xF;
	s17 =	smul.u32 $0x50000, s14;
	s13 =	sadd.s32 $0x49A00, s0  }
0x8: {  	s21 =	smul.u32 $0x14000, s14;
	s22 =	sadd.s32 $0x12C000, s3;
	p0 =	seq.s32 s14, $0xF  }
0x9: {  	_ =	strace $0x8000004D;
	s8 =	ssub.s32 $0x2, s6;
	s10 =	sshll.u32 s6, $0xE  }
0xa: {  	s6 =	smul.u32 $0x138800, s6;
	[dreg:$0xa] =	wrdreg s22;
	s2 =	sadd.s32 s2, s0  }
0xb: {  	s11 =	sshrl.u32 s8, $0x1;
	s12 =	sor.u32 s10, s9;
	s9 =	sshrl.u32 s17, $0x2  }
0xc: {  	s0 =	sadd.s32 $0x48000, s0;
	s17 =	simm.s32 $0x800;
	s8 =	ssub.s32 s8, s11  }
0xd: {  	s10 =	sshrl.u32 s12, $0x3;
	s9 =	sadd.s32 s9, s3;
	s2 =	sadd.s32 $0x22800, s2  }
0xe: {  	[dreg:$0xb] =	wrdreg s0;
	s24 =	sadd.s32 s21, s6;
	s25 =	sshrl.u32 s6, $0x3  }
0xf: {  	s26 =	sor.u32 $0x200, s12;
	s18 =	sadd.s32 s5, s10;
	[dreg:$0x8] =	wrdreg s9  }
0x10: {  	s19 =	sadd.s32 s7, s10;
	s10 =	sor.u32 $0x780, s10;
	[dreg:$0x9] =	wrdreg s2  }
0x11: {  	s0 =	sshrl.u32 s24, $0x3;
	s30 =	sadd.s32 s13, s25;
	[dreg:$0x6] =	wrdreg s18  }
0x12: {  	s31 =	sshrl.u32 s26, $0x3;
	s24 =	simm.s32 $0x1;
	[dreg:$0x7] =	wrdreg s19  }
0x13: {  	s20 =	sadd.s32 s5, s10;
	s23 =	sadd.s32 s7, s10;
	s0 =	sadd.s32 s13, s0  }
0x14: {  	s12 =	sadd.s32 $0x25800, s30;
	s13 =	smax.u32 s8, $0x1;
	[dreg:$0x4] =	wrdreg s20  }
0x15: {  	s15 =	sadd.s32 s31, s5;
	s18 =	simm.s32 $0x50;
	[dreg:$0x5] =	wrdreg s23  }
0x16: {  	s19 =	simm.s32 $0x1000;
	[dreg:$0xc] =	wrdreg s0;
	s23 =	sadd.s32 s31, s7  }
.LBB2_1:
0x17: {  	s0 =	rddreg [dreg:$0x6]  }
0x18: {  	[tilespmem:s4], [sflag:$0x3] =	stream.linear.gather [hbm4b:s0+s4], $0x400, $0x38;
	[tilespmem:$0x1E880] =	vst v63  }
0x19: {  	_ =	swait.ge [sflag:s16], $0x400  }
0x1a: {  	[sflag:s16] =	ssyncset.done $0x0  }
0x1b: {  	s11 =	rddreg [dreg:$0x7];
	[sflag:s16] =	ssyncadd.s32 $0xFFFFFC00  }
0x1c: {  	[tilespmem:s17], [sflag:$0x3] =	stream.linear.gather [hbm4b:s11+s4], $0x400, $0x38;
	[tilespmem:$0x1E880] =	vst v63  }
0x1d: {  	_ =	swait.ge [sflag:s16], $0x400  }
0x1e: {  	[sflag:s16] =	ssyncset.done $0x0  }
0x1f: {  	s14 =	simm.s32 $0x80;
	s2 =	simm.s32 $0x3800;
	[sflag:s16] =	ssyncadd.s32 $0xFFFFFC00  }
0x20: {  	[tilespmem:s19], [sflag:$0x1] =	stream.indirect.gather [hbm4b:s1+s18], $0x80, s4, s18, $0xb8;
	[tilespmem:$0x1E880] =	vst v63  }
0x21: {  	s20 =	simm.s32 $0x100;
	s21 =	simm.s32 $0x6000;
	s0 =	rddreg [dreg:$0xa]  }
0x22: {  	[tilespmem:s2], [sflag:$0x1] =	stream.indirect.gather [hbm4b:s1+s18], $0x80, s14, s18, $0xb8;
	[tilespmem:$0x1E880] =	vst v63  }
0x23: {  	s30 =	sshrl.u32 @p0 s0, $0x3;
	s0 =	simm.s32 @p0 $0x1FC3;
	s2 =	rddreg [dreg:$0xb]  }
0x24: {  	[tilespmem:s21], [sflag:$0x1] =	stream.indirect.gather [hbm4b:s1+s18], $0x80, s20, s18, $0xb8;
	[tilespmem:$0x1E880] =	vst v63  }
0x25: {  	[spmem:s30], [sflag:s0] =	dma.local @p0 [hbm:s2], $0x1900  }
0x26: {  	s0 =	simm.s32 @p0 $0x3  }
0x27: {  	_ =	swait.ge @p0 [sflag:s0], $0x1900  }
0x28: {  	s2 =	stileid.u32;
	[sflag:s0] =	ssyncset.done @p0 $0x0  }
0x29: {  	s2 =	sshll.u32 @!p0 s2, $0x6;
	[sflag:s0] =	ssyncadd.s32 @p0 $0xFFFFE700;
	s0 =	rddreg [dreg:$0x8]  }
0x2a: {  	s31 =	sor.u32 @!p0 $0x1C03, s2;
	s2 =	rddreg [dreg:$0x9];
	s0 =	sshrl.u32 @!p0 s0, $0x3  }
0x2b: {  	[spmem:s0], [sflag:s31] =	dma.local @!p0 [hbm:s2], $0x2800  }
0x2c: {  	s2 =	simm.s32 @!p0 $0x3  }
0x2d: {  	_ =	swait.ge @!p0 [sflag:s2], $0x2800  }
0x2e: {  	[sflag:s2] =	ssyncset.done @!p0 $0x0  }
0x2f: {  	[sflag:s2] =	ssyncadd.s32 @!p0 $0xFFFFD800  }
0x30: {  	[bflag:$0x0] =	sbarrier.arrive $0xFFFF  }
0x31: {  	_ =	swait.ge [sflag:s24], $0x2800  }
0x32: {  	s22 =	simm.s32 $0x180;
	s25 =	simm.s32 $0x1;
	[sflag:s24] =	ssyncset.done $0x0  }
0x33: {  	s5 =	simm.s32 $0x8800;
	s2 =	sand.u32 $0x3, s25;
	[sflag:s24] =	ssyncadd.s32 $0xFFFFD800  }
0x34: {  	[spmem:s3] =	stream.indirect.scatter.add.f32 [tilespmem:s19], [sflag:$0x2], $0x80, s17, s18, $0xb8;
	[tilespmem:$0x1E880] =	vst v63  }
0x35: {  	p3 =	por $0x0, $0x0;
	s26 =	simm.s32 $0x200;
	s2 =	smul.u32 $0xA000, s2  }
0x36: {  	[tilespmem:s5], [sflag:$0x1] =	stream.indirect.gather [hbm4b:s1+s18], $0x80, s22, s18, $0xb8;
	[tilespmem:$0x1E880] =	vst v63  }
0x37: {  	s21 =	sand.u32 @!p3 $0x1E00, s17;
	s2 =	sshrl.u32 s2, $0x2;
	s5 =	simm.s32 $0x4  }
0x38: {  	s25 =	sshrl.u32 @!p3 s21, $0x2;
	s2 =	sadd.s32 $0x1000, s2;
	s6 =	sand.u32 @!p3 $0x7, s5  }
0x39: {  	_ =	swait.ge [sflag:s24], $0x2800;
	s5 =	sand.u32 @!p3 $0x3, s5;
	p1 =	sne.s32 @!p3 s6, $0x0  }
0x3a: {  	[sflag:s24] =	ssyncset.done $0x0;
	s6 =	sand.u32 $0x1E00, s26;
	p4 =	por p1, p3  }
0x3b: {  	[sflag:s24] =	ssyncadd.s32 $0xFFFFD800;
	s6 =	sshrl.u32 s6, $0x2;
	s7 =	simm.s32 @!p4 $0x0  }
0x3c: {  	p2 =	por @!p4 $0x0, $0x0;
	_ =	swait.ge [sflag:s28], $0x2800;
	s6 =	sor.u32 $0x800, s6  }
0x3d: {  	s7 =	sand.u32 @!p4 $0x1, s7;
	p4 =	por @!p3 !p2, p1;
	[sflag:s28] =	ssyncset.done $0x0  }
0x3e: {  	s8 =	rddreg [dreg:$0x4];
	p4 =	por p4, p3;
	[sflag:s28] =	ssyncadd.s32 $0xFFFFD800  }
0x3f: {  	[spmem:s3] =	stream.indirect.scatter.add.f32 [tilespmem:s2], [sflag:$0x2], $0x80, s6, s18, $0xb8;
	[tilespmem:$0x1E880] =	vst v63  }
0x40: {  	s6 =	sshll.u32 @!p4 s7, $0xA;
	s14 =	simm.s32 @!p4 $0x0;
	s20 =	simm.s32 @!p4 $0x3  }
0x41: {  	[tilespmem:s6], [sflag:$0x3] =	stream.linear.gather @!p4 [hbm4b:s8+s14], $0x280, $0x38;
	[tilespmem:$0x1E880] =	vst v63  }
0x42: {  	s21 =	simm.s32 $0xA00;
	s5 =	smul.u32 @!p3 $0xA000, s5;
	_ =	swait.ge @!p4 [sflag:s20], $0x280  }
0x43: {  	p2 =	por @!p3 p2, p1;
	p1 =	por p3, p3;
	[sflag:s20] =	ssyncset.done @!p4 $0x0  }
0x44: {  	s6 =	sor.u32 @!p4 $0x800, s6;
	s8 =	rddreg [dreg:$0x5];
	[sflag:s20] =	ssyncadd.s32 @!p4 $0xFFFFFD80  }
0x45: {  	[tilespmem:s6], [sflag:$0x3] =	stream.linear.gather @!p4 [hbm4b:s8+s14], $0x280, $0x38;
	[tilespmem:$0x1E880] =	vst v63  }
0x46: {  	s22 =	sadd.s32 $0x10, s23;
	p2 =	por p2, p1;
	_ =	swait.ge @!p4 [sflag:s20], $0x280  }
0x47: {  	s6 =	sshrl.u32 @!p3 s5, $0x2;
	s8 =	sshll.u32 @!p2 s7, $0xA;
	[sflag:s20] =	ssyncset.done @!p4 $0x0  }
0x48: {  	s7 =	simm.s32 @!p2 $0x0;
	s5 =	simm.s32 @!p2 $0x3;
	[sflag:s20] =	ssyncadd.s32 @!p4 $0xFFFFFD80  }
0x49: {  	[tilespmem:s8], [sflag:$0x3] =	stream.linear.gather @!p2 [hbm4b:s15+s7], $0x400, $0x38;
	[tilespmem:$0x1E880] =	vst v63  }
0x4a: {  	s2 =	simm.s32 $0x5;
	s14 =	smov.u32 s23;
	_ =	swait.ge @!p2 [sflag:s5], $0x400  }
0x4b: {  	s26 =	sadd.s32 @!p1 $0x1000, s6;
	s6 =	simm.s32 @!p1 $0x50;
	[sflag:s5] =	ssyncset.done @!p2 $0x0  }
0x4c: {  	s20 =	sadd.s32 $0x10, s15;
	s8 =	sor.u32 @!p2 $0x800, s8;
	[sflag:s5] =	ssyncadd.s32 @!p2 $0xFFFFFC00  }
.LBB2_2:
0x4d: {  	[tilespmem:s8], [sflag:$0x3] =	stream.linear.gather @!p2 [hbm4b:s14+s7], $0x400, $0x38;
	[tilespmem:$0x1E880] =	vst v63  }
0x4e: {  	s7 =	smov.u32 s2  }
0x4f: {  	s2 =	sadd.s32 $0x1, s2;
	s8 =	sadd.s32 $0xFFFFFFFD, s7;
	_ =	swait.ge @!p2 [sflag:s5], $0x400  }
0x50: {  	s9 =	sand.u32 $0x3, s8;
	p3 =	sgt.u32 s8, $0x79;
	[sflag:s5] =	ssyncset.done @!p2 $0x0  }
0x51: {  	s9 =	smul.u32 $0xA000, s9;
	s10 =	sand.u32 @!p3 $0x7, s7;
	[sflag:s5] =	ssyncadd.s32 @!p2 $0xFFFFFC00  }
0x52: {  	[tilespmem:s26], [sflag:$0x1] =	stream.indirect.gather @!p1 [hbm4b:s1+s6], $0x80, s25, s6, $0xb8;
	[tilespmem:$0x1E880] =	vst v63  }
0x53: {  	p5 =	sne.s32 s2, $0x80;
	s25 =	sadd.s32 $0xFFFFFA00, s21;
	p1 =	sne.s32 @!p3 s10, $0x0  }
0x54: {  	_ =	swait.ge [sflag:s24], $0x2800;
	s26 =	sshrl.u32 s9, $0x2;
	p4 =	por p1, p3  }
0x55: {  	s5 =	sand.u32 $0x1E00, s25;
	[sflag:s24] =	ssyncset.done $0x0;
	s9 =	sshrl.u32 @!p4 s7, $0x3  }
0x56: {  	p2 =	sgt.u32 @!p4 s8, $0x74;
	s6 =	sadd.s32 $0x1000, s26;
	s5 =	sshrl.u32 s5, $0x2  }
0x57: {  	[sflag:s24] =	ssyncadd.s32 $0xFFFFD800;
	s8 =	sand.u32 @!p4 $0x1, s9;
	p4 =	por @!p3 !p2, p1  }
0x58: {  	s5 =	sor.u32 $0x800, s5;
	p2 =	por @!p3 p2, p1;
	_ =	swait.ge [sflag:s28], $0x2800  }
0x59: {  	p1 =	por p3, p3;
	p4 =	por p4, p3;
	[sflag:s28] =	ssyncset.done $0x0  }
0x5a: {  	p2 =	por p2, p1;
	s9 =	sshll.u32 @!p4 s8, $0xA;
	[sflag:s28] =	ssyncadd.s32 $0xFFFFD800  }
0x5b: {  	[spmem:s3] =	stream.indirect.scatter.add.f32 [tilespmem:s6], [sflag:$0x2], $0x80, s5, s18, $0xb8;
	[tilespmem:$0x1E880] =	vst v63  }
0x5c: {  	s10 =	simm.s32 @!p4 $0x0;
	s25 =	rddreg [dreg:$0x4];
	s5 =	simm.s32 @!p4 $0x3  }
0x5d: {  	[tilespmem:s9], [sflag:$0x3] =	stream.linear.gather @!p4 [hbm4b:s25+s10], $0x280, $0x38;
	[tilespmem:$0x1E880] =	vst v63  }
0x5e: {  	s11 =	sor.u32 @!p4 $0x800, s9;
	s6 =	sand.u32 @!p3 $0x3, s7;
	_ =	swait.ge @!p4 [sflag:s5], $0x280  }
0x5f: {  	s7 =	sand.u32 @!p3 $0x1E00, s21;
	s6 =	smul.u32 @!p3 $0xA000, s6;
	[sflag:s5] =	ssyncset.done @!p4 $0x0  }
0x60: {  	s25 =	sshrl.u32 @!p3 s7, $0x2;
	s9 =	rddreg [dreg:$0x5];
	[sflag:s5] =	ssyncadd.s32 @!p4 $0xFFFFFD80  }
0x61: {  	[tilespmem:s11], [sflag:$0x3] =	stream.linear.gather @!p4 [hbm4b:s9+s10], $0x280, $0x38;
	[tilespmem:$0x1E880] =	vst v63  }
0x62: {  	s7 =	simm.s32 @!p2 $0x0;
	s6 =	sshrl.u32 @!p3 s6, $0x2;
	_ =	swait.ge @!p4 [sflag:s5], $0x280  }
0x63: {  	s26 =	sadd.s32 @!p1 $0x1000, s6;
	s6 =	sshll.u32 @!p2 s8, $0xA;
	[sflag:s5] =	ssyncset.done @!p4 $0x0  }
.Ltmp0:
0x64: {  	[sflag:s5] =	ssyncadd.s32 @!p4 $0xFFFFFD80;
	s5 =	simm.s32 @!p2 $0x3;
	(pc) =	sbr.rel @p5 .LBB2_2-.Ltmp0, $4  }
0x65: {  	[tilespmem:s6], [sflag:$0x3] =	stream.linear.gather @!p2 [hbm4b:s20+s7], $0x400, $0x38;
	[tilespmem:$0x1E880] =	vst v63  }
0x66: {  	s14 =	smov.u32 s22;
	s22 =	sadd.s32 $0x10, s22;
	_ =	swait.ge @!p2 [sflag:s5], $0x400  }
0x67: {  	s21 =	sadd.s32 $0x200, s21;
	s8 =	sor.u32 @!p2 $0x800, s6;
	[sflag:s5] =	ssyncset.done @!p2 $0x0  }
0x68: {  	s6 =	simm.s32 @!p1 $0x50;
	s20 =	sadd.s32 $0x10, s20;
	[sflag:s5] =	ssyncadd.s32 @!p2 $0xFFFFFC00  }
0x69: {  	[tilespmem:s8], [sflag:$0x3] =	stream.linear.gather @!p2 [hbm4b:s14+s7], $0x400, $0x38;
	[tilespmem:$0x1E880] =	vst v63  }
0x6a: {  	_ =	swait.ge @!p2 [sflag:s5], $0x400  }
0x6b: {  	[sflag:s5] =	ssyncset.done @!p2 $0x0  }
0x6c: {  	[sflag:s5] =	ssyncadd.s32 @!p2 $0xFFFFFC00  }
0x6d: {  	[tilespmem:s26], [sflag:$0x1] =	stream.indirect.gather @!p1 [hbm4b:s1+s6], $0x80, s25, s6, $0xb8;
	[tilespmem:$0x1E880] =	vst v63  }
0x6e: {  	_ =	swait.ge [sflag:s28], $0x2800  }
0x6f: {  	[sflag:s28] =	ssyncset.done $0x0  }
0x70: {  	[sflag:s28] =	ssyncadd.s32 $0xFFFFD800  }
0x71: {  	s2 =	simm.s32 @p0 $0x1FC3;
	[bflag:$0x0] =	sbarrier.arrive $0xFFFF  }
0x72: {  	[hbm:s12], [sflag:s2] =	dma.local @p0 [spmem:s30], $0x1900  }
0x73: {  	s2 =	simm.s32 @p0 $0x3  }
0x74: {  	_ =	swait.ge @p0 [sflag:s2], $0x1900  }
0x75: {  	s29 =	sadd.s32 $0x1, s29;
	[sflag:s2] =	ssyncset.done @p0 $0x0  }
0x76: {  	p1 =	sne.s32 s29, s13;
	[sflag:s2] =	ssyncadd.s32 @p0 $0xFFFFE700;
	s2 =	rddreg [dreg:$0xc]  }
0x77: {  	[hbm:s2], [sflag:s31] =	dma.local @!p0 [spmem:s0], $0x2800  }
.Ltmp1:
0x78: {  	_ = 	snop;
	(pc) =	sbr.rel @p1 .LBB2_1-.Ltmp1, $4  }
0x79: {  	s0 =	simm.s32 @!p0 $0x3  }
0x7a: {  	_ =	swait.ge @!p0 [sflag:s0], $0x2800  }
0x7b: {  	[sflag:s0] =	ssyncset.done @!p0 $0x0  }
0x7c: {  	[sflag:s0] =	ssyncadd.s32 @!p0 $0xFFFFD800  }
0x7d: {  	_ =	sfence.sel $0x180000  }
0x7e: {  	[bflag:$0x0] =	sbarrier.arrive $0xFFFF  }
0x7f: {  	_ =	strace $0x9000004D  }
0x80: {  	s0 =	stileid.u32;
	[bflag:$0x2] =	sbarrier.arrive $0xFFFF  }
0x81: {  	p0 =	sne.s32 s0, $0x0;
	s0 =	rddreg [dreg:$0x3]  }
0x82: {  	s0 =	sadd.s32 @!p0 $0x100000, s0  }
0x83: {  	[sflag:s0] =	ssyncadd.tile.s32 @!p0 $0x1;
	_ =	shalt  }
.Lfunc_end2:
_tile_overlayer_lowered:
.L_overlay_start_2:
0x84: {  	(tag) =	ssettag $0x2  }
0x85: {  	s0 =	rddreg [dreg:$0x0];
	s2 =	stileid.u32  }
0x86: {  	s1 =	rddreg [dreg:$0x1];
	p0 =	sne.s32 s2, $0x0  }
0x87: {  	s3 =	rddreg [dreg:$0x2];
	[bflag:$0x3] =	sbarrier.arrive $0xFFFF;
	s2 =	simm.s32 @!p0 $0x1C03  }
0x88: {  	[timem:s3], [sflag:s2] =	dma.local @!p0 [hbm:s0], s1  }
0x89: {  	s0 =	simm.s32 @!p0 $0x3  }
0x8a: {  	_ =	swait.ge @!p0 [sflag:s0], s1  }
0x8b: {  	s1 =	ssub.s32 @!p0 $0x0, s1;
	[sflag:s0] =	ssyncset.done @!p0 $0x0  }
0x8c: {  	[sflag:s0] =	ssyncadd.s32 @!p0 s1  }
0x8d: {  	[bflag:$0x3] =	sbarrier.arrive $0xFFFF  }
0x8e: {  	_ =	shalt  }

// kernel: kernel.8.cloned.1.call-start
scs
__scs_entry_jumppad:
0x0: {  	(pc) =	sbr.rel $0x88, $3  }
0x1: {  	(tag) =	ssettag $0x0;
	lr =	simm.s32 $0x1  }
0x2: {  	[smem:$0x3F9B] =	sst lr;
	_ =	strace $0xD0000000  }
0x3: {  	_ = 	snop  }
0x4: {  	_ = 	snop  }
0x5: {  	_ = 	snop  }
0x6: {  	_ = 	snop  }
0x7: {  	_ = 	snop  }
__scs_overlays_trampoline_lowered:
0x8: {  	[smem:$0x3FAA] =	sst s0  }
0x9: {  	[smem:$0x3FAB] =	sst s1  }
0xa: {  	[smem:$0x3FAC] =	sst s2  }
0xb: {  	[smem:$0x3FAD] =	sst s3  }
0xc: {  	[smem:$0x3FAE] =	sst s4  }
0xd: {  	[smem:$0x3FAF] =	sst s5  }
0xe: {  	[smem:$0x3FB0] =	sst s6  }
0xf: {  	[smem:$0x3FB1] =	sst s7  }
0x10: {  	[smem:$0x3FB2] =	sst s8  }
0x11: {  	[smem:$0x3FB3] =	sst s9;
	s0 =	simm.s32 @!p0 $0x0  }
0x12: {  	s1 =	sld [smem:$0x3F99];
	s0 =	simm.s32 @p0 $0x1  }
0x13: {  	[smem:$0x3FB4] =	sst s0;
	s0 =	simm.s32 @!p1 $0x0  }
0x14: {  	s2 =	sld [smem:$0x3F98];
	s0 =	simm.s32 @p1 $0x1  }
0x15: {  	[smem:$0x3FB5] =	sst s0;
	s0 =	simm.s32 @!p2 $0x0  }
0x16: {  	s3 =	sld [smem:$0x3FDB];
	s0 =	simm.s32 @p2 $0x1  }
0x17: {  	s4 =	simm.s32 $0x1BF5;
	[smem:$0x3FB7] =	sst s0  }
0x18: {  	s0 =	sld [smem:$0x3F9A];
	_ =	swait.ge [sflag:s4], $0x0  }
0x19: {  	s7 =	sld [smem:$0x3F9B]  }
0x1a: {  	s8 =	sadd.s32 $0xFFFFE003, lr  }
0x1b: {  	s9 =	sadd.s32 $0xFFFFFEF7, lr;
	s5 =	simm.s32 $0xFFFFFFFF;
	p2 =	slt.u32 s8, $0xFFFFF086  }
0x1c: {  	p1 =	slt.u32 s9, $0xF7A;
	s5 =	simm.s32 @!p2 $0x0  }
0x1d: {  	s5 =	simm.s32 @p1 $0x1;
	p0 =	seq.s32 s7, s2  }
0x1e: {  	s7 =	smul.u32 @!p0 $0xF7A, s2;
	p2 =	seq.s32 @!p0 s5, $0x0  }
0x1f: {  	s9 =	smul.u32 $0xF7A, s1;
	s8 =	simm.s32 @!p0 $0x1BF5;
	p2 =	por !p2, p0  }
0x20: {  	[sflag:s8] =	ssyncset.s32 @!p0 $0xFFFFF086;
	s6 =	sadd.s32 @!p0 s3, s7;
	s7 =	simm.s32 @!p0 $0x108  }
0x21: {  	s3 =	sadd.s32 s3, s9;
	s6 =	sadd.s32 @!p0 $0x88, s6;
	s7 =	simm.s32 @p2 $0x1082  }
0x22: {  	[simem:s7], [sflag:s8] =	dma.local @!p0 [hbm:s6], $0xF7A  }
0x23: {  	s9 =	sor.u32 $0xD0000000, s2;
	s6 =	simm.s32 $0x108;
	_ =	swait.ge @!p0 [sflag:s8], $0x0  }
0x24: {  	s3 =	sadd.s32 $0x88, s3;
	s6 =	simm.s32 @!p1 $0x1082;
	[sflag:s4] =	ssyncset.s32 $0xFFFFF086  }
0x25: {  	[simem:s6], [sflag:s4] =	dma.local [hbm:s3], $0xF7A  }
0x26: {  	[smem:$0x3F9B] =	sst s1;
	(tag) =	ssettag s2;
	_ =	strace s9  }
0x27: {  	s1 =	sld [smem:$0x3FAB]  }
0x28: {  	s2 =	sld [smem:$0x3FAC]  }
0x29: {  	s4 =	sld [smem:$0x3FAE]  }
0x2a: {  	p0 =	seq.s32 s5, $0x0;
	s5 =	sld [smem:$0x3FAF]  }
0x2b: {  	s6 =	sld [smem:$0x3FB0]  }
0x2c: {  	s7 =	sld [smem:$0x3FB1]  }
0x2d: {  	s3 =	simm.s32 $0x108;
	s8 =	sld [smem:$0x3FB2]  }
0x2e: {  	s3 =	simm.s32 @!p0 $0x1082;
	s9 =	sld [smem:$0x3FB3]  }
0x2f: {  	lr =	sadd.s32 s0, s3;
	s0 =	sld [smem:$0x3FAA]  }
0x30: {  	s3 =	sld [smem:$0x3FAD]  }
0x31: {  	[smem:$0x3FB6] =	sst s10  }
0x32: {  	s10 =	sld [smem:$0x3FB4];
	_ =	sdelay $0x3  }
0x33: {  	p0 =	seq.s32 s10, $0x1;
	s10 =	sld [smem:$0x3FB6];
	_ =	sdelay $0x3  }
0x34: {  	[smem:$0x3FB6] =	sst s10  }
0x35: {  	s10 =	sld [smem:$0x3FB5];
	_ =	sdelay $0x3  }
0x36: {  	p1 =	seq.s32 s10, $0x1;
	s10 =	sld [smem:$0x3FB6];
	_ =	sdelay $0x3  }
0x37: {  	[smem:$0x3FB6] =	sst s10  }
0x38: {  	s10 =	sld [smem:$0x3FB7]  }
0x39: {  	_ = 	snop;
	(pc) =	sbr.ind lr, $3  }
0x3a: {  	_ = 	snop  }
0x3b: {  	_ = 	snop  }
0x3c: {  	p2 =	seq.s32 s10, $0x1;
	s10 =	sld [smem:$0x3FB6]  }
0x3d: {  	_ =	shalt  }
0x3e: {  	_ =	shalt  }
0x3f: {  	_ =	shalt  }
0x40: {  	_ =	shalt  }
0x41: {  	_ =	shalt  }
0x42: {  	_ =	shalt  }
0x43: {  	_ =	shalt  }
0x44: {  	_ =	shalt  }
0x45: {  	_ =	shalt  }
0x46: {  	_ =	shalt  }
0x47: {  	_ =	shalt  }
0x48: {  	_ =	shalt  }
0x49: {  	_ =	shalt  }
0x4a: {  	_ =	shalt  }
0x4b: {  	_ =	shalt  }
0x4c: {  	_ =	shalt  }
0x4d: {  	_ =	shalt  }
0x4e: {  	_ =	shalt  }
0x4f: {  	_ =	shalt  }
0x50: {  	_ =	shalt  }
0x51: {  	_ =	shalt  }
0x52: {  	_ =	shalt  }
0x53: {  	_ =	shalt  }
0x54: {  	_ =	shalt  }
0x55: {  	_ =	shalt  }
0x56: {  	_ =	shalt  }
0x57: {  	_ =	shalt  }
0x58: {  	_ =	shalt  }
0x59: {  	_ =	shalt  }
0x5a: {  	_ =	shalt  }
0x5b: {  	_ =	shalt  }
0x5c: {  	_ =	shalt  }
0x5d: {  	_ =	shalt  }
0x5e: {  	_ =	shalt  }
0x5f: {  	_ =	shalt  }
0x60: {  	_ =	shalt  }
0x61: {  	_ =	shalt  }
0x62: {  	_ =	shalt  }
0x63: {  	_ =	shalt  }
0x64: {  	_ =	shalt  }
0x65: {  	_ =	shalt  }
0x66: {  	_ =	shalt  }
0x67: {  	_ =	shalt  }
0x68: {  	_ =	shalt  }
0x69: {  	_ =	shalt  }
0x6a: {  	_ =	shalt  }
0x6b: {  	_ =	shalt  }
0x6c: {  	_ =	shalt  }
0x6d: {  	_ =	shalt  }
0x6e: {  	_ =	shalt  }
0x6f: {  	_ =	shalt  }
0x70: {  	_ =	shalt  }
0x71: {  	_ =	shalt  }
0x72: {  	_ =	shalt  }
0x73: {  	_ =	shalt  }
0x74: {  	_ =	shalt  }
0x75: {  	_ =	shalt  }
0x76: {  	_ =	shalt  }
0x77: {  	_ =	shalt  }
0x78: {  	_ =	shalt  }
0x79: {  	_ =	shalt  }
0x7a: {  	_ =	shalt  }
0x7b: {  	_ =	shalt  }
0x7c: {  	_ =	shalt  }
0x7d: {  	_ =	shalt  }
0x7e: {  	_ =	shalt  }
0x7f: {  	_ =	shalt  }
0x80: {  	_ =	shalt  }
0x81: {  	_ =	shalt  }
0x82: {  	_ =	shalt  }
0x83: {  	_ =	shalt  }
0x84: {  	_ =	shalt  }
0x85: {  	_ =	shalt  }
0x86: {  	_ =	shalt  }
0x87: {  	_ =	shalt  }
.Lfunc_end0:
.L_simem_size_0:
called_computation_lowered:
.L_overlay_start_0:
0x88: {  	s2 =	sld [smem:$0x3FD9]  }
0x89: {  	s3 =	sld [smem:$0x3FFE];
	_ =	sdelay $0x1  }
0x8a: {  	s1 =	srdreg.scid  }
0x8b: {  	s0 =	sand.u32 $0x1, s1  }
0x8c: {  	s17 =	sshll.u32 s0, $0xA;
	s2 =	sadd.s32 s3, s2  }
0x8d: {  	s2 =	sadd.s32 s2, s17  }
0x8e: {  	[smem:$0x3FC2] =	sst s2  }
0x8f: {  	_ = 	snop  }
0x90: {  	s2 =	sld [smem:$0x3FD0];
	(tm) =	ssettm $0x1  }
0x91: {  	s18 =	sld [smem:$0x3FFB];
	_ =	sdelay $0x3  }
0x92: {  	_ =	strace s18  }
0x93: {  	s3 =	sld [smem:$0x3FFC];
	_ =	sdelay $0x3  }
0x94: {  	_ =	strace s3  }
0x95: {  	s3 =	sld [smem:$0x3FFD];
	_ =	sdelay $0x3  }
0x96: {  	_ =	strace s3  }
0x97: {  	_ =	strace $0x8FFFFFFF  }
0x98: {  	s19 =	sld [smem:$0x3FDB];
	_ =	sdelay $0x1  }
0x99: {  	s4 =	simm.s32 $_scs_section_size  }
0x9a: {  	s5 =	simm.s32 $_size__tile_overlayer_lowered;
	s6 =	simm.s32 $_tile_overlayer_lowered  }
0x9b: {  	s22 =	simm.s32 $0x1BFF;
	s21 =	sshll.u32 s6, $0x1;
	s3 =	sadd.s32 s4, s19  }
0x9c: {  	s7 =	simm.s32 $0x0;
	s20 =	sshll.u32 s5, $0x1;
	s5 =	sadd.s32 s21, s3  }
0x9d: {  	[timem:s7], [sflag:s22] =	dma.local [hbm:s5], s20  }
0x9e: {  	_ =	swait.ge [sflag:s22], s20  }
0x9f: {  	s4 =	ssub.s32 $0x0, s20;
	[sflag:s22] =	ssyncset.done $0x0  }
0xa0: {  	[sflag:s22] =	ssyncadd.s32 s4;
	_ =	sdelay $0x1  }
0xa1: {  	s23 =	simm.s32 $0x1B8B  }
0xa2: {  	_ =	swait.ge [sflag:s23], $0x1  }
0xa3: {  	[sflag:s23] =	ssyncset.done $0x0  }
0xa4: {  	s25 =	simm.s32 $0x1B8E;
	s24 =	sld [smem:$0x3FFE];
	[sflag:s23] =	ssyncadd.s32 $0xFFFFFFFF  }
0xa5: {  	s26 =	simm.s32 $execute0_lowered;
	[smem:$0x3FD2] =	sst s25  }
0xa6: {  	s5 =	sshll.u32 s26, $0x1;
	_ =	strace $0x80000046;
	[dreg:$0x1] =	wrdreg $0xFFFFFFFF  }
0xa7: {  	s28 =	simm.s32 $_size_execute0_lowered;
	s3 =	sadd.s32 s3, s5;
	[dreg:$0x0] =	wrdreg $0x0  }
0xa8: {  	s5 =	sshll.u32 s28, $0x1;
	[dreg:$0x2] =	wrdreg s3  }
0xa9: {  	[dreg:$0x3] =	wrdreg s5  }
0xaa: {  	[dreg:$0x4] =	wrdreg $0xC0  }
0xab: {  	_ =	task [dreg:s7], $0x5FFFF  }
0xac: {  	[dreg:$0x1] =	wrdreg $0xFFFFFFFF  }
0xad: {  	[dreg:$0x0] =	wrdreg $0x60  }
0xae: {  	[dreg:$0x2] =	wrdreg s2  }
0xaf: {  	[dreg:$0x3] =	wrdreg s24  }
0xb0: {  	[dreg:$0x4] =	wrdreg $0x7000  }
0xb1: {  	[dreg:$0x5] =	wrdreg $0x9  }
0xb2: {  	_ =	task.clear_ibuf [dreg:s7], $0x6FFFF;
	_ =	strace $0x90000046  }
0xb3: {  	s29 =	simm.s32 $0x9;
	_ =	strace $0x80000048  }
0xb4: {  	_ =	swait.ge [sflag:s29], $0x1  }
0xb5: {  	[sflag:s29] =	ssyncadd.s32 $0xFFFFFFFF  }
0xb6: {  	_ =	strace $0x90000048  }
0xb7: {  	_ =	sfence  }
0xb8: {  	s30 =	sld [smem:$0x0];
	_ =	sdelay $0x2  }
0xb9: {  	s31 =	sshll.u32 s1, $0xD;
	s1 =	sshrl.u32 s1, $0x2  }
0xba: {  	s3 =	sand.u32 $0x4000, s31;
	s1 =	sadd.s32 s1, s30  }
0xbb: {  	s0 =	sor.u32 s3, s0;
	s1 =	sshll.u32 s1, $0x11  }
0xbc: {  	s0 =	sor.u32 s1, s0  }
0xbd: {  	s0 =	sadd.s32 $0x8F2B, s0  }
0xbe: {  	[sflag:s0] =	ssyncadd.remote.s32 $0x1  }
0xbf: {  	_ =	sfence.sel $0xFFFF  }
0xc0: {  	[dreg:$0x0] =	wrdreg $0xFFFFFFFF;
	(pc) =	sbr.abs _section_cstart, $3  }
0xc1: {  	[dreg:$0x1] =	wrdreg $0xFFFFFFFF  }
0xc2: {  	_ =	task.clear_ibuf [dreg:s7], $0x2FFFF;
	_ =	strace $0x9FFFFFFF  }
0xc3: {  	(tm) =	ssettm $0x7FFFFFFF  }
tec
execute0_lowered:
.L_overlay_start_1:
0x0: {  	(tag) =	ssettag $0x1  }
0x1: {  	s7 =	rddreg [dreg:$0x0]  }
0x2: {  	s4 =	rddreg [dreg:$0x1]  }
0x3: {  	s1 =	srdreg.scid;
	s0 =	stileid.u32  }
0x4: {  	s2 =	rddreg [dreg:$0x2];
	s3 =	simm.s32 $0x0;
	s11 =	simm.s32 $0x400  }
0x5: {  	s12 =	simm.s32 $0x80;
	s13 =	simm.s32 $0x100;
	s14 =	simm.s32 $0x180  }
0x6: {  	s15 =	simm.s32 $0x200;
	s16 =	simm.s32 $0x280;
	s17 =	simm.s32 $0x300  }
0x7: {  	s18 =	simm.s32 $0x380;
	s19 =	simm.s32 $0x1;
	s22 =	simm.s32 $0x20  }
0x8: {  	s23 =	simm.s32 $0x10;
	s24 =	simm.s32 $0x0;
	s6 =	smul.u32 $0x500, s0  }
0x9: {  	s5 =	sand.u32 $0x1, s1;
	s1 =	rddreg [dreg:$0x3];
	s9 =	smul.u32 $0xA00, s0  }
0xa: {  	s29 =	smul.u32 $0x5000, s0;
	[smem:$0x7FF] =	sst s3;
	s20 =	sshll.u32 s0, $0x6  }
0xb: {  	s8 =	sshll.u32 s5, $0x7;
	s10 =	smul.u32 $0x2800, s5;
	_ =	strace $0x80000047  }
0xc: {  	s30 =	ssub.s32 $0x2, s5;
	s20 =	sor.u32 $0x1C02, s20;
	s6 =	sor.u32 s8, s6  }
0xd: {  	s5 =	sshrl.u32 s30, $0x1;
	s9 =	sshrl.u32 s9, $0x2;
	s6 =	sshrl.u32 s6, $0x3  }
0xe: {  	s8 =	sadd.s32 s10, s29;
	s31 =	ssub.s32 s30, s5;
	s10 =	simm.s32 $0x7D  }
0xf: {  	s6 =	sadd.s32 s6, s4;
	s4 =	sadd.s32 s9, s2;
	s8 =	sshrl.u32 s8, $0x3  }
0x10: {  	s9 =	simm.s32 $0x2;
	s5 =	sadd.s32 $0x1E00, s6;
	s6 =	smax.u32 s31, $0x1  }
0x11: {  	v0 =	vimm.f32 $0.0e+00;
	v1 =	vimm.f32 $1.000000000e+00;
	s7 =	sadd.s32 s8, s7;
	s8 =	simm.s32 $0x480;
	s21 =	sshrl.u32 s4, $0x3  }
.LBB2_1:
0x12: {  	[tilespmem:$0x480] =	vst v0  }
0x13: {  	[tilespmem:$0x490] =	vst v0  }
0x14: {  	[tilespmem:$0x4A0] =	vst v0  }
0x15: {  	[tilespmem:$0x4B0] =	vst v0  }
0x16: {  	[tilespmem:$0x4C0] =	vst v0  }
0x17: {  	[tilespmem:$0x4D0] =	vst v0  }
0x18: {  	[tilespmem:$0x4E0] =	vst v0  }
0x19: {  	[tilespmem:$0x4F0] =	vst v0  }
0x1a: {  	[tilespmem:$0x500] =	vst v0  }
0x1b: {  	[tilespmem:$0x510] =	vst v0  }
0x1c: {  	[tilespmem:$0x520] =	vst v0  }
0x1d: {  	[tilespmem:$0x530] =	vst v0  }
0x1e: {  	[tilespmem:$0x540] =	vst v0  }
0x1f: {  	[tilespmem:$0x550] =	vst v0  }
0x20: {  	[tilespmem:$0x560] =	vst v0  }
0x21: {  	[tilespmem:$0x570] =	vst v0  }
0x22: {  	[tilespmem:$0x580] =	vst v0  }
0x23: {  	[tilespmem:$0x590] =	vst v0  }
0x24: {  	[tilespmem:$0x5A0] =	vst v0  }
0x25: {  	[tilespmem:$0x5B0] =	vst v0  }
0x26: {  	[tilespmem:$0x5C0] =	vst v0  }
0x27: {  	[tilespmem:$0x5D0] =	vst v0  }
0x28: {  	[tilespmem:$0x5E0] =	vst v0  }
0x29: {  	[tilespmem:$0x5F0] =	vst v0  }
0x2a: {  	[tilespmem:$0x600] =	vst v0  }
0x2b: {  	[tilespmem:$0x610] =	vst v0  }
0x2c: {  	[tilespmem:$0x620] =	vst v0  }
0x2d: {  	[tilespmem:$0x630] =	vst v0  }
0x2e: {  	[tilespmem:$0x640] =	vst v0  }
0x2f: {  	[tilespmem:$0x650] =	vst v0  }
0x30: {  	[tilespmem:$0x660] =	vst v0  }
0x31: {  	[tilespmem:$0x670] =	vst v0  }
0x32: {  	[tilespmem:$0x680] =	vst v0  }
0x33: {  	[tilespmem:$0x690] =	vst v0  }
0x34: {  	[tilespmem:$0x6A0] =	vst v0  }
0x35: {  	[tilespmem:$0x6B0] =	vst v0  }
0x36: {  	[tilespmem:$0x6C0] =	vst v0  }
0x37: {  	[tilespmem:$0x6D0] =	vst v0  }
0x38: {  	[tilespmem:$0x6E0] =	vst v0  }
0x39: {  	[tilespmem:$0x6F0] =	vst v0  }
0x3a: {  	[tilespmem:$0x400] =	vst v1  }
0x3b: {  	[tilespmem:$0x410] =	vst v1  }
0x3c: {  	[tilespmem:$0x420] =	vst v1  }
0x3d: {  	[tilespmem:$0x430] =	vst v1  }
0x3e: {  	[tilespmem:$0x440] =	vst v1  }
0x3f: {  	[tilespmem:$0x450] =	vst v1  }
0x40: {  	[tilespmem:$0x460] =	vst v1  }
0x41: {  	[tilespmem:$0x470] =	vst v1  }
0x42: {  	[spmem:s4] =	stream.linear.scatter [tilespmem:s8], [sflag:$0x2], $0x280, $0x38;
	[tilespmem:$0x980] =	vst v63  }
0x43: {  	_ =	swait.ge [sflag:s9], $0x280  }
0x44: {  	[sflag:s9] =	ssyncset.done $0x0  }
0x45: {  	[sflag:s9] =	ssyncadd.s32 $0xFFFFFD80  }
0x46: {  	s25 =	sadd.s32 $0x0, s7;
	[bflag:$0x0] =	sbarrier.arrive $0xFFFF  }
0x47: {  	[tilespmem:s3], [sflag:$0x2] =	stream.linear.gather [hbm4b:s25+s3], $0x400, $0x38;
	[tilespmem:$0x980] =	vst v63  }
0x48: {  	_ =	swait.ge [sflag:s9], $0x400  }
0x49: {  	[sflag:s9] =	ssyncset.done $0x0  }
0x4a: {  	[sflag:s9] =	ssyncadd.s32 $0xFFFFFC00  }
0x4b: {  	[spmem:s2] =	stream.indirect.scatter.add.f32 [tilespmem:s11], [sflag:$0x1], $0x1, s3, s10, $0xb8;
	[tilespmem:$0x980] =	vst v63  }
0x4c: {  	_ = 	snop  }
0x4d: {  	[spmem:s2] =	stream.indirect.scatter.add.f32 [tilespmem:s11], [sflag:$0x1], $0x1, s12, s10, $0xb8;
	[tilespmem:$0x980] =	vst v63  }
0x4e: {  	_ = 	snop  }
0x4f: {  	[spmem:s2] =	stream.indirect.scatter.add.f32 [tilespmem:s11], [sflag:$0x1], $0x1, s13, s10, $0xb8;
	[tilespmem:$0x980] =	vst v63  }
0x50: {  	_ = 	snop  }
0x51: {  	[spmem:s2] =	stream.indirect.scatter.add.f32 [tilespmem:s11], [sflag:$0x1], $0x1, s14, s10, $0xb8;
	[tilespmem:$0x980] =	vst v63  }
0x52: {  	_ = 	snop  }
0x53: {  	[spmem:s2] =	stream.indirect.scatter.add.f32 [tilespmem:s11], [sflag:$0x1], $0x1, s15, s10, $0xb8;
	[tilespmem:$0x980] =	vst v63  }
0x54: {  	_ = 	snop  }
0x55: {  	[spmem:s2] =	stream.indirect.scatter.add.f32 [tilespmem:s11], [sflag:$0x1], $0x1, s16, s10, $0xb8;
	[tilespmem:$0x980] =	vst v63  }
0x56: {  	_ = 	snop  }
0x57: {  	[spmem:s2] =	stream.indirect.scatter.add.f32 [tilespmem:s11], [sflag:$0x1], $0x1, s17, s10, $0xb8;
	[tilespmem:$0x980] =	vst v63  }
0x58: {  	_ = 	snop  }
0x59: {  	[spmem:s2] =	stream.indirect.scatter.add.f32 [tilespmem:s11], [sflag:$0x1], $0x1, s18, s10, $0xb8;
	[tilespmem:$0x980] =	vst v63  }
0x5a: {  	_ =	swait.ge [sflag:s19], $0x7D  }
0x5b: {  	[sflag:s19] =	ssyncset.done $0x0  }
0x5c: {  	[sflag:s19] =	ssyncadd.s32 $0xFFFFFF83  }
0x5d: {  	_ =	swait.ge [sflag:s19], $0x7D  }
0x5e: {  	[sflag:s19] =	ssyncset.done $0x0  }
0x5f: {  	[sflag:s19] =	ssyncadd.s32 $0xFFFFFF83  }
0x60: {  	_ =	swait.ge [sflag:s19], $0x7D  }
0x61: {  	[sflag:s19] =	ssyncset.done $0x0  }
0x62: {  	[sflag:s19] =	ssyncadd.s32 $0xFFFFFF83  }
0x63: {  	_ =	swait.ge [sflag:s19], $0x7D  }
0x64: {  	[sflag:s19] =	ssyncset.done $0x0  }
0x65: {  	[sflag:s19] =	ssyncadd.s32 $0xFFFFFF83  }
0x66: {  	_ =	swait.ge [sflag:s19], $0x7D  }
0x67: {  	[sflag:s19] =	ssyncset.done $0x0  }
0x68: {  	[sflag:s19] =	ssyncadd.s32 $0xFFFFFF83  }
0x69: {  	_ =	swait.ge [sflag:s19], $0x7D  }
0x6a: {  	[sflag:s19] =	ssyncset.done $0x0  }
0x6b: {  	[sflag:s19] =	ssyncadd.s32 $0xFFFFFF83  }
0x6c: {  	_ =	swait.ge [sflag:s19], $0x7D  }
0x6d: {  	[sflag:s19] =	ssyncset.done $0x0  }
0x6e: {  	[sflag:s19] =	ssyncadd.s32 $0xFFFFFF83  }
0x6f: {  	_ =	swait.ge [sflag:s19], $0x7D  }
0x70: {  	s28 =	simm.s32 $0x100;
	s25 =	simm.s32 $0x80;
	[sflag:s19] =	ssyncset.done $0x0  }
.LBB2_2:
0x71: {  	s29 =	sadd.s32 s25, s7  }
0x72: {  	[sflag:s19] =	ssyncadd.s32 $0xFFFFFF83;
	s25 =	smov.u32 s28;
	s26 =	sadd.s32 $0x80, s28  }
0x73: {  	[tilespmem:s3], [sflag:$0x2] =	stream.linear.gather [hbm4b:s29+s3], $0x400, $0x38;
	[tilespmem:$0x980] =	vst v63  }
0x74: {  	p0 =	sne.s32 s28, $0x480;
	_ =	swait.ge [sflag:s9], $0x400  }
0x75: {  	[sflag:s9] =	ssyncset.done $0x0  }
0x76: {  	[sflag:s9] =	ssyncadd.s32 $0xFFFFFC00  }
0x77: {  	[spmem:s2] =	stream.indirect.scatter.add.f32 [tilespmem:s11], [sflag:$0x1], $0x1, s3, s10, $0xb8;
	[tilespmem:$0x980] =	vst v63  }
0x78: {  	_ = 	snop  }
0x79: {  	[spmem:s2] =	stream.indirect.scatter.add.f32 [tilespmem:s11], [sflag:$0x1], $0x1, s12, s10, $0xb8;
	[tilespmem:$0x980] =	vst v63  }
0x7a: {  	_ = 	snop  }
0x7b: {  	[spmem:s2] =	stream.indirect.scatter.add.f32 [tilespmem:s11], [sflag:$0x1], $0x1, s13, s10, $0xb8;
	[tilespmem:$0x980] =	vst v63  }
0x7c: {  	_ = 	snop  }
0x7d: {  	[spmem:s2] =	stream.indirect.scatter.add.f32 [tilespmem:s11], [sflag:$0x1], $0x1, s14, s10, $0xb8;
	[tilespmem:$0x980] =	vst v63  }
0x7e: {  	_ = 	snop  }
0x7f: {  	[spmem:s2] =	stream.indirect.scatter.add.f32 [tilespmem:s11], [sflag:$0x1], $0x1, s15, s10, $0xb8;
	[tilespmem:$0x980] =	vst v63  }
0x80: {  	_ = 	snop  }
0x81: {  	[spmem:s2] =	stream.indirect.scatter.add.f32 [tilespmem:s11], [sflag:$0x1], $0x1, s16, s10, $0xb8;
	[tilespmem:$0x980] =	vst v63  }
0x82: {  	_ = 	snop  }
0x83: {  	[spmem:s2] =	stream.indirect.scatter.add.f32 [tilespmem:s11], [sflag:$0x1], $0x1, s17, s10, $0xb8;
	[tilespmem:$0x980] =	vst v63  }
0x84: {  	_ = 	snop  }
0x85: {  	[spmem:s2] =	stream.indirect.scatter.add.f32 [tilespmem:s11], [sflag:$0x1], $0x1, s18, s10, $0xb8;
	[tilespmem:$0x980] =	vst v63  }
0x86: {  	_ =	swait.ge [sflag:s19], $0x7D  }
0x87: {  	[sflag:s19] =	ssyncset.done $0x0  }
0x88: {  	[sflag:s19] =	ssyncadd.s32 $0xFFFFFF83  }
0x89: {  	_ =	swait.ge [sflag:s19], $0x7D  }
0x8a: {  	[sflag:s19] =	ssyncset.done $0x0  }
0x8b: {  	[sflag:s19] =	ssyncadd.s32 $0xFFFFFF83  }
0x8c: {  	_ =	swait.ge [sflag:s19], $0x7D  }
0x8d: {  	[sflag:s19] =	ssyncset.done $0x0  }
0x8e: {  	[sflag:s19] =	ssyncadd.s32 $0xFFFFFF83  }
0x8f: {  	_ =	swait.ge [sflag:s19], $0x7D  }
0x90: {  	[sflag:s19] =	ssyncset.done $0x0  }
0x91: {  	[sflag:s19] =	ssyncadd.s32 $0xFFFFFF83  }
0x92: {  	_ =	swait.ge [sflag:s19], $0x7D  }
0x93: {  	[sflag:s19] =	ssyncset.done $0x0  }
0x94: {  	[sflag:s19] =	ssyncadd.s32 $0xFFFFFF83  }
0x95: {  	_ =	swait.ge [sflag:s19], $0x7D  }
0x96: {  	[sflag:s19] =	ssyncset.done $0x0  }
0x97: {  	[sflag:s19] =	ssyncadd.s32 $0xFFFFFF83  }
.Ltmp0:
0x98: {  	_ =	swait.ge [sflag:s19], $0x7D;
	(pc) =	sbr.rel @p0 .LBB2_2-.Ltmp0, $4  }
0x99: {  	[sflag:s19] =	ssyncset.done $0x0  }
0x9a: {  	[sflag:s19] =	ssyncadd.s32 $0xFFFFFF83  }
0x9b: {  	_ =	swait.ge [sflag:s19], $0x7D  }
0x9c: {  	s28 =	smov.u32 s26;
	[sflag:s19] =	ssyncset.done $0x0  }
0x9d: {  	s25 =	sadd.s32 s25, s7;
	[sflag:s19] =	ssyncadd.s32 $0xFFFFFF83  }
0x9e: {  	[tilespmem:s3], [sflag:$0x2] =	stream.linear.gather [hbm4b:s25+s3], $0x400, $0x38;
	[tilespmem:$0x980] =	vst v63  }
0x9f: {  	_ =	swait.ge [sflag:s9], $0x400  }
0xa0: {  	[sflag:s9] =	ssyncset.done $0x0  }
0xa1: {  	[sflag:s9] =	ssyncadd.s32 $0xFFFFFC00  }
0xa2: {  	[spmem:s2] =	stream.indirect.scatter.add.f32 [tilespmem:s11], [sflag:$0x1], $0x1, s3, s10, $0xb8;
	[tilespmem:$0x980] =	vst v63  }
0xa3: {  	_ = 	snop  }
0xa4: {  	[spmem:s2] =	stream.indirect.scatter.add.f32 [tilespmem:s11], [sflag:$0x1], $0x1, s12, s10, $0xb8;
	[tilespmem:$0x980] =	vst v63  }
0xa5: {  	_ = 	snop  }
0xa6: {  	[spmem:s2] =	stream.indirect.scatter.add.f32 [tilespmem:s11], [sflag:$0x1], $0x1, s13, s10, $0xb8;
	[tilespmem:$0x980] =	vst v63  }
0xa7: {  	_ = 	snop  }
0xa8: {  	[spmem:s2] =	stream.indirect.scatter.add.f32 [tilespmem:s11], [sflag:$0x1], $0x1, s14, s10, $0xb8;
	[tilespmem:$0x980] =	vst v63  }
0xa9: {  	_ = 	snop  }
0xaa: {  	[spmem:s2] =	stream.indirect.scatter.add.f32 [tilespmem:s11], [sflag:$0x1], $0x1, s15, s10, $0xb8;
	[tilespmem:$0x980] =	vst v63  }
0xab: {  	_ = 	snop  }
0xac: {  	[spmem:s2] =	stream.indirect.scatter.add.f32 [tilespmem:s11], [sflag:$0x1], $0x1, s16, s10, $0xb8;
	[tilespmem:$0x980] =	vst v63  }
0xad: {  	_ = 	snop  }
0xae: {  	[spmem:s2] =	stream.indirect.scatter.add.f32 [tilespmem:s11], [sflag:$0x1], $0x1, s17, s10, $0xb8;
	[tilespmem:$0x980] =	vst v63  }
0xaf: {  	_ = 	snop  }
0xb0: {  	[spmem:s2] =	stream.indirect.scatter.add.f32 [tilespmem:s11], [sflag:$0x1], $0x1, s18, s10, $0xb8;
	[tilespmem:$0x980] =	vst v63  }
0xb1: {  	_ =	swait.ge [sflag:s19], $0x7D  }
0xb2: {  	[sflag:s19] =	ssyncset.done $0x0  }
0xb3: {  	[sflag:s19] =	ssyncadd.s32 $0xFFFFFF83  }
0xb4: {  	_ =	swait.ge [sflag:s19], $0x7D  }
0xb5: {  	[sflag:s19] =	ssyncset.done $0x0  }
0xb6: {  	[sflag:s19] =	ssyncadd.s32 $0xFFFFFF83  }
0xb7: {  	_ =	swait.ge [sflag:s19], $0x7D  }
0xb8: {  	[sflag:s19] =	ssyncset.done $0x0  }
0xb9: {  	[sflag:s19] =	ssyncadd.s32 $0xFFFFFF83  }
0xba: {  	_ =	swait.ge [sflag:s19], $0x7D  }
0xbb: {  	[sflag:s19] =	ssyncset.done $0x0  }
0xbc: {  	[sflag:s19] =	ssyncadd.s32 $0xFFFFFF83  }
0xbd: {  	_ =	swait.ge [sflag:s19], $0x7D  }
0xbe: {  	[sflag:s19] =	ssyncset.done $0x0  }
0xbf: {  	[sflag:s19] =	ssyncadd.s32 $0xFFFFFF83  }
0xc0: {  	_ =	swait.ge [sflag:s19], $0x7D  }
0xc1: {  	[sflag:s19] =	ssyncset.done $0x0  }
0xc2: {  	[sflag:s19] =	ssyncadd.s32 $0xFFFFFF83  }
0xc3: {  	_ =	swait.ge [sflag:s19], $0x7D  }
0xc4: {  	[sflag:s19] =	ssyncset.done $0x0  }
0xc5: {  	[sflag:s19] =	ssyncadd.s32 $0xFFFFFF83  }
0xc6: {  	_ =	swait.ge [sflag:s19], $0x7D  }
0xc7: {  	s24 =	sadd.s32 $0x1, s24;
	[sflag:s19] =	ssyncset.done $0x0  }
0xc8: {  	p0 =	sne.s32 s24, s6;
	[sflag:s19] =	ssyncadd.s32 $0xFFFFFF83  }
.Ltmp1:
0xc9: {  	[bflag:$0x0] =	sbarrier.arrive $0xFFFF;
	(pc) =	sbr.rel @p0 .LBB2_1-.Ltmp1, $4  }
0xca: {  	[hbm:s5@s22], [sflag:s20] =	dma.strided [spmem:s21@s23], $0x50, s19, $0x10   }
0xcb: {  	_ =	swait.ge [sflag:s9], $0x50  }
0xcc: {  	[sflag:s9] =	ssyncset.done $0x0  }
0xcd: {  	[sflag:s9] =	ssyncadd.s32 $0xFFFFFFB0  }
0xce: {  	_ =	sfence.sel $0x180000  }
0xcf: {  	[bflag:$0x0] =	sbarrier.arrive $0xFFFF  }
0xd0: {  	p0 =	sne.s32 s0, $0x0;
	_ =	strace $0x90000047  }
0xd1: {  	s0 =	sadd.s32 @!p0 $0x100000, s1;
	[bflag:$0x2] =	sbarrier.arrive $0xFFFF  }
0xd2: {  	[sflag:s0] =	ssyncadd.tile.s32 @!p0 $0x1;
	_ =	shalt  }
.Lfunc_end2:
_tile_overlayer_lowered:
.L_overlay_start_2:
0xd3: {  	(tag) =	ssettag $0x2  }
0xd4: {  	s0 =	rddreg [dreg:$0x0];
	s2 =	stileid.u32  }
0xd5: {  	s1 =	rddreg [dreg:$0x1];
	p0 =	sne.s32 s2, $0x0  }
0xd6: {  	s3 =	rddreg [dreg:$0x2];
	[bflag:$0x3] =	sbarrier.arrive $0xFFFF;
	s2 =	simm.s32 @!p0 $0x1C02  }
0xd7: {  	[timem:s3], [sflag:s2] =	dma.local @!p0 [hbm:s0], s1  }
0xd8: {  	s0 =	simm.s32 @!p0 $0x2  }
0xd9: {  	_ =	swait.ge @!p0 [sflag:s0], s1  }
0xda: {  	s1 =	ssub.s32 @!p0 $0x0, s1;
	[sflag:s0] =	ssyncset.done @!p0 $0x0  }
0xdb: {  	[sflag:s0] =	ssyncadd.s32 @!p0 s1  }
0xdc: {  	[bflag:$0x3] =	sbarrier.arrive $0xFFFF  }
0xdd: {  	_ =	shalt  }

</sc_bundles>
